<compile_context>
chip_gen: v7x
topology: tpu7x:2x2x1
jax: 0.10.2.dev20260603
libtpu: 0.0.44.dev20260713+nightly
codegen_flags: <defaults>
</compile_context>

<pallas_src>
import functools
import jax
import jax.numpy as jnp
from jax import lax
from jax.experimental import pallas as pl
from jax.experimental.pallas import tpu as pltpu
from jax.experimental.pallas import tpu_sc as plsc

_N = 10000
_NACC = 10240
_DIN = 128
_H = 64
_NT = 32
_LANES = 128
_EROWS = 2500
_STEPS = 78
_RB = 5000
_GRID = _N // _RB
_RBP = 1000
_GRIDP = (_N // 2) // _RBP

_mesh = plsc.VectorSubcoreMesh(core_axis_name="c", subcore_axis_name="s")


@functools.partial(
    pl.kernel,
    mesh=_mesh,
    out_type=jax.ShapeDtypeStruct((2, _NACC), jnp.float32),
    scratch_types=[
        pltpu.VMEM((_STEPS + 1, _LANES), jnp.int32),
        pltpu.VMEM((_NACC // 16,), jnp.float32),
        pltpu.VMEM((_LANES,), jnp.float32),
        pltpu.VMEM_SHARED((_NACC,), jnp.float32),
        pltpu.SemaphoreType.DMA,
    ],
    compiler_params=pltpu.CompilerParams(use_tc_tiling_on_sc=False),
)
def _sc_degree(e_hbm, out_hbm, idx_d, zbuf, obuf, dsh, dsem):
    cid = lax.axis_index("c")
    sid = lax.axis_index("s")
    wid = cid * 16 + sid
    stripe = _NACC // 16

    def zero_body(i, _):
        zbuf[pl.ds(i * 16, 16)] = jnp.zeros((16,), jnp.float32)
        return 0
    lax.fori_loop(0, stripe // 16, zero_body, 0)

    def ones_body(i, _):
        obuf[pl.ds(i * 16, 16)] = jnp.ones((16,), jnp.float32)
        return 0
    lax.fori_loop(0, _LANES // 16, ones_body, 0)

    pltpu.sync_copy(zbuf, dsh.at[pl.ds(sid * stripe, stripe)])
    plsc.subcore_barrier()

    pltpu.sync_copy(e_hbm.at[1, pl.ds(wid * _STEPS, _STEPS)],
                    idx_d.at[pl.ds(0, _STEPS)])

    @pl.when(wid < _EROWS - _NT * _STEPS)
    def _():
        pltpu.sync_copy(e_hbm.at[1, _NT * _STEPS + wid], idx_d.at[_STEPS])

    def acc_body(j, _):
        pltpu.async_copy(obuf, dsh.at[idx_d.at[j]], dsem, add=True)
        return 0
    lax.fori_loop(0, _STEPS, acc_body, 0)

    @pl.when(wid < _EROWS - _NT * _STEPS)
    def _():
        pltpu.async_copy(obuf, dsh.at[idx_d.at[_STEPS]], dsem, add=True)

    def drain_body(j, _):
        pltpu.make_async_copy(obuf, dsh.at[idx_d.at[j]], dsem).wait()
        return 0
    lax.fori_loop(0, _STEPS, drain_body, 0)

    @pl.when(wid < _EROWS - _NT * _STEPS)
    def _():
        pltpu.make_async_copy(obuf, dsh.at[idx_d.at[_STEPS]], dsem).wait()

    plsc.subcore_barrier()
    pltpu.sync_copy(dsh.at[pl.ds(sid * stripe, stripe)],
                    out_hbm.at[cid, pl.ds(sid * stripe, stripe)])


@functools.partial(
    pl.kernel,
    mesh=_mesh,
    out_type=jax.ShapeDtypeStruct((2, _N, _H), jnp.float32),
    scratch_types=[
        pltpu.VMEM((_STEPS + 1, _LANES), jnp.int32),
        pltpu.VMEM((_STEPS + 1, _LANES), jnp.int32),
        pltpu.VMEM((6, _LANES, _H), jnp.float32),
        pltpu.VMEM_SHARED((_NACC, _H), jnp.float32),
        [pltpu.SemaphoreType.DMA] * 6,
        [pltpu.SemaphoreType.DMA] * 6,
    ],
    compiler_params=pltpu.CompilerParams(use_tc_tiling_on_sc=False),
)
def _sc_scatter(h_hbm, e_hbm, out_hbm,
                idx_s, idx_d, rows, acc_sh, gsem, ssem):
    cid = lax.axis_index("c")
    sid = lax.axis_index("s")
    wid = cid * 16 + sid
    zstripe = _NACC // 16
    ostripe = _N // 16
    has_tail = wid < _EROWS - _NT * _STEPS

    def zero_body(i, _):
        r = i // (_H // 16)
        c = (i % (_H // 16)) * 16
        rows[0, r, pl.ds(c, 16)] = jnp.zeros((16,), jnp.float32)
        return 0
    lax.fori_loop(0, _LANES * (_H // 16), zero_body, 0)

    def zcopy_body(i, _):
        pltpu.sync_copy(rows.at[0],
                        acc_sh.at[pl.ds(sid * zstripe + i * _LANES, _LANES)])
        return 0
    lax.fori_loop(0, zstripe // _LANES, zcopy_body, 0)
    plsc.subcore_barrier()

    pltpu.sync_copy(e_hbm.at[0, pl.ds(wid * _STEPS, _STEPS)],
                    idx_s.at[pl.ds(0, _STEPS)])
    pltpu.sync_copy(e_hbm.at[1, pl.ds(wid * _STEPS, _STEPS)],
                    idx_d.at[pl.ds(0, _STEPS)])

    @pl.when(has_tail)
    def _():
        pltpu.sync_copy(e_hbm.at[0, _NT * _STEPS + wid], idx_s.at[_STEPS])
        pltpu.sync_copy(e_hbm.at[1, _NT * _STEPS + wid], idx_d.at[_STEPS])

    def outer(o, _):
        for i in range(6):
            j = o * 6 + i

            @pl.when(j < _STEPS)
            def _():
                @pl.when(j >= 6)
                def _():
                    pltpu.make_async_copy(
                        rows.at[i], acc_sh.at[idx_d.at[j - 6]],
                        ssem[i]).wait()
                pltpu.async_copy(h_hbm.at[idx_s.at[j]], rows.at[i], gsem[i])

            jj = j - 3
            bs = (i + 3) % 6

            @pl.when((0 <= jj) & (jj < _STEPS))
            def _():
                pltpu.make_async_copy(h_hbm.at[idx_s.at[jj]], rows.at[bs],
                                      gsem[bs]).wait()
                pltpu.async_copy(rows.at[bs], acc_sh.at[idx_d.at[jj]],
                                 ssem[bs], add=True)
        return 0
    lax.fori_loop(0, _STEPS // 6 + 1, outer, 0)

    for b in range(6):
        pltpu.make_async_copy(rows.at[b],
                              acc_sh.at[idx_d.at[_STEPS - 6 + b]],
                              ssem[b]).wait()

    @pl.when(has_tail)
    def _():
        pltpu.async_copy(h_hbm.at[idx_s.at[_STEPS]], rows.at[0],
                         gsem[0]).wait()
        pltpu.sync_copy(rows.at[0], acc_sh.at[idx_d.at[_STEPS]], add=True)

    plsc.subcore_barrier()
    pltpu.sync_copy(acc_sh.at[pl.ds(sid * ostripe, ostripe)],
                    out_hbm.at[cid, pl.ds(sid * ostripe, ostripe)])


def _tca_body(x_ref, w_ref, h_ref):
    h_ref[...] = jnp.dot(x_ref[...].astype(jnp.bfloat16),
                         w_ref[...].astype(jnp.bfloat16),
                         preferred_element_type=jnp.float32)


def _tca(x, W1):
    return pl.pallas_call(
        _tca_body,
        grid=(_GRID,),
        in_specs=[
            pl.BlockSpec((_RB, _DIN), lambda i: (i, 0)),
            pl.BlockSpec((_DIN, _H), lambda i: (0, 0)),
        ],
        out_specs=pl.BlockSpec((_RB, _H), lambda i: (i, 0)),
        out_shape=jax.ShapeDtypeStruct((_N, _H), jnp.float32),
    )(x, W1)


def _tcb_body(ht_ref, hb_ref, deg_ref, hp_ref):
    deg = deg_ref[0, 0] + deg_ref[1, 0] + 1.0
    dist = lax.rsqrt(deg[:, 0:1])
    disb = lax.rsqrt(deg[:, 1:2])
    hp_ref[:, 0:_H] = dist * ht_ref[...]
    hp_ref[:, _H:2 * _H] = disb * hb_ref[...]


def _tcb(h1, deg_p):
    return pl.pallas_call(
        _tcb_body,
        grid=(_GRIDP,),
        in_specs=[
            pl.BlockSpec((_RBP, _H), lambda i: (i, 0)),
            pl.BlockSpec((_RBP, _H), lambda i: (i + _GRIDP, 0)),
            pl.BlockSpec((2, 1, _RBP, 2), lambda i: (0, i, 0, 0)),
        ],
        out_specs=pl.BlockSpec((_RBP, 2 * _H), lambda i: (i, 0)),
        out_shape=jax.ShapeDtypeStruct((_N // 2, 2 * _H), jnp.float32),
    )(h1, h1, deg_p)


def _dis128(deg_ref):
    deg = deg_ref[0, 0] + deg_ref[1, 0] + 1.0
    dist = jnp.broadcast_to(lax.rsqrt(deg[:, 0:1]), (_RBP, _H))
    disb = jnp.broadcast_to(lax.rsqrt(deg[:, 1:2]), (_RBP, _H))
    return jnp.concatenate([dist, disb], axis=1)


def _tc2_body(acc_ref, hp_ref, deg_ref, b_ref, w_ref, out_ref):
    acc = acc_ref[0] + acc_ref[1] + hp_ref[...]
    dis = _dis128(deg_ref)
    z = jnp.maximum(dis * acc + b_ref[...], 0.0)
    h2 = jnp.dot(z.astype(jnp.bfloat16), w_ref[...].astype(jnp.bfloat16),
                 preferred_element_type=jnp.float32)
    out_ref[...] = dis * h2


def _tc2(acc, h1p, deg_p, b1, W2):
    return pl.pallas_call(
        _tc2_body,
        grid=(_GRIDP,),
        in_specs=[
            pl.BlockSpec((2, _RBP, 2 * _H), lambda i: (0, i, 0)),
            pl.BlockSpec((_RBP, 2 * _H), lambda i: (i, 0)),
            pl.BlockSpec((2, 1, _RBP, 2), lambda i: (0, i, 0, 0)),
            pl.BlockSpec((1, 2 * _H), lambda i: (0, 0)),
            pl.BlockSpec((2 * _H, 2 * _H), lambda i: (0, 0)),
        ],
        out_specs=pl.BlockSpec((_RBP, 2 * _H), lambda i: (i, 0)),
        out_shape=jax.ShapeDtypeStruct((_N // 2, 2 * _H), jnp.float32),
    )(acc, h1p, deg_p, b1, W2)


def _tc3_body(acc_ref, hp_ref, deg_ref, b_ref, lw_ref, lb_ref, out_ref,
              pool_ref):
    i = pl.program_id(0)
    acc = acc_ref[0] + acc_ref[1] + hp_ref[...]
    dis = _dis128(deg_ref)
    z = jnp.maximum(dis * acc + b_ref[...], 0.0)
    part = jnp.sum(z, axis=0, keepdims=True)

    @pl.when(i == 0)
    def _():
        pool_ref[...] = part

    @pl.when(i > 0)
    def _():
        pool_ref[...] += part

    @pl.when(i == _GRIDP - 1)
    def _():
        pooled = (pool_ref[0:1, 0:_H] + pool_ref[0:1, _H:2 * _H]) * (1.0 / _N)
        out_ref[...] = jnp.dot(pooled.astype(jnp.bfloat16),
                               lw_ref[...].astype(jnp.bfloat16),
                               preferred_element_type=jnp.float32
                               ) + lb_ref[...]


def _tc3(acc, h2p, deg_p, b2, lin_W, lin_b):
    return pl.pallas_call(
        _tc3_body,
        grid=(_GRIDP,),
        in_specs=[
            pl.BlockSpec((2, _RBP, 2 * _H), lambda i: (0, i, 0)),
            pl.BlockSpec((_RBP, 2 * _H), lambda i: (i, 0)),
            pl.BlockSpec((2, 1, _RBP, 2), lambda i: (0, i, 0, 0)),
            pl.BlockSpec((1, 2 * _H), lambda i: (0, 0)),
            pl.BlockSpec((_H, 2), lambda i: (0, 0)),
            pl.BlockSpec((1, 2), lambda i: (0, 0)),
        ],
        out_specs=pl.BlockSpec((1, 2), lambda i: (0, 0)),
        out_shape=jax.ShapeDtypeStruct((1, 2), jnp.float32),
        scratch_shapes=[pltpu.VMEM((1, 2 * _H), jnp.float32)],
    )(acc, h2p, deg_p, b2, lin_W, lin_b)


def kernel(x, edge_index, batch, W1, b1, W2, b2, lin_W, lin_b):
    half = _N // 2
    pe = jnp.where(edge_index < half, edge_index * 2,
                   (edge_index - half) * 2 + 1)
    e3 = pe.reshape(2, _EROWS, _LANES)

    deg2 = _sc_degree(e3)
    h1 = _tca(x, W1)
    deg_p = deg2[:, :_N].reshape(2, _GRIDP, _RBP, 2)
    h1p = _tcb(h1, deg_p)
    acc1 = _sc_scatter(h1p.reshape(_N, _H), e3)
    acc1p = acc1.reshape(2, _N // 2, 2 * _H)
    b1p = jnp.concatenate([b1, b1]).reshape(1, 2 * _H)
    W2b = jax.scipy.linalg.block_diag(W2, W2)
    h2p = _tc2(acc1p, h1p, deg_p, b1p, W2b)
    acc2 = _sc_scatter(h2p.reshape(_N, _H), e3)
    acc2p = acc2.reshape(2, _N // 2, 2 * _H)
    b2p = jnp.concatenate([b2, b2]).reshape(1, 2 * _H)
    return _tc3(acc2p, h2p, deg_p, b2p, lin_W, lin_b.reshape(1, 2))

# --- scband reference (transcript-rebuilt; emitter-appended) ---
"""Pipeline reference for scband-gcn-65197603553732 (READ-ONLY COPY).

The authoritative reference and input builder live on the scoring server;
editing this copy changes nothing except your own understanding.
"""

import jax, jax.numpy as jnp
import numpy as np

N = 10000
E = 320000
D_IN = 128
H = 64
OUT = 2


def setup_inputs(seed: int = 0) -> dict:
    key = jax.random.key(seed)
    ks = jax.random.split(key, 8)
    x = jax.random.normal(ks[0], (N, D_IN), dtype=jnp.float32)
    edge_index = jax.random.randint(ks[1], (2, E), 0, N, dtype=jnp.int32)
    batch = jnp.zeros((N,), dtype=jnp.int32)
    W1 = jax.random.normal(ks[2], (D_IN, H), dtype=jnp.float32) * (1.0 / np.sqrt(D_IN))
    b1 = jnp.zeros((H,), dtype=jnp.float32)
    W2 = jax.random.normal(ks[3], (H, H), dtype=jnp.float32) * (1.0 / np.sqrt(H))
    b2 = jnp.zeros((H,), dtype=jnp.float32)
    lin_W = jax.random.normal(ks[4], (H, OUT), dtype=jnp.float32) * (1.0 / np.sqrt(H))
    lin_b = jnp.zeros((OUT,), dtype=jnp.float32)
    return {"x": x, "edge_index": edge_index, "batch": batch,
            "W1": W1, "b1": b1, "W2": W2, "b2": b2,
            "lin_W": lin_W, "lin_b": lin_b}


def _gcn_conv(x, src, dst, W, b, num_nodes):
    # GCNConv with self-loops already appended to src/dst:
    # out = D^{-1/2} A_hat D^{-1/2} (x @ W) + b
    h = x @ W
    deg = jnp.zeros((num_nodes,), jnp.float32).at[dst].add(1.0)
    dis = jnp.where(deg > 0, 1.0 / jnp.sqrt(jnp.maximum(deg, 1.0)), 0.0)
    norm = dis[src] * dis[dst]
    msgs = h[src] * norm[:, None]
    out = jnp.zeros((num_nodes, h.shape[1]), jnp.float32).at[dst].add(msgs)
    return out + b


def reference(x, edge_index, batch, W1, b1, W2, b2, lin_W, lin_b):
    num_nodes = x.shape[0]
    loop = jnp.arange(num_nodes, dtype=edge_index.dtype)
    src = jnp.concatenate([edge_index[0], loop])
    dst = jnp.concatenate([edge_index[1], loop])
    h = jax.nn.relu(_gcn_conv(x, src, dst, W1, b1, num_nodes))
    h = jax.nn.relu(_gcn_conv(h, src, dst, W2, b2, num_nodes))
    # AdaptiveAvgPool1d(1) over the node dimension == mean over nodes -> [1, H]
    pooled = jnp.mean(h, axis=0, keepdims=True)
    return pooled @ lin_W + lin_b

if __name__ == "__main__":
    import jax
    _d = setup_inputs()
    print(jax.jit(kernel)(*tuple(_d.values())))

</pallas_src>

<mosaic_0001>
#map = affine_map<(d0, d1) -> (0, 0, 0)>
#map1 = affine_map<(d0, d1) -> (0, 0)>
module attributes {stable_mosaic.version = 14 : i64} {
  func.func @_sc_degree(%arg0: i32, %arg1: i32, %arg2: memref<2x2500x128xi32, #tpu.memory_space<hbm>>, %arg3: memref<2x10240xf32, #tpu.memory_space<hbm>>, %arg4: memref<79x128xi32, #tpu.memory_space<vmem>>, %arg5: memref<640xf32, #tpu.memory_space<vmem>>, %arg6: memref<128xf32, #tpu.memory_space<vmem>>, %arg7: memref<10240xf32, #tpu.memory_space<vmem_shared>>, %arg8: memref<!tpu.dma_semaphore, #tpu.memory_space<semaphore_mem>>) attributes {dimension_semantics = [#tpu.dimension_semantics<core_parallel>, #tpu.dimension_semantics<subcore_parallel>], iteration_bounds = array<i64: 2, 16>, scalar_prefetch = 0 : i64, scratch_operands = 5 : i64, tpu.core_type = #tpu.core_type<sc_vector_subcore>, window_params = [{transform_indices = #map}, {transform_indices = #map1}]} {
    %mul3A = arith.constant 16 : i32
    %mul3A_0 = arith.muli %arg0, %mul3A : i32
    %add3A = arith.addi %mul3A_0, %arg1 : i32
    %scan3A = arith.constant 0 : i32
    %scan3A_1 = arith.constant 0 : i32
    %scan3A_2 = arith.constant 40 : i32
    %scan3A_3 = arith.addi %scan3A_1, %scan3A_2 : i32
    %scan3A_4 = arith.constant 1 : i32
    %scan3A_5 = scf.for %scan3A_49 = %scan3A_1 to %scan3A_3 step %scan3A_4 iter_args(%scan3A_50 = %scan3A) -> (i32)  : i32 {
      %broadcast_in_dim3A = arith.constant 0.000000e+00 : f32
      %broadcast_in_dim3A_51 = vector.broadcast %broadcast_in_dim3A : f32 to vector<16xf32>
      %mul3A_52 = arith.constant 16 : i32
      %mul3A_53 = arith.muli %scan3A_49, %mul3A_52 : i32
      %swap3A = arith.index_cast %mul3A_53 : i32 to index
      %swap3A_54 = tpu.vector_load %arg5[%swap3A] {strides = array<i32>} : memref<640xf32, #tpu.memory_space<vmem>>, vector<16xf32>,
      %swap3A_55 = vector.shape_cast %swap3A_54 : vector<16xf32> to vector<16xf32>
      %swap3A_56 = vector.shape_cast %broadcast_in_dim3A_51 : vector<16xf32> to vector<16xf32>
      tpu.vector_store %arg5[%swap3A], %swap3A_56 {strides = array<i32>} : memref<640xf32, #tpu.memory_space<vmem>>, vector<16xf32>,
      %scan3A_57 = arith.constant 0 : i32
      scf.yield %scan3A_57 : i32
    }
    %scan3A_6 = arith.constant 40 : i32
    %scan3A_7 = arith.constant 0 : i32
    %scan3A_8 = arith.constant 0 : i32
    %scan3A_9 = arith.constant 8 : i32
    %scan3A_10 = arith.addi %scan3A_8, %scan3A_9 : i32
    %scan3A_11 = arith.constant 1 : i32
    %scan3A_12 = scf.for %scan3A_49 = %scan3A_8 to %scan3A_10 step %scan3A_11 iter_args(%scan3A_50 = %scan3A_7) -> (i32)  : i32 {
      %broadcast_in_dim3A = arith.constant 1.000000e+00 : f32
      %broadcast_in_dim3A_51 = vector.broadcast %broadcast_in_dim3A : f32 to vector<16xf32>
      %mul3A_52 = arith.constant 16 : i32
      %mul3A_53 = arith.muli %scan3A_49, %mul3A_52 : i32
      %swap3A = arith.index_cast %mul3A_53 : i32 to index
      %swap3A_54 = tpu.vector_load %arg6[%swap3A] {strides = array<i32>} : memref<128xf32, #tpu.memory_space<vmem>>, vector<16xf32>,
      %swap3A_55 = vector.shape_cast %swap3A_54 : vector<16xf32> to vector<16xf32>
      %swap3A_56 = vector.shape_cast %broadcast_in_dim3A_51 : vector<16xf32> to vector<16xf32>
      tpu.vector_store %arg6[%swap3A], %swap3A_56 {strides = array<i32>} : memref<128xf32, #tpu.memory_space<vmem>>, vector<16xf32>,
      %scan3A_57 = arith.constant 0 : i32
      scf.yield %scan3A_57 : i32
    }
    %scan3A_13 = arith.constant 8 : i32
    %mul3A_14 = arith.constant 640 : i32
    %mul3A_15 = arith.muli %arg1, %mul3A_14 : i32
    "tpu.region"() ({
      %run_scoped3A_49 = tpu.sem_alloc : memref<!tpu.dma_semaphore, #tpu.memory_space<semaphore_mem>>
      %dma_start3A = tpu.memref_slice %arg7[%mul3A_15] : memref<10240xf32, #tpu.memory_space<vmem_shared>> -> memref<640xf32, #tpu.memory_space<vmem_shared>>
      %dma_start3A_50 = tpu.memref_slice %arg7[%mul3A_15] : memref<10240xf32, #tpu.memory_space<vmem_shared>> -> memref<640xf32, #tpu.memory_space<vmem_shared>>
      tpu.enqueue_dma source(%arg5 : memref<640xf32, #tpu.memory_space<vmem>>) target(%dma_start3A_50 : memref<640xf32, #tpu.memory_space<vmem_shared>>) target_semaphore(%run_scoped3A_49 : memref<!tpu.dma_semaphore, #tpu.memory_space<semaphore_mem>>)
      %dma_wait3A = tpu.memref_slice %arg7[%mul3A_15] : memref<10240xf32, #tpu.memory_space<vmem_shared>> -> memref<640xf32, #tpu.memory_space<vmem_shared>>
      %dma_wait3A_51 = tpu.memref_slice %arg7[%mul3A_15] : memref<10240xf32, #tpu.memory_space<vmem_shared>> -> memref<640xf32, #tpu.memory_space<vmem_shared>>
      tpu.wait_dma2 semaphore(%run_scoped3A_49 : memref<!tpu.dma_semaphore, #tpu.memory_space<semaphore_mem>>) src(%arg5 : memref<640xf32, #tpu.memory_space<vmem>>) dst(%dma_wait3A_51 : memref<640xf32, #tpu.memory_space<vmem_shared>>)
      tpu.yield
    }) : () -> ()
    %barrier3A = arith.constant 0 : index
    tpu.barrier barrier_id(%barrier3A)
    %mul3A_16 = arith.constant 78 : i32
    %mul3A_17 = arith.muli %add3A, %mul3A_16 : i32
    %run_scoped3A = arith.constant 1 : i32
    "tpu.region"() ({
      %run_scoped3A_49 = tpu.sem_alloc : memref<!tpu.dma_semaphore, #tpu.memory_space<semaphore_mem>>
      %dma_start3A = arith.constant 0 : i32
      %dma_start3A_50 = arith.constant 0 : i32
      %dma_start3A_51 = tpu.memref_slice %arg4[%dma_start3A, %dma_start3A_50] : memref<79x128xi32, #tpu.memory_space<vmem>> -> memref<78x128xi32, #tpu.memory_space<vmem>>
      %dma_start3A_52 = arith.constant 0 : i32
      %dma_start3A_53 = tpu.memref_slice %arg2[%run_scoped3A, %mul3A_17, %dma_start3A_52] : memref<2x2500x128xi32, #tpu.memory_space<hbm>> -> memref<1x78x128xi32, #tpu.memory_space<hbm>>
      %dma_start3A_54 = tpu.memref_squeeze %dma_start3A_53 : memref<1x78x128xi32, #tpu.memory_space<hbm>> -> memref<78x128xi32, #tpu.memory_space<hbm>>
      %dma_start3A_55 = arith.constant 0 : i32
      %dma_start3A_56 = arith.constant 0 : i32
      %dma_start3A_57 = tpu.memref_slice %arg4[%dma_start3A_55, %dma_start3A_56] : memref<79x128xi32, #tpu.memory_space<vmem>> -> memref<78x128xi32, #tpu.memory_space<vmem>>
      %dma_start3A_58 = arith.constant 0 : i32
      %dma_start3A_59 = tpu.memref_slice %arg2[%run_scoped3A, %mul3A_17, %dma_start3A_58] : memref<2x2500x128xi32, #tpu.memory_space<hbm>> -> memref<1x78x128xi32, #tpu.memory_space<hbm>>
      %dma_start3A_60 = tpu.memref_squeeze %dma_start3A_59 : memref<1x78x128xi32, #tpu.memory_space<hbm>> -> memref<78x128xi32, #tpu.memory_space<hbm>>
      tpu.enqueue_dma source(%dma_start3A_60 : memref<78x128xi32, #tpu.memory_space<hbm>>) target(%dma_start3A_57 : memref<78x128xi32, #tpu.memory_space<vmem>>) target_semaphore(%run_scoped3A_49 : memref<!tpu.dma_semaphore, #tpu.memory_space<semaphore_mem>>)
      %dma_wait3A = arith.constant 0 : i32
      %dma_wait3A_61 = arith.constant 0 : i32
      %dma_wait3A_62 = tpu.memref_slice %arg4[%dma_wait3A, %dma_wait3A_61] : memref<79x128xi32, #tpu.memory_space<vmem>> -> memref<78x128xi32, #tpu.memory_space<vmem>>
      %dma_wait3A_63 = arith.constant 0 : i32
      %dma_wait3A_64 = tpu.memref_slice %arg2[%run_scoped3A, %mul3A_17, %dma_wait3A_63] : memref<2x2500x128xi32, #tpu.memory_space<hbm>> -> memref<1x78x128xi32, #tpu.memory_space<hbm>>
      %dma_wait3A_65 = tpu.memref_squeeze %dma_wait3A_64 : memref<1x78x128xi32, #tpu.memory_space<hbm>> -> memref<78x128xi32, #tpu.memory_space<hbm>>
      %dma_wait3A_66 = arith.constant 0 : i32
      %dma_wait3A_67 = arith.constant 0 : i32
      %dma_wait3A_68 = tpu.memref_slice %arg4[%dma_wait3A_66, %dma_wait3A_67] : memref<79x128xi32, #tpu.memory_space<vmem>> -> memref<78x128xi32, #tpu.memory_space<vmem>>
      %dma_wait3A_69 = arith.constant 0 : i32
      %dma_wait3A_70 = tpu.memref_slice %arg2[%run_scoped3A, %mul3A_17, %dma_wait3A_69] : memref<2x2500x128xi32, #tpu.memory_space<hbm>> -> memref<1x78x128xi32, #tpu.memory_space<hbm>>
      %dma_wait3A_71 = tpu.memref_squeeze %dma_wait3A_70 : memref<1x78x128xi32, #tpu.memory_space<hbm>> -> memref<78x128xi32, #tpu.memory_space<hbm>>
      tpu.wait_dma2 semaphore(%run_scoped3A_49 : memref<!tpu.dma_semaphore, #tpu.memory_space<semaphore_mem>>) src(%dma_wait3A_71 : memref<78x128xi32, #tpu.memory_space<hbm>>) dst(%dma_wait3A_68 : memref<78x128xi32, #tpu.memory_space<vmem>>)
      tpu.yield
    }) : () -> ()
    %lt3A = arith.constant 4 : i32
    %lt3A_18 = arith.cmpi slt, %add3A, %lt3A : i32
    %convert_element_type3A = arith.extui %lt3A_18 : i1 to i32
    %cond3A = arith.constant 0 : i32
    %cond3A_19 = arith.cmpi ne, %convert_element_type3A, %cond3A : i32
    scf.if %cond3A_19 {
      %add3A_49 = arith.constant 2496 : i32
      %add3A_50 = arith.addi %add3A_49, %add3A : i32
      %run_scoped3A_51 = arith.constant 1 : i32
      %run_scoped3A_52 = arith.constant 78 : i32
      "tpu.region"() ({
        %run_scoped3A_53 = tpu.sem_alloc : memref<!tpu.dma_semaphore, #tpu.memory_space<semaphore_mem>>
        %dma_start3A = arith.constant 0 : i32
        %dma_start3A_54 = tpu.memref_slice %arg4[%run_scoped3A_52, %dma_start3A] : memref<79x128xi32, #tpu.memory_space<vmem>> -> memref<1x128xi32, #tpu.memory_space<vmem>>
        %dma_start3A_55 = tpu.memref_squeeze %dma_start3A_54 : memref<1x128xi32, #tpu.memory_space<vmem>> -> memref<128xi32, #tpu.memory_space<vmem>>
        %dma_start3A_56 = arith.constant 0 : i32
        %dma_start3A_57 = tpu.memref_slice %arg2[%run_scoped3A_51, %add3A_50, %dma_start3A_56] : memref<2x2500x128xi32, #tpu.memory_space<hbm>> -> memref<1x1x128xi32, #tpu.memory_space<hbm>>
        %dma_start3A_58 = tpu.memref_squeeze %dma_start3A_57 : memref<1x1x128xi32, #tpu.memory_space<hbm>> -> memref<128xi32, #tpu.memory_space<hbm>>
        %dma_start3A_59 = arith.constant 0 : i32
        %dma_start3A_60 = tpu.memref_slice %arg4[%run_scoped3A_52, %dma_start3A_59] : memref<79x128xi32, #tpu.memory_space<vmem>> -> memref<1x128xi32, #tpu.memory_space<vmem>>
        %dma_start3A_61 = tpu.memref_squeeze %dma_start3A_60 : memref<1x128xi32, #tpu.memory_space<vmem>> -> memref<128xi32, #tpu.memory_space<vmem>>
        %dma_start3A_62 = arith.constant 0 : i32
        %dma_start3A_63 = tpu.memref_slice %arg2[%run_scoped3A_51, %add3A_50, %dma_start3A_62] : memref<2x2500x128xi32, #tpu.memory_space<hbm>> -> memref<1x1x128xi32, #tpu.memory_space<hbm>>
        %dma_start3A_64 = tpu.memref_squeeze %dma_start3A_63 : memref<1x1x128xi32, #tpu.memory_space<hbm>> -> memref<128xi32, #tpu.memory_space<hbm>>
        tpu.enqueue_dma source(%dma_start3A_64 : memref<128xi32, #tpu.memory_space<hbm>>) target(%dma_start3A_61 : memref<128xi32, #tpu.memory_space<vmem>>) target_semaphore(%run_scoped3A_53 : memref<!tpu.dma_semaphore, #tpu.memory_space<semaphore_mem>>)
        %dma_wait3A = arith.constant 0 : i32
        %dma_wait3A_65 = tpu.memref_slice %arg4[%run_scoped3A_52, %dma_wait3A] : memref<79x128xi32, #tpu.memory_space<vmem>> -> memref<1x128xi32, #tpu.memory_space<vmem>>
        %dma_wait3A_66 = tpu.memref_squeeze %dma_wait3A_65 : memref<1x128xi32, #tpu.memory_space<vmem>> -> memref<128xi32, #tpu.memory_space<vmem>>
        %dma_wait3A_67 = arith.constant 0 : i32
        %dma_wait3A_68 = tpu.memref_slice %arg2[%run_scoped3A_51, %add3A_50, %dma_wait3A_67] : memref<2x2500x128xi32, #tpu.memory_space<hbm>> -> memref<1x1x128xi32, #tpu.memory_space<hbm>>
        %dma_wait3A_69 = tpu.memref_squeeze %dma_wait3A_68 : memref<1x1x128xi32, #tpu.memory_space<hbm>> -> memref<128xi32, #tpu.memory_space<hbm>>
        %dma_wait3A_70 = arith.constant 0 : i32
        %dma_wait3A_71 = tpu.memref_slice %arg4[%run_scoped3A_52, %dma_wait3A_70] : memref<79x128xi32, #tpu.memory_space<vmem>> -> memref<1x128xi32, #tpu.memory_space<vmem>>
        %dma_wait3A_72 = tpu.memref_squeeze %dma_wait3A_71 : memref<1x128xi32, #tpu.memory_space<vmem>> -> memref<128xi32, #tpu.memory_space<vmem>>
        %dma_wait3A_73 = arith.constant 0 : i32
        %dma_wait3A_74 = tpu.memref_slice %arg2[%run_scoped3A_51, %add3A_50, %dma_wait3A_73] : memref<2x2500x128xi32, #tpu.memory_space<hbm>> -> memref<1x1x128xi32, #tpu.memory_space<hbm>>
        %dma_wait3A_75 = tpu.memref_squeeze %dma_wait3A_74 : memref<1x1x128xi32, #tpu.memory_space<hbm>> -> memref<128xi32, #tpu.memory_space<hbm>>
        tpu.wait_dma2 semaphore(%run_scoped3A_53 : memref<!tpu.dma_semaphore, #tpu.memory_space<semaphore_mem>>) src(%dma_wait3A_75 : memref<128xi32, #tpu.memory_space<hbm>>) dst(%dma_wait3A_72 : memref<128xi32, #tpu.memory_space<vmem>>)
        tpu.yield
      }) : () -> ()
    } else {
    }
    %scan3A_20 = arith.constant 0 : i32
    %scan3A_21 = arith.constant 0 : i32
    %scan3A_22 = arith.constant 78 : i32
    %scan3A_23 = arith.addi %scan3A_21, %scan3A_22 : i32
    %scan3A_24 = arith.constant 1 : i32
    %scan3A_25 = scf.for %scan3A_49 = %scan3A_21 to %scan3A_23 step %scan3A_24 iter_args(%scan3A_50 = %scan3A_20) -> (i32)  : i32 {
      %dma_start3A = arith.constant 0 : i32
      %dma_start3A_51 = tpu.memref_slice %arg4[%scan3A_49, %dma_start3A] : memref<79x128xi32, #tpu.memory_space<vmem>> -> memref<1x128xi32, #tpu.memory_space<vmem>>
      %dma_start3A_52 = tpu.memref_squeeze %dma_start3A_51 : memref<1x128xi32, #tpu.memory_space<vmem>> -> memref<128xi32, #tpu.memory_space<vmem>>
      %dma_start3A_53 = arith.constant 0 : i32
      %dma_start3A_54 = tpu.memref_slice %arg7[%dma_start3A_53] : memref<10240xf32, #tpu.memory_space<vmem_shared>> -> memref<10240xf32, #tpu.memory_space<vmem_shared>>
      tpu.enqueue_indirect_dma source(%arg6 : memref<128xf32, #tpu.memory_space<vmem>>) target(%dma_start3A_54 : memref<10240xf32, #tpu.memory_space<vmem_shared>>) offsets(%dma_start3A_52 : memref<128xi32, #tpu.memory_space<vmem>>) semaphore(%arg8 : memref<!tpu.dma_semaphore, #tpu.memory_space<semaphore_mem>>) {add = true}
      %scan3A_55 = arith.constant 0 : i32
      scf.yield %scan3A_55 : i32
    }
    %scan3A_26 = arith.constant 78 : i32
    %lt3A_27 = arith.constant 4 : i32
    %lt3A_28 = arith.cmpi slt, %add3A, %lt3A_27 : i32
    %convert_element_type3A_29 = arith.extui %lt3A_28 : i1 to i32
    %cond3A_30 = arith.constant 0 : i32
    %cond3A_31 = arith.cmpi ne, %convert_element_type3A_29, %cond3A_30 : i32
    scf.if %cond3A_31 {
      %dma_start3A = arith.constant 78 : i32
      %dma_start3A_49 = arith.constant 0 : i32
      %dma_start3A_50 = tpu.memref_slice %arg4[%dma_start3A, %dma_start3A_49] : memref<79x128xi32, #tpu.memory_space<vmem>> -> memref<1x128xi32, #tpu.memory_space<vmem>>
      %dma_start3A_51 = tpu.memref_squeeze %dma_start3A_50 : memref<1x128xi32, #tpu.memory_space<vmem>> -> memref<128xi32, #tpu.memory_space<vmem>>
      %dma_start3A_52 = arith.constant 0 : i32
      %dma_start3A_53 = tpu.memref_slice %arg7[%dma_start3A_52] : memref<10240xf32, #tpu.memory_space<vmem_shared>> -> memref<10240xf32, #tpu.memory_space<vmem_shared>>
      tpu.enqueue_indirect_dma source(%arg6 : memref<128xf32, #tpu.memory_space<vmem>>) target(%dma_start3A_53 : memref<10240xf32, #tpu.memory_space<vmem_shared>>) offsets(%dma_start3A_51 : memref<128xi32, #tpu.memory_space<vmem>>) semaphore(%arg8 : memref<!tpu.dma_semaphore, #tpu.memory_space<semaphore_mem>>) {add = true}
    } else {
    }
    %scan3A_32 = arith.constant 0 : i32
    %scan3A_33 = arith.constant 0 : i32
    %scan3A_34 = arith.constant 78 : i32
    %scan3A_35 = arith.addi %scan3A_33, %scan3A_34 : i32
    %scan3A_36 = arith.constant 1 : i32
    %scan3A_37 = scf.for %scan3A_49 = %scan3A_33 to %scan3A_35 step %scan3A_36 iter_args(%scan3A_50 = %scan3A_32) -> (i32)  : i32 {
      %dma_wait3A = arith.constant 0 : i32
      %dma_wait3A_51 = tpu.memref_slice %arg4[%scan3A_49, %dma_wait3A] : memref<79x128xi32, #tpu.memory_space<vmem>> -> memref<1x128xi32, #tpu.memory_space<vmem>>
      %dma_wait3A_52 = tpu.memref_squeeze %dma_wait3A_51 : memref<1x128xi32, #tpu.memory_space<vmem>> -> memref<128xi32, #tpu.memory_space<vmem>>
      %dma_wait3A_53 = arith.constant 0 : i32
      %dma_wait3A_54 = tpu.memref_slice %arg7[%dma_wait3A_53] : memref<10240xf32, #tpu.memory_space<vmem_shared>> -> memref<10240xf32, #tpu.memory_space<vmem_shared>>
      tpu.wait_indirect_dma semaphore(%arg8 : memref<!tpu.dma_semaphore, #tpu.memory_space<semaphore_mem>>) src(%arg6 : memref<128xf32, #tpu.memory_space<vmem>>) dst(%dma_wait3A_54 : memref<10240xf32, #tpu.memory_space<vmem_shared>>)
      %scan3A_55 = arith.constant 0 : i32
      scf.yield %scan3A_55 : i32
    }
    %scan3A_38 = arith.constant 78 : i32
    %lt3A_39 = arith.constant 4 : i32
    %lt3A_40 = arith.cmpi slt, %add3A, %lt3A_39 : i32
    %convert_element_type3A_41 = arith.extui %lt3A_40 : i1 to i32
    %cond3A_42 = arith.constant 0 : i32
    %cond3A_43 = arith.cmpi ne, %convert_element_type3A_41, %cond3A_42 : i32
    scf.if %cond3A_43 {
      %dma_wait3A = arith.constant 78 : i32
      %dma_wait3A_49 = arith.constant 0 : i32
      %dma_wait3A_50 = tpu.memref_slice %arg4[%dma_wait3A, %dma_wait3A_49] : memref<79x128xi32, #tpu.memory_space<vmem>> -> memref<1x128xi32, #tpu.memory_space<vmem>>
      %dma_wait3A_51 = tpu.memref_squeeze %dma_wait3A_50 : memref<1x128xi32, #tpu.memory_space<vmem>> -> memref<128xi32, #tpu.memory_space<vmem>>
      %dma_wait3A_52 = arith.constant 0 : i32
      %dma_wait3A_53 = tpu.memref_slice %arg7[%dma_wait3A_52] : memref<10240xf32, #tpu.memory_space<vmem_shared>> -> memref<10240xf32, #tpu.memory_space<vmem_shared>>
      tpu.wait_indirect_dma semaphore(%arg8 : memref<!tpu.dma_semaphore, #tpu.memory_space<semaphore_mem>>) src(%arg6 : memref<128xf32, #tpu.memory_space<vmem>>) dst(%dma_wait3A_53 : memref<10240xf32, #tpu.memory_space<vmem_shared>>)
    } else {
    }
    %barrier3A_44 = arith.constant 0 : index
    tpu.barrier barrier_id(%barrier3A_44)
    %mul3A_45 = arith.constant 640 : i32
    %mul3A_46 = arith.muli %arg1, %mul3A_45 : i32
    %mul3A_47 = arith.constant 640 : i32
    %mul3A_48 = arith.muli %arg1, %mul3A_47 : i32
    "tpu.region"() ({
      %run_scoped3A_49 = tpu.sem_alloc : memref<!tpu.dma_semaphore, #tpu.memory_space<semaphore_mem>>
      %dma_start3A = tpu.memref_slice %arg3[%arg0, %mul3A_48] : memref<2x10240xf32, #tpu.memory_space<hbm>> -> memref<1x640xf32, #tpu.memory_space<hbm>>
      %dma_start3A_50 = tpu.memref_squeeze %dma_start3A : memref<1x640xf32, #tpu.memory_space<hbm>> -> memref<640xf32, #tpu.memory_space<hbm>>
      %dma_start3A_51 = tpu.memref_slice %arg7[%mul3A_46] : memref<10240xf32, #tpu.memory_space<vmem_shared>> -> memref<640xf32, #tpu.memory_space<vmem_shared>>
      tpu.enqueue_dma source(%dma_start3A_51 : memref<640xf32, #tpu.memory_space<vmem_shared>>) target(%dma_start3A_50 : memref<640xf32, #tpu.memory_space<hbm>>) target_semaphore(%run_scoped3A_49 : memref<!tpu.dma_semaphore, #tpu.memory_space<semaphore_mem>>)
      %dma_wait3A = tpu.memref_slice %arg3[%arg0, %mul3A_48] : memref<2x10240xf32, #tpu.memory_space<hbm>> -> memref<1x640xf32, #tpu.memory_space<hbm>>
      %dma_wait3A_52 = tpu.memref_squeeze %dma_wait3A : memref<1x640xf32, #tpu.memory_space<hbm>> -> memref<640xf32, #tpu.memory_space<hbm>>
      %dma_wait3A_53 = tpu.memref_slice %arg7[%mul3A_46] : memref<10240xf32, #tpu.memory_space<vmem_shared>> -> memref<640xf32, #tpu.memory_space<vmem_shared>>
      tpu.wait_dma2 semaphore(%run_scoped3A_49 : memref<!tpu.dma_semaphore, #tpu.memory_space<semaphore_mem>>) src(%dma_wait3A_53 : memref<640xf32, #tpu.memory_space<vmem_shared>>) dst(%dma_wait3A_52 : memref<640xf32, #tpu.memory_space<hbm>>)
      tpu.yield
    }) : () -> ()
    return
  }
}

#map = affine_map<(d0, d1) -> (0, 0)>
#map1 = affine_map<(d0, d1) -> (0, 0, 0)>
module attributes {stable_mosaic.version = 14 : i64} {
  func.func @_sc_scatter(%arg0: i32, %arg1: i32, %arg2: memref<10000x64xf32, #tpu.memory_space<hbm>>, %arg3: memref<2x2500x128xi32, #tpu.memory_space<hbm>>, %arg4: memref<2x10000x64xf32, #tpu.memory_space<hbm>>, %arg5: memref<79x128xi32, #tpu.memory_space<vmem>>, %arg6: memref<79x128xi32, #tpu.memory_space<vmem>>, %arg7: memref<6x128x64xf32, #tpu.memory_space<vmem>>, %arg8: memref<10240x64xf32, #tpu.memory_space<vmem_shared>>, %arg9: memref<!tpu.dma_semaphore, #tpu.memory_space<semaphore_mem>>, %arg10: memref<!tpu.dma_semaphore, #tpu.memory_space<semaphore_mem>>, %arg11: memref<!tpu.dma_semaphore, #tpu.memory_space<semaphore_mem>>, %arg12: memref<!tpu.dma_semaphore, #tpu.memory_space<semaphore_mem>>, %arg13: memref<!tpu.dma_semaphore, #tpu.memory_space<semaphore_mem>>, %arg14: memref<!tpu.dma_semaphore, #tpu.memory_space<semaphore_mem>>, %arg15: memref<!tpu.dma_semaphore, #tpu.memory_space<semaphore_mem>>, %arg16: memref<!tpu.dma_semaphore, #tpu.memory_space<semaphore_mem>>, %arg17: memref<!tpu.dma_semaphore, #tpu.memory_space<semaphore_mem>>, %arg18: memref<!tpu.dma_semaphore, #tpu.memory_space<semaphore_mem>>, %arg19: memref<!tpu.dma_semaphore, #tpu.memory_space<semaphore_mem>>, %arg20: memref<!tpu.dma_semaphore, #tpu.memory_space<semaphore_mem>>) attributes {dimension_semantics = [#tpu.dimension_semantics<core_parallel>, #tpu.dimension_semantics<subcore_parallel>], iteration_bounds = array<i64: 2, 16>, scalar_prefetch = 0 : i64, scratch_operands = 16 : i64, tpu.core_type = #tpu.core_type<sc_vector_subcore>, window_params = [{transform_indices = #map}, {transform_indices = #map1}, {transform_indices = #map1}]} {
    %mul3A = arith.constant 16 : i32
    %mul3A_0 = arith.muli %arg0, %mul3A : i32
    %add3A = arith.addi %mul3A_0, %arg1 : i32
    %lt3A = arith.constant 4 : i32
    %lt3A_1 = arith.cmpi slt, %add3A, %lt3A : i32
    %scan3A = arith.constant 0 : i32
    %scan3A_2 = arith.constant 0 : i32
    %scan3A_3 = arith.constant 512 : i32
    %scan3A_4 = arith.addi %scan3A_2, %scan3A_3 : i32
    %scan3A_5 = arith.constant 1 : i32
    %scan3A_6 = scf.for %scan3A_107 = %scan3A_2 to %scan3A_4 step %scan3A_5 iter_args(%scan3A_108 = %scan3A) -> (i32)  : i32 {
      %jit3A = arith.constant 4 : i32
      %div3A = arith.divsi %scan3A_107, %jit3A : i32
      %sign3A = arith.constant 0 : i32
      %sign3A_109 = arith.cmpi sgt, %scan3A_107, %sign3A : i32
      %sign3A_110 = arith.extui %sign3A_109 : i1 to i32
      %sign3A_111 = arith.constant 0 : i32
      %sign3A_112 = arith.cmpi slt, %scan3A_107, %sign3A_111 : i32
      %sign3A_113 = arith.extui %sign3A_112 : i1 to i32
      %sign3A_114 = arith.subi %sign3A_110, %sign3A_113 : i32
      %sign3A_115 = arith.constant 0 : i32
      %sign3A_116 = arith.cmpi sgt, %jit3A, %sign3A_115 : i32
      %sign3A_117 = arith.extui %sign3A_116 : i1 to i32
      %sign3A_118 = arith.constant 0 : i32
      %sign3A_119 = arith.cmpi slt, %jit3A, %sign3A_118 : i32
      %sign3A_120 = arith.extui %sign3A_119 : i1 to i32
      %sign3A_121 = arith.subi %sign3A_117, %sign3A_120 : i32
      %ne3A = arith.cmpi ne, %sign3A_114, %sign3A_121 : i32
      %rem3A = arith.remsi %scan3A_107, %jit3A : i32
      %ne3A_122 = arith.constant 0 : i32
      %ne3A_123 = arith.cmpi ne, %rem3A, %ne3A_122 : i32
      %and3A = arith.andi %ne3A, %ne3A_123 : i1
      %sub3A = arith.constant 1 : i32
      %sub3A_124 = arith.subi %div3A, %sub3A : i32
      %select_n3A = arith.select %and3A, %sub3A_124, %div3A : i32
      %jit3A_125 = arith.constant 4 : i32
      %eq3A = arith.constant 0 : i32
      %eq3A_126 = arith.cmpi eq, %jit3A_125, %eq3A : i32
      %jit3A_127 = arith.constant 1 : i32
      %select_n3A_128 = arith.select %eq3A_126, %jit3A_127, %jit3A_125 : i32
      %rem3A_129 = arith.remsi %scan3A_107, %select_n3A_128 : i32
      %ne3A_130 = arith.constant 0 : i32
      %ne3A_131 = arith.cmpi ne, %rem3A_129, %ne3A_130 : i32
      %lt3A_132 = arith.constant 0 : i32
      %lt3A_133 = arith.cmpi slt, %rem3A_129, %lt3A_132 : i32
      %lt3A_134 = arith.constant 0 : i32
      %lt3A_135 = arith.cmpi slt, %select_n3A_128, %lt3A_134 : i32
      %ne3A_136 = arith.xori %lt3A_133, %lt3A_135 : i1
      %and3A_137 = arith.andi %ne3A_136, %ne3A_131 : i1
      %add3A_138 = arith.addi %rem3A_129, %select_n3A_128 : i32
      %select_n3A_139 = arith.select %and3A_137, %add3A_138, %rem3A_129 : i32
      %mul3A_140 = arith.constant 16 : i32
      %mul3A_141 = arith.muli %select_n3A_139, %mul3A_140 : i32
      %broadcast_in_dim3A = arith.constant 0.000000e+00 : f32
      %broadcast_in_dim3A_142 = vector.broadcast %broadcast_in_dim3A : f32 to vector<16xf32>
      %swap3A = arith.constant 0 : i32
      %swap3A_143 = arith.index_cast %swap3A : i32 to index
      %swap3A_144 = arith.index_cast %select_n3A : i32 to index
      %swap3A_145 = arith.index_cast %mul3A_141 : i32 to index
      %swap3A_146 = tpu.vector_load %arg7[%swap3A_143, %swap3A_144, %swap3A_145] {strides = array<i32>} : memref<6x128x64xf32, #tpu.memory_space<vmem>>, vector<1x1x16xf32>,
      %swap3A_147 = vector.shape_cast %swap3A_146 : vector<1x1x16xf32> to vector<16xf32>
      %swap3A_148 = vector.shape_cast %broadcast_in_dim3A_142 : vector<16xf32> to vector<1x1x16xf32>
      tpu.vector_store %arg7[%swap3A_143, %swap3A_144, %swap3A_145], %swap3A_148 {strides = array<i32>} : memref<6x128x64xf32, #tpu.memory_space<vmem>>, vector<1x1x16xf32>,
      %scan3A_149 = arith.constant 0 : i32
      scf.yield %scan3A_149 : i32
    }
    %scan3A_7 = arith.constant 512 : i32
    %scan3A_8 = arith.constant 0 : i32
    %scan3A_9 = arith.constant 0 : i32
    %scan3A_10 = arith.constant 5 : i32
    %scan3A_11 = arith.addi %scan3A_9, %scan3A_10 : i32
    %scan3A_12 = arith.constant 1 : i32
    %scan3A_13 = scf.for %scan3A_107 = %scan3A_9 to %scan3A_11 step %scan3A_12 iter_args(%scan3A_108 = %scan3A_8) -> (i32)  : i32 {
      %mul3A_109 = arith.constant 640 : i32
      %mul3A_110 = arith.muli %arg1, %mul3A_109 : i32
      %mul3A_111 = arith.constant 128 : i32
      %mul3A_112 = arith.muli %scan3A_107, %mul3A_111 : i32
      %add3A_113 = arith.addi %mul3A_110, %mul3A_112 : i32
      %run_scoped3A_114 = arith.constant 0 : i32
      "tpu.region"() ({
        %run_scoped3A_116 = tpu.sem_alloc : memref<!tpu.dma_semaphore, #tpu.memory_space<semaphore_mem>>
        %dma_start3A = arith.constant 0 : i32
        %dma_start3A_117 = arith.constant 0 : i32
        %dma_start3A_118 = tpu.memref_slice %arg7[%run_scoped3A_114, %dma_start3A, %dma_start3A_117] : memref<6x128x64xf32, #tpu.memory_space<vmem>> -> memref<1x128x64xf32, #tpu.memory_space<vmem>>
        %dma_start3A_119 = tpu.memref_squeeze %dma_start3A_118 : memref<1x128x64xf32, #tpu.memory_space<vmem>> -> memref<128x64xf32, #tpu.memory_space<vmem>>
        %dma_start3A_120 = arith.constant 0 : i32
        %dma_start3A_121 = tpu.memref_slice %arg8[%add3A_113, %dma_start3A_120] : memref<10240x64xf32, #tpu.memory_space<vmem_shared>> -> memref<128x64xf32, #tpu.memory_space<vmem_shared>>
        %dma_start3A_122 = arith.constant 0 : i32
        %dma_start3A_123 = tpu.memref_slice %arg8[%add3A_113, %dma_start3A_122] : memref<10240x64xf32, #tpu.memory_space<vmem_shared>> -> memref<128x64xf32, #tpu.memory_space<vmem_shared>>
        %dma_start3A_124 = arith.constant 0 : i32
        %dma_start3A_125 = arith.constant 0 : i32
        %dma_start3A_126 = tpu.memref_slice %arg7[%run_scoped3A_114, %dma_start3A_124, %dma_start3A_125] : memref<6x128x64xf32, #tpu.memory_space<vmem>> -> memref<1x128x64xf32, #tpu.memory_space<vmem>>
        %dma_start3A_127 = tpu.memref_squeeze %dma_start3A_126 : memref<1x128x64xf32, #tpu.memory_space<vmem>> -> memref<128x64xf32, #tpu.memory_space<vmem>>
        tpu.enqueue_dma source(%dma_start3A_127 : memref<128x64xf32, #tpu.memory_space<vmem>>) target(%dma_start3A_123 : memref<128x64xf32, #tpu.memory_space<vmem_shared>>) target_semaphore(%run_scoped3A_116 : memref<!tpu.dma_semaphore, #tpu.memory_space<semaphore_mem>>)
        %dma_wait3A_128 = arith.constant 0 : i32
        %dma_wait3A_129 = arith.constant 0 : i32
        %dma_wait3A_130 = tpu.memref_slice %arg7[%run_scoped3A_114, %dma_wait3A_128, %dma_wait3A_129] : memref<6x128x64xf32, #tpu.memory_space<vmem>> -> memref<1x128x64xf32, #tpu.memory_space<vmem>>
        %dma_wait3A_131 = tpu.memref_squeeze %dma_wait3A_130 : memref<1x128x64xf32, #tpu.memory_space<vmem>> -> memref<128x64xf32, #tpu.memory_space<vmem>>
        %dma_wait3A_132 = arith.constant 0 : i32
        %dma_wait3A_133 = tpu.memref_slice %arg8[%add3A_113, %dma_wait3A_132] : memref<10240x64xf32, #tpu.memory_space<vmem_shared>> -> memref<128x64xf32, #tpu.memory_space<vmem_shared>>
        %dma_wait3A_134 = arith.constant 0 : i32
        %dma_wait3A_135 = tpu.memref_slice %arg8[%add3A_113, %dma_wait3A_134] : memref<10240x64xf32, #tpu.memory_space<vmem_shared>> -> memref<128x64xf32, #tpu.memory_space<vmem_shared>>
        %dma_wait3A_136 = arith.constant 0 : i32
        %dma_wait3A_137 = arith.constant 0 : i32
        %dma_wait3A_138 = tpu.memref_slice %arg7[%run_scoped3A_114, %dma_wait3A_136, %dma_wait3A_137] : memref<6x128x64xf32, #tpu.memory_space<vmem>> -> memref<1x128x64xf32, #tpu.memory_space<vmem>>
        %dma_wait3A_139 = tpu.memref_squeeze %dma_wait3A_138 : memref<1x128x64xf32, #tpu.memory_space<vmem>> -> memref<128x64xf32, #tpu.memory_space<vmem>>
        tpu.wait_dma2 semaphore(%run_scoped3A_116 : memref<!tpu.dma_semaphore, #tpu.memory_space<semaphore_mem>>) src(%dma_wait3A_139 : memref<128x64xf32, #tpu.memory_space<vmem>>) dst(%dma_wait3A_135 : memref<128x64xf32, #tpu.memory_space<vmem_shared>>)
        tpu.yield
      }) : () -> ()
      %scan3A_115 = arith.constant 0 : i32
      scf.yield %scan3A_115 : i32
    }
    %scan3A_14 = arith.constant 5 : i32
    %barrier3A = arith.constant 0 : index
    tpu.barrier barrier_id(%barrier3A)
    %mul3A_15 = arith.constant 78 : i32
    %mul3A_16 = arith.muli %add3A, %mul3A_15 : i32
    %run_scoped3A = arith.constant 0 : i32
    "tpu.region"() ({
      %run_scoped3A_107 = tpu.sem_alloc : memref<!tpu.dma_semaphore, #tpu.memory_space<semaphore_mem>>
      %dma_start3A = arith.constant 0 : i32
      %dma_start3A_108 = arith.constant 0 : i32
      %dma_start3A_109 = tpu.memref_slice %arg5[%dma_start3A, %dma_start3A_108] : memref<79x128xi32, #tpu.memory_space<vmem>> -> memref<78x128xi32, #tpu.memory_space<vmem>>
      %dma_start3A_110 = arith.constant 0 : i32
      %dma_start3A_111 = tpu.memref_slice %arg3[%run_scoped3A, %mul3A_16, %dma_start3A_110] : memref<2x2500x128xi32, #tpu.memory_space<hbm>> -> memref<1x78x128xi32, #tpu.memory_space<hbm>>
      %dma_start3A_112 = tpu.memref_squeeze %dma_start3A_111 : memref<1x78x128xi32, #tpu.memory_space<hbm>> -> memref<78x128xi32, #tpu.memory_space<hbm>>
      %dma_start3A_113 = arith.constant 0 : i32
      %dma_start3A_114 = arith.constant 0 : i32
      %dma_start3A_115 = tpu.memref_slice %arg5[%dma_start3A_113, %dma_start3A_114] : memref<79x128xi32, #tpu.memory_space<vmem>> -> memref<78x128xi32, #tpu.memory_space<vmem>>
      %dma_start3A_116 = arith.constant 0 : i32
      %dma_start3A_117 = tpu.memref_slice %arg3[%run_scoped3A, %mul3A_16, %dma_start3A_116] : memref<2x2500x128xi32, #tpu.memory_space<hbm>> -> memref<1x78x128xi32, #tpu.memory_space<hbm>>
      %dma_start3A_118 = tpu.memref_squeeze %dma_start3A_117 : memref<1x78x128xi32, #tpu.memory_space<hbm>> -> memref<78x128xi32, #tpu.memory_space<hbm>>
      tpu.enqueue_dma source(%dma_start3A_118 : memref<78x128xi32, #tpu.memory_space<hbm>>) target(%dma_start3A_115 : memref<78x128xi32, #tpu.memory_space<vmem>>) target_semaphore(%run_scoped3A_107 : memref<!tpu.dma_semaphore, #tpu.memory_space<semaphore_mem>>)
      %dma_wait3A_119 = arith.constant 0 : i32
      %dma_wait3A_120 = arith.constant 0 : i32
      %dma_wait3A_121 = tpu.memref_slice %arg5[%dma_wait3A_119, %dma_wait3A_120] : memref<79x128xi32, #tpu.memory_space<vmem>> -> memref<78x128xi32, #tpu.memory_space<vmem>>
      %dma_wait3A_122 = arith.constant 0 : i32
      %dma_wait3A_123 = tpu.memref_slice %arg3[%run_scoped3A, %mul3A_16, %dma_wait3A_122] : memref<2x2500x128xi32, #tpu.memory_space<hbm>> -> memref<1x78x128xi32, #tpu.memory_space<hbm>>
      %dma_wait3A_124 = tpu.memref_squeeze %dma_wait3A_123 : memref<1x78x128xi32, #tpu.memory_space<hbm>> -> memref<78x128xi32, #tpu.memory_space<hbm>>
      %dma_wait3A_125 = arith.constant 0 : i32
      %dma_wait3A_126 = arith.constant 0 : i32
      %dma_wait3A_127 = tpu.memref_slice %arg5[%dma_wait3A_125, %dma_wait3A_126] : memref<79x128xi32, #tpu.memory_space<vmem>> -> memref<78x128xi32, #tpu.memory_space<vmem>>
      %dma_wait3A_128 = arith.constant 0 : i32
      %dma_wait3A_129 = tpu.memref_slice %arg3[%run_scoped3A, %mul3A_16, %dma_wait3A_128] : memref<2x2500x128xi32, #tpu.memory_space<hbm>> -> memref<1x78x128xi32, #tpu.memory_space<hbm>>
      %dma_wait3A_130 = tpu.memref_squeeze %dma_wait3A_129 : memref<1x78x128xi32, #tpu.memory_space<hbm>> -> memref<78x128xi32, #tpu.memory_space<hbm>>
      tpu.wait_dma2 semaphore(%run_scoped3A_107 : memref<!tpu.dma_semaphore, #tpu.memory_space<semaphore_mem>>) src(%dma_wait3A_130 : memref<78x128xi32, #tpu.memory_space<hbm>>) dst(%dma_wait3A_127 : memref<78x128xi32, #tpu.memory_space<vmem>>)
      tpu.yield
    }) : () -> ()
    %mul3A_17 = arith.constant 78 : i32
    %mul3A_18 = arith.muli %add3A, %mul3A_17 : i32
    %run_scoped3A_19 = arith.constant 1 : i32
    "tpu.region"() ({
      %run_scoped3A_107 = tpu.sem_alloc : memref<!tpu.dma_semaphore, #tpu.memory_space<semaphore_mem>>
      %dma_start3A = arith.constant 0 : i32
      %dma_start3A_108 = arith.constant 0 : i32
      %dma_start3A_109 = tpu.memref_slice %arg6[%dma_start3A, %dma_start3A_108] : memref<79x128xi32, #tpu.memory_space<vmem>> -> memref<78x128xi32, #tpu.memory_space<vmem>>
      %dma_start3A_110 = arith.constant 0 : i32
      %dma_start3A_111 = tpu.memref_slice %arg3[%run_scoped3A_19, %mul3A_18, %dma_start3A_110] : memref<2x2500x128xi32, #tpu.memory_space<hbm>> -> memref<1x78x128xi32, #tpu.memory_space<hbm>>
      %dma_start3A_112 = tpu.memref_squeeze %dma_start3A_111 : memref<1x78x128xi32, #tpu.memory_space<hbm>> -> memref<78x128xi32, #tpu.memory_space<hbm>>
      %dma_start3A_113 = arith.constant 0 : i32
      %dma_start3A_114 = arith.constant 0 : i32
      %dma_start3A_115 = tpu.memref_slice %arg6[%dma_start3A_113, %dma_start3A_114] : memref<79x128xi32, #tpu.memory_space<vmem>> -> memref<78x128xi32, #tpu.memory_space<vmem>>
      %dma_start3A_116 = arith.constant 0 : i32
      %dma_start3A_117 = tpu.memref_slice %arg3[%run_scoped3A_19, %mul3A_18, %dma_start3A_116] : memref<2x2500x128xi32, #tpu.memory_space<hbm>> -> memref<1x78x128xi32, #tpu.memory_space<hbm>>
      %dma_start3A_118 = tpu.memref_squeeze %dma_start3A_117 : memref<1x78x128xi32, #tpu.memory_space<hbm>> -> memref<78x128xi32, #tpu.memory_space<hbm>>
      tpu.enqueue_dma source(%dma_start3A_118 : memref<78x128xi32, #tpu.memory_space<hbm>>) target(%dma_start3A_115 : memref<78x128xi32, #tpu.memory_space<vmem>>) target_semaphore(%run_scoped3A_107 : memref<!tpu.dma_semaphore, #tpu.memory_space<semaphore_mem>>)
      %dma_wait3A_119 = arith.constant 0 : i32
      %dma_wait3A_120 = arith.constant 0 : i32
      %dma_wait3A_121 = tpu.memref_slice %arg6[%dma_wait3A_119, %dma_wait3A_120] : memref<79x128xi32, #tpu.memory_space<vmem>> -> memref<78x128xi32, #tpu.memory_space<vmem>>
      %dma_wait3A_122 = arith.constant 0 : i32
      %dma_wait3A_123 = tpu.memref_slice %arg3[%run_scoped3A_19, %mul3A_18, %dma_wait3A_122] : memref<2x2500x128xi32, #tpu.memory_space<hbm>> -> memref<1x78x128xi32, #tpu.memory_space<hbm>>
      %dma_wait3A_124 = tpu.memref_squeeze %dma_wait3A_123 : memref<1x78x128xi32, #tpu.memory_space<hbm>> -> memref<78x128xi32, #tpu.memory_space<hbm>>
      %dma_wait3A_125 = arith.constant 0 : i32
      %dma_wait3A_126 = arith.constant 0 : i32
      %dma_wait3A_127 = tpu.memref_slice %arg6[%dma_wait3A_125, %dma_wait3A_126] : memref<79x128xi32, #tpu.memory_space<vmem>> -> memref<78x128xi32, #tpu.memory_space<vmem>>
      %dma_wait3A_128 = arith.constant 0 : i32
      %dma_wait3A_129 = tpu.memref_slice %arg3[%run_scoped3A_19, %mul3A_18, %dma_wait3A_128] : memref<2x2500x128xi32, #tpu.memory_space<hbm>> -> memref<1x78x128xi32, #tpu.memory_space<hbm>>
      %dma_wait3A_130 = tpu.memref_squeeze %dma_wait3A_129 : memref<1x78x128xi32, #tpu.memory_space<hbm>> -> memref<78x128xi32, #tpu.memory_space<hbm>>
      tpu.wait_dma2 semaphore(%run_scoped3A_107 : memref<!tpu.dma_semaphore, #tpu.memory_space<semaphore_mem>>) src(%dma_wait3A_130 : memref<78x128xi32, #tpu.memory_space<hbm>>) dst(%dma_wait3A_127 : memref<78x128xi32, #tpu.memory_space<vmem>>)
      tpu.yield
    }) : () -> ()
    %convert_element_type3A = arith.extui %lt3A_1 : i1 to i32
    %cond3A = arith.constant 0 : i32
    %cond3A_20 = arith.cmpi ne, %convert_element_type3A, %cond3A : i32
    scf.if %cond3A_20 {
      %add3A_107 = arith.constant 2496 : i32
      %add3A_108 = arith.addi %add3A_107, %add3A : i32
      %run_scoped3A_109 = arith.constant 0 : i32
      %run_scoped3A_110 = arith.constant 78 : i32
      "tpu.region"() ({
        %run_scoped3A_115 = tpu.sem_alloc : memref<!tpu.dma_semaphore, #tpu.memory_space<semaphore_mem>>
        %dma_start3A = arith.constant 0 : i32
        %dma_start3A_116 = tpu.memref_slice %arg5[%run_scoped3A_110, %dma_start3A] : memref<79x128xi32, #tpu.memory_space<vmem>> -> memref<1x128xi32, #tpu.memory_space<vmem>>
        %dma_start3A_117 = tpu.memref_squeeze %dma_start3A_116 : memref<1x128xi32, #tpu.memory_space<vmem>> -> memref<128xi32, #tpu.memory_space<vmem>>
        %dma_start3A_118 = arith.constant 0 : i32
        %dma_start3A_119 = tpu.memref_slice %arg3[%run_scoped3A_109, %add3A_108, %dma_start3A_118] : memref<2x2500x128xi32, #tpu.memory_space<hbm>> -> memref<1x1x128xi32, #tpu.memory_space<hbm>>
        %dma_start3A_120 = tpu.memref_squeeze %dma_start3A_119 : memref<1x1x128xi32, #tpu.memory_space<hbm>> -> memref<128xi32, #tpu.memory_space<hbm>>
        %dma_start3A_121 = arith.constant 0 : i32
        %dma_start3A_122 = tpu.memref_slice %arg5[%run_scoped3A_110, %dma_start3A_121] : memref<79x128xi32, #tpu.memory_space<vmem>> -> memref<1x128xi32, #tpu.memory_space<vmem>>
        %dma_start3A_123 = tpu.memref_squeeze %dma_start3A_122 : memref<1x128xi32, #tpu.memory_space<vmem>> -> memref<128xi32, #tpu.memory_space<vmem>>
        %dma_start3A_124 = arith.constant 0 : i32
        %dma_start3A_125 = tpu.memref_slice %arg3[%run_scoped3A_109, %add3A_108, %dma_start3A_124] : memref<2x2500x128xi32, #tpu.memory_space<hbm>> -> memref<1x1x128xi32, #tpu.memory_space<hbm>>
        %dma_start3A_126 = tpu.memref_squeeze %dma_start3A_125 : memref<1x1x128xi32, #tpu.memory_space<hbm>> -> memref<128xi32, #tpu.memory_space<hbm>>
        tpu.enqueue_dma source(%dma_start3A_126 : memref<128xi32, #tpu.memory_space<hbm>>) target(%dma_start3A_123 : memref<128xi32, #tpu.memory_space<vmem>>) target_semaphore(%run_scoped3A_115 : memref<!tpu.dma_semaphore, #tpu.memory_space<semaphore_mem>>)
        %dma_wait3A_127 = arith.constant 0 : i32
        %dma_wait3A_128 = tpu.memref_slice %arg5[%run_scoped3A_110, %dma_wait3A_127] : memref<79x128xi32, #tpu.memory_space<vmem>> -> memref<1x128xi32, #tpu.memory_space<vmem>>
        %dma_wait3A_129 = tpu.memref_squeeze %dma_wait3A_128 : memref<1x128xi32, #tpu.memory_space<vmem>> -> memref<128xi32, #tpu.memory_space<vmem>>
        %dma_wait3A_130 = arith.constant 0 : i32
        %dma_wait3A_131 = tpu.memref_slice %arg3[%run_scoped3A_109, %add3A_108, %dma_wait3A_130] : memref<2x2500x128xi32, #tpu.memory_space<hbm>> -> memref<1x1x128xi32, #tpu.memory_space<hbm>>
        %dma_wait3A_132 = tpu.memref_squeeze %dma_wait3A_131 : memref<1x1x128xi32, #tpu.memory_space<hbm>> -> memref<128xi32, #tpu.memory_space<hbm>>
        %dma_wait3A_133 = arith.constant 0 : i32
        %dma_wait3A_134 = tpu.memref_slice %arg5[%run_scoped3A_110, %dma_wait3A_133] : memref<79x128xi32, #tpu.memory_space<vmem>> -> memref<1x128xi32, #tpu.memory_space<vmem>>
        %dma_wait3A_135 = tpu.memref_squeeze %dma_wait3A_134 : memref<1x128xi32, #tpu.memory_space<vmem>> -> memref<128xi32, #tpu.memory_space<vmem>>
        %dma_wait3A_136 = arith.constant 0 : i32
        %dma_wait3A_137 = tpu.memref_slice %arg3[%run_scoped3A_109, %add3A_108, %dma_wait3A_136] : memref<2x2500x128xi32, #tpu.memory_space<hbm>> -> memref<1x1x128xi32, #tpu.memory_space<hbm>>
        %dma_wait3A_138 = tpu.memref_squeeze %dma_wait3A_137 : memref<1x1x128xi32, #tpu.memory_space<hbm>> -> memref<128xi32, #tpu.memory_space<hbm>>
        tpu.wait_dma2 semaphore(%run_scoped3A_115 : memref<!tpu.dma_semaphore, #tpu.memory_space<semaphore_mem>>) src(%dma_wait3A_138 : memref<128xi32, #tpu.memory_space<hbm>>) dst(%dma_wait3A_135 : memref<128xi32, #tpu.memory_space<vmem>>)
        tpu.yield
      }) : () -> ()
      %add3A_111 = arith.constant 2496 : i32
      %add3A_112 = arith.addi %add3A_111, %add3A : i32
      %run_scoped3A_113 = arith.constant 1 : i32
      %run_scoped3A_114 = arith.constant 78 : i32
      "tpu.region"() ({
        %run_scoped3A_115 = tpu.sem_alloc : memref<!tpu.dma_semaphore, #tpu.memory_space<semaphore_mem>>
        %dma_start3A = arith.constant 0 : i32
        %dma_start3A_116 = tpu.memref_slice %arg6[%run_scoped3A_114, %dma_start3A] : memref<79x128xi32, #tpu.memory_space<vmem>> -> memref<1x128xi32, #tpu.memory_space<vmem>>
        %dma_start3A_117 = tpu.memref_squeeze %dma_start3A_116 : memref<1x128xi32, #tpu.memory_space<vmem>> -> memref<128xi32, #tpu.memory_space<vmem>>
        %dma_start3A_118 = arith.constant 0 : i32
        %dma_start3A_119 = tpu.memref_slice %arg3[%run_scoped3A_113, %add3A_112, %dma_start3A_118] : memref<2x2500x128xi32, #tpu.memory_space<hbm>> -> memref<1x1x128xi32, #tpu.memory_space<hbm>>
        %dma_start3A_120 = tpu.memref_squeeze %dma_start3A_119 : memref<1x1x128xi32, #tpu.memory_space<hbm>> -> memref<128xi32, #tpu.memory_space<hbm>>
        %dma_start3A_121 = arith.constant 0 : i32
        %dma_start3A_122 = tpu.memref_slice %arg6[%run_scoped3A_114, %dma_start3A_121] : memref<79x128xi32, #tpu.memory_space<vmem>> -> memref<1x128xi32, #tpu.memory_space<vmem>>
        %dma_start3A_123 = tpu.memref_squeeze %dma_start3A_122 : memref<1x128xi32, #tpu.memory_space<vmem>> -> memref<128xi32, #tpu.memory_space<vmem>>
        %dma_start3A_124 = arith.constant 0 : i32
        %dma_start3A_125 = tpu.memref_slice %arg3[%run_scoped3A_113, %add3A_112, %dma_start3A_124] : memref<2x2500x128xi32, #tpu.memory_space<hbm>> -> memref<1x1x128xi32, #tpu.memory_space<hbm>>
        %dma_start3A_126 = tpu.memref_squeeze %dma_start3A_125 : memref<1x1x128xi32, #tpu.memory_space<hbm>> -> memref<128xi32, #tpu.memory_space<hbm>>
        tpu.enqueue_dma source(%dma_start3A_126 : memref<128xi32, #tpu.memory_space<hbm>>) target(%dma_start3A_123 : memref<128xi32, #tpu.memory_space<vmem>>) target_semaphore(%run_scoped3A_115 : memref<!tpu.dma_semaphore, #tpu.memory_space<semaphore_mem>>)
        %dma_wait3A_127 = arith.constant 0 : i32
        %dma_wait3A_128 = tpu.memref_slice %arg6[%run_scoped3A_114, %dma_wait3A_127] : memref<79x128xi32, #tpu.memory_space<vmem>> -> memref<1x128xi32, #tpu.memory_space<vmem>>
        %dma_wait3A_129 = tpu.memref_squeeze %dma_wait3A_128 : memref<1x128xi32, #tpu.memory_space<vmem>> -> memref<128xi32, #tpu.memory_space<vmem>>
        %dma_wait3A_130 = arith.constant 0 : i32
        %dma_wait3A_131 = tpu.memref_slice %arg3[%run_scoped3A_113, %add3A_112, %dma_wait3A_130] : memref<2x2500x128xi32, #tpu.memory_space<hbm>> -> memref<1x1x128xi32, #tpu.memory_space<hbm>>
        %dma_wait3A_132 = tpu.memref_squeeze %dma_wait3A_131 : memref<1x1x128xi32, #tpu.memory_space<hbm>> -> memref<128xi32, #tpu.memory_space<hbm>>
        %dma_wait3A_133 = arith.constant 0 : i32
        %dma_wait3A_134 = tpu.memref_slice %arg6[%run_scoped3A_114, %dma_wait3A_133] : memref<79x128xi32, #tpu.memory_space<vmem>> -> memref<1x128xi32, #tpu.memory_space<vmem>>
        %dma_wait3A_135 = tpu.memref_squeeze %dma_wait3A_134 : memref<1x128xi32, #tpu.memory_space<vmem>> -> memref<128xi32, #tpu.memory_space<vmem>>
        %dma_wait3A_136 = arith.constant 0 : i32
        %dma_wait3A_137 = tpu.memref_slice %arg3[%run_scoped3A_113, %add3A_112, %dma_wait3A_136] : memref<2x2500x128xi32, #tpu.memory_space<hbm>> -> memref<1x1x128xi32, #tpu.memory_space<hbm>>
        %dma_wait3A_138 = tpu.memref_squeeze %dma_wait3A_137 : memref<1x1x128xi32, #tpu.memory_space<hbm>> -> memref<128xi32, #tpu.memory_space<hbm>>
        tpu.wait_dma2 semaphore(%run_scoped3A_115 : memref<!tpu.dma_semaphore, #tpu.memory_space<semaphore_mem>>) src(%dma_wait3A_138 : memref<128xi32, #tpu.memory_space<hbm>>) dst(%dma_wait3A_135 : memref<128xi32, #tpu.memory_space<vmem>>)
        tpu.yield
      }) : () -> ()
    } else {
    }
    %scan3A_21 = arith.constant 0 : i32
    %scan3A_22 = arith.constant 0 : i32
    %scan3A_23 = arith.constant 14 : i32
    %scan3A_24 = arith.addi %scan3A_22, %scan3A_23 : i32
    %scan3A_25 = arith.constant 1 : i32
    %scan3A_26 = scf.for %scan3A_107 = %scan3A_22 to %scan3A_24 step %scan3A_25 iter_args(%scan3A_108 = %scan3A_21) -> (i32)  : i32 {
      %mul3A_109 = arith.constant 6 : i32
      %mul3A_110 = arith.muli %scan3A_107, %mul3A_109 : i32
      %add3A_111 = arith.constant 0 : i32
      %add3A_112 = arith.addi %mul3A_110, %add3A_111 : i32
      %lt3A_113 = arith.constant 78 : i32
      %lt3A_114 = arith.cmpi slt, %add3A_112, %lt3A_113 : i32
      %convert_element_type3A_115 = arith.extui %lt3A_114 : i1 to i32
      %cond3A_116 = arith.constant 0 : i32
      %cond3A_117 = arith.cmpi ne, %convert_element_type3A_115, %cond3A_116 : i32
      scf.if %cond3A_117 {
        %ge3A_221 = arith.constant 6 : i32
        %ge3A_222 = arith.cmpi sge, %add3A_112, %ge3A_221 : i32
        %convert_element_type3A_223 = arith.extui %ge3A_222 : i1 to i32
        %cond3A_224 = arith.constant 0 : i32
        %cond3A_225 = arith.cmpi ne, %convert_element_type3A_223, %cond3A_224 : i32
        scf.if %cond3A_225 {
          %sub3A_236 = arith.constant 6 : i32
          %sub3A_237 = arith.subi %add3A_112, %sub3A_236 : i32
          %dma_wait3A_238 = arith.constant 0 : i32
          %dma_wait3A_239 = arith.constant 0 : i32
          %dma_wait3A_240 = arith.constant 0 : i32
          %dma_wait3A_241 = tpu.memref_slice %arg7[%dma_wait3A_238, %dma_wait3A_239, %dma_wait3A_240] : memref<6x128x64xf32, #tpu.memory_space<vmem>> -> memref<1x128x64xf32, #tpu.memory_space<vmem>>
          %dma_wait3A_242 = tpu.memref_squeeze %dma_wait3A_241 : memref<1x128x64xf32, #tpu.memory_space<vmem>> -> memref<128x64xf32, #tpu.memory_space<vmem>>
          %dma_wait3A_243 = arith.constant 0 : i32
          %dma_wait3A_244 = tpu.memref_slice %arg6[%sub3A_237, %dma_wait3A_243] : memref<79x128xi32, #tpu.memory_space<vmem>> -> memref<1x128xi32, #tpu.memory_space<vmem>>
          %dma_wait3A_245 = tpu.memref_squeeze %dma_wait3A_244 : memref<1x128xi32, #tpu.memory_space<vmem>> -> memref<128xi32, #tpu.memory_space<vmem>>
          %dma_wait3A_246 = arith.constant 0 : i32
          %dma_wait3A_247 = arith.constant 0 : i32
          %dma_wait3A_248 = tpu.memref_slice %arg8[%dma_wait3A_246, %dma_wait3A_247] : memref<10240x64xf32, #tpu.memory_space<vmem_shared>> -> memref<10240x64xf32, #tpu.memory_space<vmem_shared>>
          tpu.wait_indirect_dma semaphore(%arg15 : memref<!tpu.dma_semaphore, #tpu.memory_space<semaphore_mem>>) src(%dma_wait3A_242 : memref<128x64xf32, #tpu.memory_space<vmem>>) dst(%dma_wait3A_248 : memref<10240x64xf32, #tpu.memory_space<vmem_shared>>)
        } else {
        }
        %dma_start3A = arith.constant 0 : i32
        %dma_start3A_226 = arith.constant 0 : i32
        %dma_start3A_227 = arith.constant 0 : i32
        %dma_start3A_228 = tpu.memref_slice %arg7[%dma_start3A, %dma_start3A_226, %dma_start3A_227] : memref<6x128x64xf32, #tpu.memory_space<vmem>> -> memref<1x128x64xf32, #tpu.memory_space<vmem>>
        %dma_start3A_229 = tpu.memref_squeeze %dma_start3A_228 : memref<1x128x64xf32, #tpu.memory_space<vmem>> -> memref<128x64xf32, #tpu.memory_space<vmem>>
        %dma_start3A_230 = arith.constant 0 : i32
        %dma_start3A_231 = tpu.memref_slice %arg5[%add3A_112, %dma_start3A_230] : memref<79x128xi32, #tpu.memory_space<vmem>> -> memref<1x128xi32, #tpu.memory_space<vmem>>
        %dma_start3A_232 = tpu.memref_squeeze %dma_start3A_231 : memref<1x128xi32, #tpu.memory_space<vmem>> -> memref<128xi32, #tpu.memory_space<vmem>>
        %dma_start3A_233 = arith.constant 0 : i32
        %dma_start3A_234 = arith.constant 0 : i32
        %dma_start3A_235 = tpu.memref_slice %arg2[%dma_start3A_233, %dma_start3A_234] : memref<10000x64xf32, #tpu.memory_space<hbm>> -> memref<10000x64xf32, #tpu.memory_space<hbm>>
        tpu.enqueue_indirect_dma source(%dma_start3A_235 : memref<10000x64xf32, #tpu.memory_space<hbm>>) target(%dma_start3A_229 : memref<128x64xf32, #tpu.memory_space<vmem>>) offsets(%dma_start3A_232 : memref<128xi32, #tpu.memory_space<vmem>>) semaphore(%arg9 : memref<!tpu.dma_semaphore, #tpu.memory_space<semaphore_mem>>)
      } else {
      }
      %sub3A = arith.constant 3 : i32
      %sub3A_118 = arith.subi %add3A_112, %sub3A : i32
      %ge3A = arith.constant 0 : i32
      %ge3A_119 = arith.cmpi sge, %sub3A_118, %ge3A : i32
      %lt3A_120 = arith.constant 78 : i32
      %lt3A_121 = arith.cmpi slt, %sub3A_118, %lt3A_120 : i32
      %and3A = arith.andi %ge3A_119, %lt3A_121 : i1
      %convert_element_type3A_122 = arith.extui %and3A : i1 to i32
      %cond3A_123 = arith.constant 0 : i32
      %cond3A_124 = arith.cmpi ne, %convert_element_type3A_122, %cond3A_123 : i32
      scf.if %cond3A_124 {
        %dma_wait3A_221 = arith.constant 3 : i32
        %dma_wait3A_222 = arith.constant 0 : i32
        %dma_wait3A_223 = arith.constant 0 : i32
        %dma_wait3A_224 = tpu.memref_slice %arg7[%dma_wait3A_221, %dma_wait3A_222, %dma_wait3A_223] : memref<6x128x64xf32, #tpu.memory_space<vmem>> -> memref<1x128x64xf32, #tpu.memory_space<vmem>>
        %dma_wait3A_225 = tpu.memref_squeeze %dma_wait3A_224 : memref<1x128x64xf32, #tpu.memory_space<vmem>> -> memref<128x64xf32, #tpu.memory_space<vmem>>
        %dma_wait3A_226 = arith.constant 0 : i32
        %dma_wait3A_227 = tpu.memref_slice %arg5[%sub3A_118, %dma_wait3A_226] : memref<79x128xi32, #tpu.memory_space<vmem>> -> memref<1x128xi32, #tpu.memory_space<vmem>>
        %dma_wait3A_228 = tpu.memref_squeeze %dma_wait3A_227 : memref<1x128xi32, #tpu.memory_space<vmem>> -> memref<128xi32, #tpu.memory_space<vmem>>
        %dma_wait3A_229 = arith.constant 0 : i32
        %dma_wait3A_230 = arith.constant 0 : i32
        %dma_wait3A_231 = tpu.memref_slice %arg2[%dma_wait3A_229, %dma_wait3A_230] : memref<10000x64xf32, #tpu.memory_space<hbm>> -> memref<10000x64xf32, #tpu.memory_space<hbm>>
        tpu.wait_indirect_dma semaphore(%arg12 : memref<!tpu.dma_semaphore, #tpu.memory_space<semaphore_mem>>) src(%dma_wait3A_231 : memref<10000x64xf32, #tpu.memory_space<hbm>>) dst(%dma_wait3A_225 : memref<128x64xf32, #tpu.memory_space<vmem>>)
        %dma_start3A = arith.constant 3 : i32
        %dma_start3A_232 = arith.constant 0 : i32
        %dma_start3A_233 = arith.constant 0 : i32
        %dma_start3A_234 = tpu.memref_slice %arg7[%dma_start3A, %dma_start3A_232, %dma_start3A_233] : memref<6x128x64xf32, #tpu.memory_space<vmem>> -> memref<1x128x64xf32, #tpu.memory_space<vmem>>
        %dma_start3A_235 = tpu.memref_squeeze %dma_start3A_234 : memref<1x128x64xf32, #tpu.memory_space<vmem>> -> memref<128x64xf32, #tpu.memory_space<vmem>>
        %dma_start3A_236 = arith.constant 0 : i32
        %dma_start3A_237 = tpu.memref_slice %arg6[%sub3A_118, %dma_start3A_236] : memref<79x128xi32, #tpu.memory_space<vmem>> -> memref<1x128xi32, #tpu.memory_space<vmem>>
        %dma_start3A_238 = tpu.memref_squeeze %dma_start3A_237 : memref<1x128xi32, #tpu.memory_space<vmem>> -> memref<128xi32, #tpu.memory_space<vmem>>
        %dma_start3A_239 = arith.constant 0 : i32
        %dma_start3A_240 = arith.constant 0 : i32
        %dma_start3A_241 = tpu.memref_slice %arg8[%dma_start3A_239, %dma_start3A_240] : memref<10240x64xf32, #tpu.memory_space<vmem_shared>> -> memref<10240x64xf32, #tpu.memory_space<vmem_shared>>
        tpu.enqueue_indirect_dma source(%dma_start3A_235 : memref<128x64xf32, #tpu.memory_space<vmem>>) target(%dma_start3A_241 : memref<10240x64xf32, #tpu.memory_space<vmem_shared>>) offsets(%dma_start3A_238 : memref<128xi32, #tpu.memory_space<vmem>>) semaphore(%arg18 : memref<!tpu.dma_semaphore, #tpu.memory_space<semaphore_mem>>) {add = true}
      } else {
      }
      %mul3A_125 = arith.constant 6 : i32
      %mul3A_126 = arith.muli %scan3A_107, %mul3A_125 : i32
      %add3A_127 = arith.constant 1 : i32
      %add3A_128 = arith.addi %mul3A_126, %add3A_127 : i32
      %lt3A_129 = arith.constant 78 : i32
      %lt3A_130 = arith.cmpi slt, %add3A_128, %lt3A_129 : i32
      %convert_element_type3A_131 = arith.extui %lt3A_130 : i1 to i32
      %cond3A_132 = arith.constant 0 : i32
      %cond3A_133 = arith.cmpi ne, %convert_element_type3A_131, %cond3A_132 : i32
      scf.if %cond3A_133 {
        %ge3A_221 = arith.constant 6 : i32
        %ge3A_222 = arith.cmpi sge, %add3A_128, %ge3A_221 : i32
        %convert_element_type3A_223 = arith.extui %ge3A_222 : i1 to i32
        %cond3A_224 = arith.constant 0 : i32
        %cond3A_225 = arith.cmpi ne, %convert_element_type3A_223, %cond3A_224 : i32
        scf.if %cond3A_225 {
          %sub3A_236 = arith.constant 6 : i32
          %sub3A_237 = arith.subi %add3A_128, %sub3A_236 : i32
          %dma_wait3A_238 = arith.constant 1 : i32
          %dma_wait3A_239 = arith.constant 0 : i32
          %dma_wait3A_240 = arith.constant 0 : i32
          %dma_wait3A_241 = tpu.memref_slice %arg7[%dma_wait3A_238, %dma_wait3A_239, %dma_wait3A_240] : memref<6x128x64xf32, #tpu.memory_space<vmem>> -> memref<1x128x64xf32, #tpu.memory_space<vmem>>
          %dma_wait3A_242 = tpu.memref_squeeze %dma_wait3A_241 : memref<1x128x64xf32, #tpu.memory_space<vmem>> -> memref<128x64xf32, #tpu.memory_space<vmem>>
          %dma_wait3A_243 = arith.constant 0 : i32
          %dma_wait3A_244 = tpu.memref_slice %arg6[%sub3A_237, %dma_wait3A_243] : memref<79x128xi32, #tpu.memory_space<vmem>> -> memref<1x128xi32, #tpu.memory_space<vmem>>
          %dma_wait3A_245 = tpu.memref_squeeze %dma_wait3A_244 : memref<1x128xi32, #tpu.memory_space<vmem>> -> memref<128xi32, #tpu.memory_space<vmem>>
          %dma_wait3A_246 = arith.constant 0 : i32
          %dma_wait3A_247 = arith.constant 0 : i32
          %dma_wait3A_248 = tpu.memref_slice %arg8[%dma_wait3A_246, %dma_wait3A_247] : memref<10240x64xf32, #tpu.memory_space<vmem_shared>> -> memref<10240x64xf32, #tpu.memory_space<vmem_shared>>
          tpu.wait_indirect_dma semaphore(%arg16 : memref<!tpu.dma_semaphore, #tpu.memory_space<semaphore_mem>>) src(%dma_wait3A_242 : memref<128x64xf32, #tpu.memory_space<vmem>>) dst(%dma_wait3A_248 : memref<10240x64xf32, #tpu.memory_space<vmem_shared>>)
        } else {
        }
        %dma_start3A = arith.constant 1 : i32
        %dma_start3A_226 = arith.constant 0 : i32
        %dma_start3A_227 = arith.constant 0 : i32
        %dma_start3A_228 = tpu.memref_slice %arg7[%dma_start3A, %dma_start3A_226, %dma_start3A_227] : memref<6x128x64xf32, #tpu.memory_space<vmem>> -> memref<1x128x64xf32, #tpu.memory_space<vmem>>
        %dma_start3A_229 = tpu.memref_squeeze %dma_start3A_228 : memref<1x128x64xf32, #tpu.memory_space<vmem>> -> memref<128x64xf32, #tpu.memory_space<vmem>>
        %dma_start3A_230 = arith.constant 0 : i32
        %dma_start3A_231 = tpu.memref_slice %arg5[%add3A_128, %dma_start3A_230] : memref<79x128xi32, #tpu.memory_space<vmem>> -> memref<1x128xi32, #tpu.memory_space<vmem>>
        %dma_start3A_232 = tpu.memref_squeeze %dma_start3A_231 : memref<1x128xi32, #tpu.memory_space<vmem>> -> memref<128xi32, #tpu.memory_space<vmem>>
        %dma_start3A_233 = arith.constant 0 : i32
        %dma_start3A_234 = arith.constant 0 : i32
        %dma_start3A_235 = tpu.memref_slice %arg2[%dma_start3A_233, %dma_start3A_234] : memref<10000x64xf32, #tpu.memory_space<hbm>> -> memref<10000x64xf32, #tpu.memory_space<hbm>>
        tpu.enqueue_indirect_dma source(%dma_start3A_235 : memref<10000x64xf32, #tpu.memory_space<hbm>>) target(%dma_start3A_229 : memref<128x64xf32, #tpu.memory_space<vmem>>) offsets(%dma_start3A_232 : memref<128xi32, #tpu.memory_space<vmem>>) semaphore(%arg10 : memref<!tpu.dma_semaphore, #tpu.memory_space<semaphore_mem>>)
      } else {
      }
      %sub3A_134 = arith.constant 3 : i32
      %sub3A_135 = arith.subi %add3A_128, %sub3A_134 : i32
      %ge3A_136 = arith.constant 0 : i32
      %ge3A_137 = arith.cmpi sge, %sub3A_135, %ge3A_136 : i32
      %lt3A_138 = arith.constant 78 : i32
      %lt3A_139 = arith.cmpi slt, %sub3A_135, %lt3A_138 : i32
      %and3A_140 = arith.andi %ge3A_137, %lt3A_139 : i1
      %convert_element_type3A_141 = arith.extui %and3A_140 : i1 to i32
      %cond3A_142 = arith.constant 0 : i32
      %cond3A_143 = arith.cmpi ne, %convert_element_type3A_141, %cond3A_142 : i32
      scf.if %cond3A_143 {
        %dma_wait3A_221 = arith.constant 4 : i32
        %dma_wait3A_222 = arith.constant 0 : i32
        %dma_wait3A_223 = arith.constant 0 : i32
        %dma_wait3A_224 = tpu.memref_slice %arg7[%dma_wait3A_221, %dma_wait3A_222, %dma_wait3A_223] : memref<6x128x64xf32, #tpu.memory_space<vmem>> -> memref<1x128x64xf32, #tpu.memory_space<vmem>>
        %dma_wait3A_225 = tpu.memref_squeeze %dma_wait3A_224 : memref<1x128x64xf32, #tpu.memory_space<vmem>> -> memref<128x64xf32, #tpu.memory_space<vmem>>
        %dma_wait3A_226 = arith.constant 0 : i32
        %dma_wait3A_227 = tpu.memref_slice %arg5[%sub3A_135, %dma_wait3A_226] : memref<79x128xi32, #tpu.memory_space<vmem>> -> memref<1x128xi32, #tpu.memory_space<vmem>>
        %dma_wait3A_228 = tpu.memref_squeeze %dma_wait3A_227 : memref<1x128xi32, #tpu.memory_space<vmem>> -> memref<128xi32, #tpu.memory_space<vmem>>
        %dma_wait3A_229 = arith.constant 0 : i32
        %dma_wait3A_230 = arith.constant 0 : i32
        %dma_wait3A_231 = tpu.memref_slice %arg2[%dma_wait3A_229, %dma_wait3A_230] : memref<10000x64xf32, #tpu.memory_space<hbm>> -> memref<10000x64xf32, #tpu.memory_space<hbm>>
        tpu.wait_indirect_dma semaphore(%arg13 : memref<!tpu.dma_semaphore, #tpu.memory_space<semaphore_mem>>) src(%dma_wait3A_231 : memref<10000x64xf32, #tpu.memory_space<hbm>>) dst(%dma_wait3A_225 : memref<128x64xf32, #tpu.memory_space<vmem>>)
        %dma_start3A = arith.constant 4 : i32
        %dma_start3A_232 = arith.constant 0 : i32
        %dma_start3A_233 = arith.constant 0 : i32
        %dma_start3A_234 = tpu.memref_slice %arg7[%dma_start3A, %dma_start3A_232, %dma_start3A_233] : memref<6x128x64xf32, #tpu.memory_space<vmem>> -> memref<1x128x64xf32, #tpu.memory_space<vmem>>
        %dma_start3A_235 = tpu.memref_squeeze %dma_start3A_234 : memref<1x128x64xf32, #tpu.memory_space<vmem>> -> memref<128x64xf32, #tpu.memory_space<vmem>>
        %dma_start3A_236 = arith.constant 0 : i32
        %dma_start3A_237 = tpu.memref_slice %arg6[%sub3A_135, %dma_start3A_236] : memref<79x128xi32, #tpu.memory_space<vmem>> -> memref<1x128xi32, #tpu.memory_space<vmem>>
        %dma_start3A_238 = tpu.memref_squeeze %dma_start3A_237 : memref<1x128xi32, #tpu.memory_space<vmem>> -> memref<128xi32, #tpu.memory_space<vmem>>
        %dma_start3A_239 = arith.constant 0 : i32
        %dma_start3A_240 = arith.constant 0 : i32
        %dma_start3A_241 = tpu.memref_slice %arg8[%dma_start3A_239, %dma_start3A_240] : memref<10240x64xf32, #tpu.memory_space<vmem_shared>> -> memref<10240x64xf32, #tpu.memory_space<vmem_shared>>
        tpu.enqueue_indirect_dma source(%dma_start3A_235 : memref<128x64xf32, #tpu.memory_space<vmem>>) target(%dma_start3A_241 : memref<10240x64xf32, #tpu.memory_space<vmem_shared>>) offsets(%dma_start3A_238 : memref<128xi32, #tpu.memory_space<vmem>>) semaphore(%arg19 : memref<!tpu.dma_semaphore, #tpu.memory_space<semaphore_mem>>) {add = true}
      } else {
      }
      %mul3A_144 = arith.constant 6 : i32
      %mul3A_145 = arith.muli %scan3A_107, %mul3A_144 : i32
      %add3A_146 = arith.constant 2 : i32
      %add3A_147 = arith.addi %mul3A_145, %add3A_146 : i32
      %lt3A_148 = arith.constant 78 : i32
      %lt3A_149 = arith.cmpi slt, %add3A_147, %lt3A_148 : i32
      %convert_element_type3A_150 = arith.extui %lt3A_149 : i1 to i32
      %cond3A_151 = arith.constant 0 : i32
      %cond3A_152 = arith.cmpi ne, %convert_element_type3A_150, %cond3A_151 : i32
      scf.if %cond3A_152 {
        %ge3A_221 = arith.constant 6 : i32
        %ge3A_222 = arith.cmpi sge, %add3A_147, %ge3A_221 : i32
        %convert_element_type3A_223 = arith.extui %ge3A_222 : i1 to i32
        %cond3A_224 = arith.constant 0 : i32
        %cond3A_225 = arith.cmpi ne, %convert_element_type3A_223, %cond3A_224 : i32
        scf.if %cond3A_225 {
          %sub3A_236 = arith.constant 6 : i32
          %sub3A_237 = arith.subi %add3A_147, %sub3A_236 : i32
          %dma_wait3A_238 = arith.constant 2 : i32
          %dma_wait3A_239 = arith.constant 0 : i32
          %dma_wait3A_240 = arith.constant 0 : i32
          %dma_wait3A_241 = tpu.memref_slice %arg7[%dma_wait3A_238, %dma_wait3A_239, %dma_wait3A_240] : memref<6x128x64xf32, #tpu.memory_space<vmem>> -> memref<1x128x64xf32, #tpu.memory_space<vmem>>
          %dma_wait3A_242 = tpu.memref_squeeze %dma_wait3A_241 : memref<1x128x64xf32, #tpu.memory_space<vmem>> -> memref<128x64xf32, #tpu.memory_space<vmem>>
          %dma_wait3A_243 = arith.constant 0 : i32
          %dma_wait3A_244 = tpu.memref_slice %arg6[%sub3A_237, %dma_wait3A_243] : memref<79x128xi32, #tpu.memory_space<vmem>> -> memref<1x128xi32, #tpu.memory_space<vmem>>
          %dma_wait3A_245 = tpu.memref_squeeze %dma_wait3A_244 : memref<1x128xi32, #tpu.memory_space<vmem>> -> memref<128xi32, #tpu.memory_space<vmem>>
          %dma_wait3A_246 = arith.constant 0 : i32
          %dma_wait3A_247 = arith.constant 0 : i32
          %dma_wait3A_248 = tpu.memref_slice %arg8[%dma_wait3A_246, %dma_wait3A_247] : memref<10240x64xf32, #tpu.memory_space<vmem_shared>> -> memref<10240x64xf32, #tpu.memory_space<vmem_shared>>
          tpu.wait_indirect_dma semaphore(%arg17 : memref<!tpu.dma_semaphore, #tpu.memory_space<semaphore_mem>>) src(%dma_wait3A_242 : memref<128x64xf32, #tpu.memory_space<vmem>>) dst(%dma_wait3A_248 : memref<10240x64xf32, #tpu.memory_space<vmem_shared>>)
        } else {
        }
        %dma_start3A = arith.constant 2 : i32
        %dma_start3A_226 = arith.constant 0 : i32
        %dma_start3A_227 = arith.constant 0 : i32
        %dma_start3A_228 = tpu.memref_slice %arg7[%dma_start3A, %dma_start3A_226, %dma_start3A_227] : memref<6x128x64xf32, #tpu.memory_space<vmem>> -> memref<1x128x64xf32, #tpu.memory_space<vmem>>
        %dma_start3A_229 = tpu.memref_squeeze %dma_start3A_228 : memref<1x128x64xf32, #tpu.memory_space<vmem>> -> memref<128x64xf32, #tpu.memory_space<vmem>>
        %dma_start3A_230 = arith.constant 0 : i32
        %dma_start3A_231 = tpu.memref_slice %arg5[%add3A_147, %dma_start3A_230] : memref<79x128xi32, #tpu.memory_space<vmem>> -> memref<1x128xi32, #tpu.memory_space<vmem>>
        %dma_start3A_232 = tpu.memref_squeeze %dma_start3A_231 : memref<1x128xi32, #tpu.memory_space<vmem>> -> memref<128xi32, #tpu.memory_space<vmem>>
        %dma_start3A_233 = arith.constant 0 : i32
        %dma_start3A_234 = arith.constant 0 : i32
        %dma_start3A_235 = tpu.memref_slice %arg2[%dma_start3A_233, %dma_start3A_234] : memref<10000x64xf32, #tpu.memory_space<hbm>> -> memref<10000x64xf32, #tpu.memory_space<hbm>>
        tpu.enqueue_indirect_dma source(%dma_start3A_235 : memref<10000x64xf32, #tpu.memory_space<hbm>>) target(%dma_start3A_229 : memref<128x64xf32, #tpu.memory_space<vmem>>) offsets(%dma_start3A_232 : memref<128xi32, #tpu.memory_space<vmem>>) semaphore(%arg11 : memref<!tpu.dma_semaphore, #tpu.memory_space<semaphore_mem>>)
      } else {
      }
      %sub3A_153 = arith.constant 3 : i32
      %sub3A_154 = arith.subi %add3A_147, %sub3A_153 : i32
      %ge3A_155 = arith.constant 0 : i32
      %ge3A_156 = arith.cmpi sge, %sub3A_154, %ge3A_155 : i32
      %lt3A_157 = arith.constant 78 : i32
      %lt3A_158 = arith.cmpi slt, %sub3A_154, %lt3A_157 : i32
      %and3A_159 = arith.andi %ge3A_156, %lt3A_158 : i1
      %convert_element_type3A_160 = arith.extui %and3A_159 : i1 to i32
      %cond3A_161 = arith.constant 0 : i32
      %cond3A_162 = arith.cmpi ne, %convert_element_type3A_160, %cond3A_161 : i32
      scf.if %cond3A_162 {
        %dma_wait3A_221 = arith.constant 5 : i32
        %dma_wait3A_222 = arith.constant 0 : i32
        %dma_wait3A_223 = arith.constant 0 : i32
        %dma_wait3A_224 = tpu.memref_slice %arg7[%dma_wait3A_221, %dma_wait3A_222, %dma_wait3A_223] : memref<6x128x64xf32, #tpu.memory_space<vmem>> -> memref<1x128x64xf32, #tpu.memory_space<vmem>>
        %dma_wait3A_225 = tpu.memref_squeeze %dma_wait3A_224 : memref<1x128x64xf32, #tpu.memory_space<vmem>> -> memref<128x64xf32, #tpu.memory_space<vmem>>
        %dma_wait3A_226 = arith.constant 0 : i32
        %dma_wait3A_227 = tpu.memref_slice %arg5[%sub3A_154, %dma_wait3A_226] : memref<79x128xi32, #tpu.memory_space<vmem>> -> memref<1x128xi32, #tpu.memory_space<vmem>>
        %dma_wait3A_228 = tpu.memref_squeeze %dma_wait3A_227 : memref<1x128xi32, #tpu.memory_space<vmem>> -> memref<128xi32, #tpu.memory_space<vmem>>
        %dma_wait3A_229 = arith.constant 0 : i32
        %dma_wait3A_230 = arith.constant 0 : i32
        %dma_wait3A_231 = tpu.memref_slice %arg2[%dma_wait3A_229, %dma_wait3A_230] : memref<10000x64xf32, #tpu.memory_space<hbm>> -> memref<10000x64xf32, #tpu.memory_space<hbm>>
        tpu.wait_indirect_dma semaphore(%arg14 : memref<!tpu.dma_semaphore, #tpu.memory_space<semaphore_mem>>) src(%dma_wait3A_231 : memref<10000x64xf32, #tpu.memory_space<hbm>>) dst(%dma_wait3A_225 : memref<128x64xf32, #tpu.memory_space<vmem>>)
        %dma_start3A = arith.constant 5 : i32
        %dma_start3A_232 = arith.constant 0 : i32
        %dma_start3A_233 = arith.constant 0 : i32
        %dma_start3A_234 = tpu.memref_slice %arg7[%dma_start3A, %dma_start3A_232, %dma_start3A_233] : memref<6x128x64xf32, #tpu.memory_space<vmem>> -> memref<1x128x64xf32, #tpu.memory_space<vmem>>
        %dma_start3A_235 = tpu.memref_squeeze %dma_start3A_234 : memref<1x128x64xf32, #tpu.memory_space<vmem>> -> memref<128x64xf32, #tpu.memory_space<vmem>>
        %dma_start3A_236 = arith.constant 0 : i32
        %dma_start3A_237 = tpu.memref_slice %arg6[%sub3A_154, %dma_start3A_236] : memref<79x128xi32, #tpu.memory_space<vmem>> -> memref<1x128xi32, #tpu.memory_space<vmem>>
        %dma_start3A_238 = tpu.memref_squeeze %dma_start3A_237 : memref<1x128xi32, #tpu.memory_space<vmem>> -> memref<128xi32, #tpu.memory_space<vmem>>
        %dma_start3A_239 = arith.constant 0 : i32
        %dma_start3A_240 = arith.constant 0 : i32
        %dma_start3A_241 = tpu.memref_slice %arg8[%dma_start3A_239, %dma_start3A_240] : memref<10240x64xf32, #tpu.memory_space<vmem_shared>> -> memref<10240x64xf32, #tpu.memory_space<vmem_shared>>
        tpu.enqueue_indirect_dma source(%dma_start3A_235 : memref<128x64xf32, #tpu.memory_space<vmem>>) target(%dma_start3A_241 : memref<10240x64xf32, #tpu.memory_space<vmem_shared>>) offsets(%dma_start3A_238 : memref<128xi32, #tpu.memory_space<vmem>>) semaphore(%arg20 : memref<!tpu.dma_semaphore, #tpu.memory_space<semaphore_mem>>) {add = true}
      } else {
      }
      %mul3A_163 = arith.constant 6 : i32
      %mul3A_164 = arith.muli %scan3A_107, %mul3A_163 : i32
      %add3A_165 = arith.constant 3 : i32
      %add3A_166 = arith.addi %mul3A_164, %add3A_165 : i32
      %lt3A_167 = arith.constant 78 : i32
      %lt3A_168 = arith.cmpi slt, %add3A_166, %lt3A_167 : i32
      %convert_element_type3A_169 = arith.extui %lt3A_168 : i1 to i32
      %cond3A_170 = arith.constant 0 : i32
      %cond3A_171 = arith.cmpi ne, %convert_element_type3A_169, %cond3A_170 : i32
      scf.if %cond3A_171 {
        %ge3A_221 = arith.constant 6 : i32
        %ge3A_222 = arith.cmpi sge, %add3A_166, %ge3A_221 : i32
        %convert_element_type3A_223 = arith.extui %ge3A_222 : i1 to i32
        %cond3A_224 = arith.constant 0 : i32
        %cond3A_225 = arith.cmpi ne, %convert_element_type3A_223, %cond3A_224 : i32
        scf.if %cond3A_225 {
          %sub3A_236 = arith.constant 6 : i32
          %sub3A_237 = arith.subi %add3A_166, %sub3A_236 : i32
          %dma_wait3A_238 = arith.constant 3 : i32
          %dma_wait3A_239 = arith.constant 0 : i32
          %dma_wait3A_240 = arith.constant 0 : i32
          %dma_wait3A_241 = tpu.memref_slice %arg7[%dma_wait3A_238, %dma_wait3A_239, %dma_wait3A_240] : memref<6x128x64xf32, #tpu.memory_space<vmem>> -> memref<1x128x64xf32, #tpu.memory_space<vmem>>
          %dma_wait3A_242 = tpu.memref_squeeze %dma_wait3A_241 : memref<1x128x64xf32, #tpu.memory_space<vmem>> -> memref<128x64xf32, #tpu.memory_space<vmem>>
          %dma_wait3A_243 = arith.constant 0 : i32
          %dma_wait3A_244 = tpu.memref_slice %arg6[%sub3A_237, %dma_wait3A_243] : memref<79x128xi32, #tpu.memory_space<vmem>> -> memref<1x128xi32, #tpu.memory_space<vmem>>
          %dma_wait3A_245 = tpu.memref_squeeze %dma_wait3A_244 : memref<1x128xi32, #tpu.memory_space<vmem>> -> memref<128xi32, #tpu.memory_space<vmem>>
          %dma_wait3A_246 = arith.constant 0 : i32
          %dma_wait3A_247 = arith.constant 0 : i32
          %dma_wait3A_248 = tpu.memref_slice %arg8[%dma_wait3A_246, %dma_wait3A_247] : memref<10240x64xf32, #tpu.memory_space<vmem_shared>> -> memref<10240x64xf32, #tpu.memory_space<vmem_shared>>
          tpu.wait_indirect_dma semaphore(%arg18 : memref<!tpu.dma_semaphore, #tpu.memory_space<semaphore_mem>>) src(%dma_wait3A_242 : memref<128x64xf32, #tpu.memory_space<vmem>>) dst(%dma_wait3A_248 : memref<10240x64xf32, #tpu.memory_space<vmem_shared>>)
        } else {
        }
        %dma_start3A = arith.constant 3 : i32
        %dma_start3A_226 = arith.constant 0 : i32
        %dma_start3A_227 = arith.constant 0 : i32
        %dma_start3A_228 = tpu.memref_slice %arg7[%dma_start3A, %dma_start3A_226, %dma_start3A_227] : memref<6x128x64xf32, #tpu.memory_space<vmem>> -> memref<1x128x64xf32, #tpu.memory_space<vmem>>
        %dma_start3A_229 = tpu.memref_squeeze %dma_start3A_228 : memref<1x128x64xf32, #tpu.memory_space<vmem>> -> memref<128x64xf32, #tpu.memory_space<vmem>>
        %dma_start3A_230 = arith.constant 0 : i32
        %dma_start3A_231 = tpu.memref_slice %arg5[%add3A_166, %dma_start3A_230] : memref<79x128xi32, #tpu.memory_space<vmem>> -> memref<1x128xi32, #tpu.memory_space<vmem>>
        %dma_start3A_232 = tpu.memref_squeeze %dma_start3A_231 : memref<1x128xi32, #tpu.memory_space<vmem>> -> memref<128xi32, #tpu.memory_space<vmem>>
        %dma_start3A_233 = arith.constant 0 : i32
        %dma_start3A_234 = arith.constant 0 : i32
        %dma_start3A_235 = tpu.memref_slice %arg2[%dma_start3A_233, %dma_start3A_234] : memref<10000x64xf32, #tpu.memory_space<hbm>> -> memref<10000x64xf32, #tpu.memory_space<hbm>>
        tpu.enqueue_indirect_dma source(%dma_start3A_235 : memref<10000x64xf32, #tpu.memory_space<hbm>>) target(%dma_start3A_229 : memref<128x64xf32, #tpu.memory_space<vmem>>) offsets(%dma_start3A_232 : memref<128xi32, #tpu.memory_space<vmem>>) semaphore(%arg12 : memref<!tpu.dma_semaphore, #tpu.memory_space<semaphore_mem>>)
      } else {
      }
      %sub3A_172 = arith.constant 3 : i32
      %sub3A_173 = arith.subi %add3A_166, %sub3A_172 : i32
      %ge3A_174 = arith.constant 0 : i32
      %ge3A_175 = arith.cmpi sge, %sub3A_173, %ge3A_174 : i32
      %lt3A_176 = arith.constant 78 : i32
      %lt3A_177 = arith.cmpi slt, %sub3A_173, %lt3A_176 : i32
      %and3A_178 = arith.andi %ge3A_175, %lt3A_177 : i1
      %convert_element_type3A_179 = arith.extui %and3A_178 : i1 to i32
      %cond3A_180 = arith.constant 0 : i32
      %cond3A_181 = arith.cmpi ne, %convert_element_type3A_179, %cond3A_180 : i32
      scf.if %cond3A_181 {
        %dma_wait3A_221 = arith.constant 0 : i32
        %dma_wait3A_222 = arith.constant 0 : i32
        %dma_wait3A_223 = arith.constant 0 : i32
        %dma_wait3A_224 = tpu.memref_slice %arg7[%dma_wait3A_221, %dma_wait3A_222, %dma_wait3A_223] : memref<6x128x64xf32, #tpu.memory_space<vmem>> -> memref<1x128x64xf32, #tpu.memory_space<vmem>>
        %dma_wait3A_225 = tpu.memref_squeeze %dma_wait3A_224 : memref<1x128x64xf32, #tpu.memory_space<vmem>> -> memref<128x64xf32, #tpu.memory_space<vmem>>
        %dma_wait3A_226 = arith.constant 0 : i32
        %dma_wait3A_227 = tpu.memref_slice %arg5[%sub3A_173, %dma_wait3A_226] : memref<79x128xi32, #tpu.memory_space<vmem>> -> memref<1x128xi32, #tpu.memory_space<vmem>>
        %dma_wait3A_228 = tpu.memref_squeeze %dma_wait3A_227 : memref<1x128xi32, #tpu.memory_space<vmem>> -> memref<128xi32, #tpu.memory_space<vmem>>
        %dma_wait3A_229 = arith.constant 0 : i32
        %dma_wait3A_230 = arith.constant 0 : i32
        %dma_wait3A_231 = tpu.memref_slice %arg2[%dma_wait3A_229, %dma_wait3A_230] : memref<10000x64xf32, #tpu.memory_space<hbm>> -> memref<10000x64xf32, #tpu.memory_space<hbm>>
        tpu.wait_indirect_dma semaphore(%arg9 : memref<!tpu.dma_semaphore, #tpu.memory_space<semaphore_mem>>) src(%dma_wait3A_231 : memref<10000x64xf32, #tpu.memory_space<hbm>>) dst(%dma_wait3A_225 : memref<128x64xf32, #tpu.memory_space<vmem>>)
        %dma_start3A = arith.constant 0 : i32
        %dma_start3A_232 = arith.constant 0 : i32
        %dma_start3A_233 = arith.constant 0 : i32
        %dma_start3A_234 = tpu.memref_slice %arg7[%dma_start3A, %dma_start3A_232, %dma_start3A_233] : memref<6x128x64xf32, #tpu.memory_space<vmem>> -> memref<1x128x64xf32, #tpu.memory_space<vmem>>
        %dma_start3A_235 = tpu.memref_squeeze %dma_start3A_234 : memref<1x128x64xf32, #tpu.memory_space<vmem>> -> memref<128x64xf32, #tpu.memory_space<vmem>>
        %dma_start3A_236 = arith.constant 0 : i32
        %dma_start3A_237 = tpu.memref_slice %arg6[%sub3A_173, %dma_start3A_236] : memref<79x128xi32, #tpu.memory_space<vmem>> -> memref<1x128xi32, #tpu.memory_space<vmem>>
        %dma_start3A_238 = tpu.memref_squeeze %dma_start3A_237 : memref<1x128xi32, #tpu.memory_space<vmem>> -> memref<128xi32, #tpu.memory_space<vmem>>
        %dma_start3A_239 = arith.constant 0 : i32
        %dma_start3A_240 = arith.constant 0 : i32
        %dma_start3A_241 = tpu.memref_slice %arg8[%dma_start3A_239, %dma_start3A_240] : memref<10240x64xf32, #tpu.memory_space<vmem_shared>> -> memref<10240x64xf32, #tpu.memory_space<vmem_shared>>
        tpu.enqueue_indirect_dma source(%dma_start3A_235 : memref<128x64xf32, #tpu.memory_space<vmem>>) target(%dma_start3A_241 : memref<10240x64xf32, #tpu.memory_space<vmem_shared>>) offsets(%dma_start3A_238 : memref<128xi32, #tpu.memory_space<vmem>>) semaphore(%arg15 : memref<!tpu.dma_semaphore, #tpu.memory_space<semaphore_mem>>) {add = true}
      } else {
      }
      %mul3A_182 = arith.constant 6 : i32
      %mul3A_183 = arith.muli %scan3A_107, %mul3A_182 : i32
      %add3A_184 = arith.constant 4 : i32
      %add3A_185 = arith.addi %mul3A_183, %add3A_184 : i32
      %lt3A_186 = arith.constant 78 : i32
      %lt3A_187 = arith.cmpi slt, %add3A_185, %lt3A_186 : i32
      %convert_element_type3A_188 = arith.extui %lt3A_187 : i1 to i32
      %cond3A_189 = arith.constant 0 : i32
      %cond3A_190 = arith.cmpi ne, %convert_element_type3A_188, %cond3A_189 : i32
      scf.if %cond3A_190 {
        %ge3A_221 = arith.constant 6 : i32
        %ge3A_222 = arith.cmpi sge, %add3A_185, %ge3A_221 : i32
        %convert_element_type3A_223 = arith.extui %ge3A_222 : i1 to i32
        %cond3A_224 = arith.constant 0 : i32
        %cond3A_225 = arith.cmpi ne, %convert_element_type3A_223, %cond3A_224 : i32
        scf.if %cond3A_225 {
          %sub3A_236 = arith.constant 6 : i32
          %sub3A_237 = arith.subi %add3A_185, %sub3A_236 : i32
          %dma_wait3A_238 = arith.constant 4 : i32
          %dma_wait3A_239 = arith.constant 0 : i32
          %dma_wait3A_240 = arith.constant 0 : i32
          %dma_wait3A_241 = tpu.memref_slice %arg7[%dma_wait3A_238, %dma_wait3A_239, %dma_wait3A_240] : memref<6x128x64xf32, #tpu.memory_space<vmem>> -> memref<1x128x64xf32, #tpu.memory_space<vmem>>
          %dma_wait3A_242 = tpu.memref_squeeze %dma_wait3A_241 : memref<1x128x64xf32, #tpu.memory_space<vmem>> -> memref<128x64xf32, #tpu.memory_space<vmem>>
          %dma_wait3A_243 = arith.constant 0 : i32
          %dma_wait3A_244 = tpu.memref_slice %arg6[%sub3A_237, %dma_wait3A_243] : memref<79x128xi32, #tpu.memory_space<vmem>> -> memref<1x128xi32, #tpu.memory_space<vmem>>
          %dma_wait3A_245 = tpu.memref_squeeze %dma_wait3A_244 : memref<1x128xi32, #tpu.memory_space<vmem>> -> memref<128xi32, #tpu.memory_space<vmem>>
          %dma_wait3A_246 = arith.constant 0 : i32
          %dma_wait3A_247 = arith.constant 0 : i32
          %dma_wait3A_248 = tpu.memref_slice %arg8[%dma_wait3A_246, %dma_wait3A_247] : memref<10240x64xf32, #tpu.memory_space<vmem_shared>> -> memref<10240x64xf32, #tpu.memory_space<vmem_shared>>
          tpu.wait_indirect_dma semaphore(%arg19 : memref<!tpu.dma_semaphore, #tpu.memory_space<semaphore_mem>>) src(%dma_wait3A_242 : memref<128x64xf32, #tpu.memory_space<vmem>>) dst(%dma_wait3A_248 : memref<10240x64xf32, #tpu.memory_space<vmem_shared>>)
        } else {
        }
        %dma_start3A = arith.constant 4 : i32
        %dma_start3A_226 = arith.constant 0 : i32
        %dma_start3A_227 = arith.constant 0 : i32
        %dma_start3A_228 = tpu.memref_slice %arg7[%dma_start3A, %dma_start3A_226, %dma_start3A_227] : memref<6x128x64xf32, #tpu.memory_space<vmem>> -> memref<1x128x64xf32, #tpu.memory_space<vmem>>
        %dma_start3A_229 = tpu.memref_squeeze %dma_start3A_228 : memref<1x128x64xf32, #tpu.memory_space<vmem>> -> memref<128x64xf32, #tpu.memory_space<vmem>>
        %dma_start3A_230 = arith.constant 0 : i32
        %dma_start3A_231 = tpu.memref_slice %arg5[%add3A_185, %dma_start3A_230] : memref<79x128xi32, #tpu.memory_space<vmem>> -> memref<1x128xi32, #tpu.memory_space<vmem>>
        %dma_start3A_232 = tpu.memref_squeeze %dma_start3A_231 : memref<1x128xi32, #tpu.memory_space<vmem>> -> memref<128xi32, #tpu.memory_space<vmem>>
        %dma_start3A_233 = arith.constant 0 : i32
        %dma_start3A_234 = arith.constant 0 : i32
        %dma_start3A_235 = tpu.memref_slice %arg2[%dma_start3A_233, %dma_start3A_234] : memref<10000x64xf32, #tpu.memory_space<hbm>> -> memref<10000x64xf32, #tpu.memory_space<hbm>>
        tpu.enqueue_indirect_dma source(%dma_start3A_235 : memref<10000x64xf32, #tpu.memory_space<hbm>>) target(%dma_start3A_229 : memref<128x64xf32, #tpu.memory_space<vmem>>) offsets(%dma_start3A_232 : memref<128xi32, #tpu.memory_space<vmem>>) semaphore(%arg13 : memref<!tpu.dma_semaphore, #tpu.memory_space<semaphore_mem>>)
      } else {
      }
      %sub3A_191 = arith.constant 3 : i32
      %sub3A_192 = arith.subi %add3A_185, %sub3A_191 : i32
      %ge3A_193 = arith.constant 0 : i32
      %ge3A_194 = arith.cmpi sge, %sub3A_192, %ge3A_193 : i32
      %lt3A_195 = arith.constant 78 : i32
      %lt3A_196 = arith.cmpi slt, %sub3A_192, %lt3A_195 : i32
      %and3A_197 = arith.andi %ge3A_194, %lt3A_196 : i1
      %convert_element_type3A_198 = arith.extui %and3A_197 : i1 to i32
      %cond3A_199 = arith.constant 0 : i32
      %cond3A_200 = arith.cmpi ne, %convert_element_type3A_198, %cond3A_199 : i32
      scf.if %cond3A_200 {
        %dma_wait3A_221 = arith.constant 1 : i32
        %dma_wait3A_222 = arith.constant 0 : i32
        %dma_wait3A_223 = arith.constant 0 : i32
        %dma_wait3A_224 = tpu.memref_slice %arg7[%dma_wait3A_221, %dma_wait3A_222, %dma_wait3A_223] : memref<6x128x64xf32, #tpu.memory_space<vmem>> -> memref<1x128x64xf32, #tpu.memory_space<vmem>>
        %dma_wait3A_225 = tpu.memref_squeeze %dma_wait3A_224 : memref<1x128x64xf32, #tpu.memory_space<vmem>> -> memref<128x64xf32, #tpu.memory_space<vmem>>
        %dma_wait3A_226 = arith.constant 0 : i32
        %dma_wait3A_227 = tpu.memref_slice %arg5[%sub3A_192, %dma_wait3A_226] : memref<79x128xi32, #tpu.memory_space<vmem>> -> memref<1x128xi32, #tpu.memory_space<vmem>>
        %dma_wait3A_228 = tpu.memref_squeeze %dma_wait3A_227 : memref<1x128xi32, #tpu.memory_space<vmem>> -> memref<128xi32, #tpu.memory_space<vmem>>
        %dma_wait3A_229 = arith.constant 0 : i32
        %dma_wait3A_230 = arith.constant 0 : i32
        %dma_wait3A_231 = tpu.memref_slice %arg2[%dma_wait3A_229, %dma_wait3A_230] : memref<10000x64xf32, #tpu.memory_space<hbm>> -> memref<10000x64xf32, #tpu.memory_space<hbm>>
        tpu.wait_indirect_dma semaphore(%arg10 : memref<!tpu.dma_semaphore, #tpu.memory_space<semaphore_mem>>) src(%dma_wait3A_231 : memref<10000x64xf32, #tpu.memory_space<hbm>>) dst(%dma_wait3A_225 : memref<128x64xf32, #tpu.memory_space<vmem>>)
        %dma_start3A = arith.constant 1 : i32
        %dma_start3A_232 = arith.constant 0 : i32
        %dma_start3A_233 = arith.constant 0 : i32
        %dma_start3A_234 = tpu.memref_slice %arg7[%dma_start3A, %dma_start3A_232, %dma_start3A_233] : memref<6x128x64xf32, #tpu.memory_space<vmem>> -> memref<1x128x64xf32, #tpu.memory_space<vmem>>
        %dma_start3A_235 = tpu.memref_squeeze %dma_start3A_234 : memref<1x128x64xf32, #tpu.memory_space<vmem>> -> memref<128x64xf32, #tpu.memory_space<vmem>>
        %dma_start3A_236 = arith.constant 0 : i32
        %dma_start3A_237 = tpu.memref_slice %arg6[%sub3A_192, %dma_start3A_236] : memref<79x128xi32, #tpu.memory_space<vmem>> -> memref<1x128xi32, #tpu.memory_space<vmem>>
        %dma_start3A_238 = tpu.memref_squeeze %dma_start3A_237 : memref<1x128xi32, #tpu.memory_space<vmem>> -> memref<128xi32, #tpu.memory_space<vmem>>
        %dma_start3A_239 = arith.constant 0 : i32
        %dma_start3A_240 = arith.constant 0 : i32
        %dma_start3A_241 = tpu.memref_slice %arg8[%dma_start3A_239, %dma_start3A_240] : memref<10240x64xf32, #tpu.memory_space<vmem_shared>> -> memref<10240x64xf32, #tpu.memory_space<vmem_shared>>
        tpu.enqueue_indirect_dma source(%dma_start3A_235 : memref<128x64xf32, #tpu.memory_space<vmem>>) target(%dma_start3A_241 : memref<10240x64xf32, #tpu.memory_space<vmem_shared>>) offsets(%dma_start3A_238 : memref<128xi32, #tpu.memory_space<vmem>>) semaphore(%arg16 : memref<!tpu.dma_semaphore, #tpu.memory_space<semaphore_mem>>) {add = true}
      } else {
      }
      %mul3A_201 = arith.constant 6 : i32
      %mul3A_202 = arith.muli %scan3A_107, %mul3A_201 : i32
      %add3A_203 = arith.constant 5 : i32
      %add3A_204 = arith.addi %mul3A_202, %add3A_203 : i32
      %lt3A_205 = arith.constant 78 : i32
      %lt3A_206 = arith.cmpi slt, %add3A_204, %lt3A_205 : i32
      %convert_element_type3A_207 = arith.extui %lt3A_206 : i1 to i32
      %cond3A_208 = arith.constant 0 : i32
      %cond3A_209 = arith.cmpi ne, %convert_element_type3A_207, %cond3A_208 : i32
      scf.if %cond3A_209 {
        %ge3A_221 = arith.constant 6 : i32
        %ge3A_222 = arith.cmpi sge, %add3A_204, %ge3A_221 : i32
        %convert_element_type3A_223 = arith.extui %ge3A_222 : i1 to i32
        %cond3A_224 = arith.constant 0 : i32
        %cond3A_225 = arith.cmpi ne, %convert_element_type3A_223, %cond3A_224 : i32
        scf.if %cond3A_225 {
          %sub3A_236 = arith.constant 6 : i32
          %sub3A_237 = arith.subi %add3A_204, %sub3A_236 : i32
          %dma_wait3A_238 = arith.constant 5 : i32
          %dma_wait3A_239 = arith.constant 0 : i32
          %dma_wait3A_240 = arith.constant 0 : i32
          %dma_wait3A_241 = tpu.memref_slice %arg7[%dma_wait3A_238, %dma_wait3A_239, %dma_wait3A_240] : memref<6x128x64xf32, #tpu.memory_space<vmem>> -> memref<1x128x64xf32, #tpu.memory_space<vmem>>
          %dma_wait3A_242 = tpu.memref_squeeze %dma_wait3A_241 : memref<1x128x64xf32, #tpu.memory_space<vmem>> -> memref<128x64xf32, #tpu.memory_space<vmem>>
          %dma_wait3A_243 = arith.constant 0 : i32
          %dma_wait3A_244 = tpu.memref_slice %arg6[%sub3A_237, %dma_wait3A_243] : memref<79x128xi32, #tpu.memory_space<vmem>> -> memref<1x128xi32, #tpu.memory_space<vmem>>
          %dma_wait3A_245 = tpu.memref_squeeze %dma_wait3A_244 : memref<1x128xi32, #tpu.memory_space<vmem>> -> memref<128xi32, #tpu.memory_space<vmem>>
          %dma_wait3A_246 = arith.constant 0 : i32
          %dma_wait3A_247 = arith.constant 0 : i32
          %dma_wait3A_248 = tpu.memref_slice %arg8[%dma_wait3A_246, %dma_wait3A_247] : memref<10240x64xf32, #tpu.memory_space<vmem_shared>> -> memref<10240x64xf32, #tpu.memory_space<vmem_shared>>
          tpu.wait_indirect_dma semaphore(%arg20 : memref<!tpu.dma_semaphore, #tpu.memory_space<semaphore_mem>>) src(%dma_wait3A_242 : memref<128x64xf32, #tpu.memory_space<vmem>>) dst(%dma_wait3A_248 : memref<10240x64xf32, #tpu.memory_space<vmem_shared>>)
        } else {
        }
        %dma_start3A = arith.constant 5 : i32
        %dma_start3A_226 = arith.constant 0 : i32
        %dma_start3A_227 = arith.constant 0 : i32
        %dma_start3A_228 = tpu.memref_slice %arg7[%dma_start3A, %dma_start3A_226, %dma_start3A_227] : memref<6x128x64xf32, #tpu.memory_space<vmem>> -> memref<1x128x64xf32, #tpu.memory_space<vmem>>
        %dma_start3A_229 = tpu.memref_squeeze %dma_start3A_228 : memref<1x128x64xf32, #tpu.memory_space<vmem>> -> memref<128x64xf32, #tpu.memory_space<vmem>>
        %dma_start3A_230 = arith.constant 0 : i32
        %dma_start3A_231 = tpu.memref_slice %arg5[%add3A_204, %dma_start3A_230] : memref<79x128xi32, #tpu.memory_space<vmem>> -> memref<1x128xi32, #tpu.memory_space<vmem>>
        %dma_start3A_232 = tpu.memref_squeeze %dma_start3A_231 : memref<1x128xi32, #tpu.memory_space<vmem>> -> memref<128xi32, #tpu.memory_space<vmem>>
        %dma_start3A_233 = arith.constant 0 : i32
        %dma_start3A_234 = arith.constant 0 : i32
        %dma_start3A_235 = tpu.memref_slice %arg2[%dma_start3A_233, %dma_start3A_234] : memref<10000x64xf32, #tpu.memory_space<hbm>> -> memref<10000x64xf32, #tpu.memory_space<hbm>>
        tpu.enqueue_indirect_dma source(%dma_start3A_235 : memref<10000x64xf32, #tpu.memory_space<hbm>>) target(%dma_start3A_229 : memref<128x64xf32, #tpu.memory_space<vmem>>) offsets(%dma_start3A_232 : memref<128xi32, #tpu.memory_space<vmem>>) semaphore(%arg14 : memref<!tpu.dma_semaphore, #tpu.memory_space<semaphore_mem>>)
      } else {
      }
      %sub3A_210 = arith.constant 3 : i32
      %sub3A_211 = arith.subi %add3A_204, %sub3A_210 : i32
      %ge3A_212 = arith.constant 0 : i32
      %ge3A_213 = arith.cmpi sge, %sub3A_211, %ge3A_212 : i32
      %lt3A_214 = arith.constant 78 : i32
      %lt3A_215 = arith.cmpi slt, %sub3A_211, %lt3A_214 : i32
      %and3A_216 = arith.andi %ge3A_213, %lt3A_215 : i1
      %convert_element_type3A_217 = arith.extui %and3A_216 : i1 to i32
      %cond3A_218 = arith.constant 0 : i32
      %cond3A_219 = arith.cmpi ne, %convert_element_type3A_217, %cond3A_218 : i32
      scf.if %cond3A_219 {
        %dma_wait3A_221 = arith.constant 2 : i32
        %dma_wait3A_222 = arith.constant 0 : i32
        %dma_wait3A_223 = arith.constant 0 : i32
        %dma_wait3A_224 = tpu.memref_slice %arg7[%dma_wait3A_221, %dma_wait3A_222, %dma_wait3A_223] : memref<6x128x64xf32, #tpu.memory_space<vmem>> -> memref<1x128x64xf32, #tpu.memory_space<vmem>>
        %dma_wait3A_225 = tpu.memref_squeeze %dma_wait3A_224 : memref<1x128x64xf32, #tpu.memory_space<vmem>> -> memref<128x64xf32, #tpu.memory_space<vmem>>
        %dma_wait3A_226 = arith.constant 0 : i32
        %dma_wait3A_227 = tpu.memref_slice %arg5[%sub3A_211, %dma_wait3A_226] : memref<79x128xi32, #tpu.memory_space<vmem>> -> memref<1x128xi32, #tpu.memory_space<vmem>>
        %dma_wait3A_228 = tpu.memref_squeeze %dma_wait3A_227 : memref<1x128xi32, #tpu.memory_space<vmem>> -> memref<128xi32, #tpu.memory_space<vmem>>
        %dma_wait3A_229 = arith.constant 0 : i32
        %dma_wait3A_230 = arith.constant 0 : i32
        %dma_wait3A_231 = tpu.memref_slice %arg2[%dma_wait3A_229, %dma_wait3A_230] : memref<10000x64xf32, #tpu.memory_space<hbm>> -> memref<10000x64xf32, #tpu.memory_space<hbm>>
        tpu.wait_indirect_dma semaphore(%arg11 : memref<!tpu.dma_semaphore, #tpu.memory_space<semaphore_mem>>) src(%dma_wait3A_231 : memref<10000x64xf32, #tpu.memory_space<hbm>>) dst(%dma_wait3A_225 : memref<128x64xf32, #tpu.memory_space<vmem>>)
        %dma_start3A = arith.constant 2 : i32
        %dma_start3A_232 = arith.constant 0 : i32
        %dma_start3A_233 = arith.constant 0 : i32
        %dma_start3A_234 = tpu.memref_slice %arg7[%dma_start3A, %dma_start3A_232, %dma_start3A_233] : memref<6x128x64xf32, #tpu.memory_space<vmem>> -> memref<1x128x64xf32, #tpu.memory_space<vmem>>
        %dma_start3A_235 = tpu.memref_squeeze %dma_start3A_234 : memref<1x128x64xf32, #tpu.memory_space<vmem>> -> memref<128x64xf32, #tpu.memory_space<vmem>>
        %dma_start3A_236 = arith.constant 0 : i32
        %dma_start3A_237 = tpu.memref_slice %arg6[%sub3A_211, %dma_start3A_236] : memref<79x128xi32, #tpu.memory_space<vmem>> -> memref<1x128xi32, #tpu.memory_space<vmem>>
        %dma_start3A_238 = tpu.memref_squeeze %dma_start3A_237 : memref<1x128xi32, #tpu.memory_space<vmem>> -> memref<128xi32, #tpu.memory_space<vmem>>
        %dma_start3A_239 = arith.constant 0 : i32
        %dma_start3A_240 = arith.constant 0 : i32
        %dma_start3A_241 = tpu.memref_slice %arg8[%dma_start3A_239, %dma_start3A_240] : memref<10240x64xf32, #tpu.memory_space<vmem_shared>> -> memref<10240x64xf32, #tpu.memory_space<vmem_shared>>
        tpu.enqueue_indirect_dma source(%dma_start3A_235 : memref<128x64xf32, #tpu.memory_space<vmem>>) target(%dma_start3A_241 : memref<10240x64xf32, #tpu.memory_space<vmem_shared>>) offsets(%dma_start3A_238 : memref<128xi32, #tpu.memory_space<vmem>>) semaphore(%arg17 : memref<!tpu.dma_semaphore, #tpu.memory_space<semaphore_mem>>) {add = true}
      } else {
      }
      %scan3A_220 = arith.constant 0 : i32
      scf.yield %scan3A_220 : i32
    }
    %scan3A_27 = arith.constant 14 : i32
    %dma_wait3A = arith.constant 0 : i32
    %dma_wait3A_28 = arith.constant 72 : i32
    %dma_wait3A_29 = arith.constant 0 : i32
    %dma_wait3A_30 = arith.constant 0 : i32
    %dma_wait3A_31 = tpu.memref_slice %arg7[%dma_wait3A, %dma_wait3A_29, %dma_wait3A_30] : memref<6x128x64xf32, #tpu.memory_space<vmem>> -> memref<1x128x64xf32, #tpu.memory_space<vmem>>
    %dma_wait3A_32 = tpu.memref_squeeze %dma_wait3A_31 : memref<1x128x64xf32, #tpu.memory_space<vmem>> -> memref<128x64xf32, #tpu.memory_space<vmem>>
    %dma_wait3A_33 = arith.constant 0 : i32
    %dma_wait3A_34 = tpu.memref_slice %arg6[%dma_wait3A_28, %dma_wait3A_33] : memref<79x128xi32, #tpu.memory_space<vmem>> -> memref<1x128xi32, #tpu.memory_space<vmem>>
    %dma_wait3A_35 = tpu.memref_squeeze %dma_wait3A_34 : memref<1x128xi32, #tpu.memory_space<vmem>> -> memref<128xi32, #tpu.memory_space<vmem>>
    %dma_wait3A_36 = arith.constant 0 : i32
    %dma_wait3A_37 = arith.constant 0 : i32
    %dma_wait3A_38 = tpu.memref_slice %arg8[%dma_wait3A_36, %dma_wait3A_37] : memref<10240x64xf32, #tpu.memory_space<vmem_shared>> -> memref<10240x64xf32, #tpu.memory_space<vmem_shared>>
    tpu.wait_indirect_dma semaphore(%arg15 : memref<!tpu.dma_semaphore, #tpu.memory_space<semaphore_mem>>) src(%dma_wait3A_32 : memref<128x64xf32, #tpu.memory_space<vmem>>) dst(%dma_wait3A_38 : memref<10240x64xf32, #tpu.memory_space<vmem_shared>>)
    %dma_wait3A_39 = arith.constant 1 : i32
    %dma_wait3A_40 = arith.constant 73 : i32
    %dma_wait3A_41 = arith.constant 0 : i32
    %dma_wait3A_42 = arith.constant 0 : i32
    %dma_wait3A_43 = tpu.memref_slice %arg7[%dma_wait3A_39, %dma_wait3A_41, %dma_wait3A_42] : memref<6x128x64xf32, #tpu.memory_space<vmem>> -> memref<1x128x64xf32, #tpu.memory_space<vmem>>
    %dma_wait3A_44 = tpu.memref_squeeze %dma_wait3A_43 : memref<1x128x64xf32, #tpu.memory_space<vmem>> -> memref<128x64xf32, #tpu.memory_space<vmem>>
    %dma_wait3A_45 = arith.constant 0 : i32
    %dma_wait3A_46 = tpu.memref_slice %arg6[%dma_wait3A_40, %dma_wait3A_45] : memref<79x128xi32, #tpu.memory_space<vmem>> -> memref<1x128xi32, #tpu.memory_space<vmem>>
    %dma_wait3A_47 = tpu.memref_squeeze %dma_wait3A_46 : memref<1x128xi32, #tpu.memory_space<vmem>> -> memref<128xi32, #tpu.memory_space<vmem>>
    %dma_wait3A_48 = arith.constant 0 : i32
    %dma_wait3A_49 = arith.constant 0 : i32
    %dma_wait3A_50 = tpu.memref_slice %arg8[%dma_wait3A_48, %dma_wait3A_49] : memref<10240x64xf32, #tpu.memory_space<vmem_shared>> -> memref<10240x64xf32, #tpu.memory_space<vmem_shared>>
    tpu.wait_indirect_dma semaphore(%arg16 : memref<!tpu.dma_semaphore, #tpu.memory_space<semaphore_mem>>) src(%dma_wait3A_44 : memref<128x64xf32, #tpu.memory_space<vmem>>) dst(%dma_wait3A_50 : memref<10240x64xf32, #tpu.memory_space<vmem_shared>>)
    %dma_wait3A_51 = arith.constant 2 : i32
    %dma_wait3A_52 = arith.constant 74 : i32
    %dma_wait3A_53 = arith.constant 0 : i32
    %dma_wait3A_54 = arith.constant 0 : i32
    %dma_wait3A_55 = tpu.memref_slice %arg7[%dma_wait3A_51, %dma_wait3A_53, %dma_wait3A_54] : memref<6x128x64xf32, #tpu.memory_space<vmem>> -> memref<1x128x64xf32, #tpu.memory_space<vmem>>
    %dma_wait3A_56 = tpu.memref_squeeze %dma_wait3A_55 : memref<1x128x64xf32, #tpu.memory_space<vmem>> -> memref<128x64xf32, #tpu.memory_space<vmem>>
    %dma_wait3A_57 = arith.constant 0 : i32
    %dma_wait3A_58 = tpu.memref_slice %arg6[%dma_wait3A_52, %dma_wait3A_57] : memref<79x128xi32, #tpu.memory_space<vmem>> -> memref<1x128xi32, #tpu.memory_space<vmem>>
    %dma_wait3A_59 = tpu.memref_squeeze %dma_wait3A_58 : memref<1x128xi32, #tpu.memory_space<vmem>> -> memref<128xi32, #tpu.memory_space<vmem>>
    %dma_wait3A_60 = arith.constant 0 : i32
    %dma_wait3A_61 = arith.constant 0 : i32
    %dma_wait3A_62 = tpu.memref_slice %arg8[%dma_wait3A_60, %dma_wait3A_61] : memref<10240x64xf32, #tpu.memory_space<vmem_shared>> -> memref<10240x64xf32, #tpu.memory_space<vmem_shared>>
    tpu.wait_indirect_dma semaphore(%arg17 : memref<!tpu.dma_semaphore, #tpu.memory_space<semaphore_mem>>) src(%dma_wait3A_56 : memref<128x64xf32, #tpu.memory_space<vmem>>) dst(%dma_wait3A_62 : memref<10240x64xf32, #tpu.memory_space<vmem_shared>>)
    %dma_wait3A_63 = arith.constant 3 : i32
    %dma_wait3A_64 = arith.constant 75 : i32
    %dma_wait3A_65 = arith.constant 0 : i32
    %dma_wait3A_66 = arith.constant 0 : i32
    %dma_wait3A_67 = tpu.memref_slice %arg7[%dma_wait3A_63, %dma_wait3A_65, %dma_wait3A_66] : memref<6x128x64xf32, #tpu.memory_space<vmem>> -> memref<1x128x64xf32, #tpu.memory_space<vmem>>
    %dma_wait3A_68 = tpu.memref_squeeze %dma_wait3A_67 : memref<1x128x64xf32, #tpu.memory_space<vmem>> -> memref<128x64xf32, #tpu.memory_space<vmem>>
    %dma_wait3A_69 = arith.constant 0 : i32
    %dma_wait3A_70 = tpu.memref_slice %arg6[%dma_wait3A_64, %dma_wait3A_69] : memref<79x128xi32, #tpu.memory_space<vmem>> -> memref<1x128xi32, #tpu.memory_space<vmem>>
    %dma_wait3A_71 = tpu.memref_squeeze %dma_wait3A_70 : memref<1x128xi32, #tpu.memory_space<vmem>> -> memref<128xi32, #tpu.memory_space<vmem>>
    %dma_wait3A_72 = arith.constant 0 : i32
    %dma_wait3A_73 = arith.constant 0 : i32
    %dma_wait3A_74 = tpu.memref_slice %arg8[%dma_wait3A_72, %dma_wait3A_73] : memref<10240x64xf32, #tpu.memory_space<vmem_shared>> -> memref<10240x64xf32, #tpu.memory_space<vmem_shared>>
    tpu.wait_indirect_dma semaphore(%arg18 : memref<!tpu.dma_semaphore, #tpu.memory_space<semaphore_mem>>) src(%dma_wait3A_68 : memref<128x64xf32, #tpu.memory_space<vmem>>) dst(%dma_wait3A_74 : memref<10240x64xf32, #tpu.memory_space<vmem_shared>>)
    %dma_wait3A_75 = arith.constant 4 : i32
    %dma_wait3A_76 = arith.constant 76 : i32
    %dma_wait3A_77 = arith.constant 0 : i32
    %dma_wait3A_78 = arith.constant 0 : i32
    %dma_wait3A_79 = tpu.memref_slice %arg7[%dma_wait3A_75, %dma_wait3A_77, %dma_wait3A_78] : memref<6x128x64xf32, #tpu.memory_space<vmem>> -> memref<1x128x64xf32, #tpu.memory_space<vmem>>
    %dma_wait3A_80 = tpu.memref_squeeze %dma_wait3A_79 : memref<1x128x64xf32, #tpu.memory_space<vmem>> -> memref<128x64xf32, #tpu.memory_space<vmem>>
    %dma_wait3A_81 = arith.constant 0 : i32
    %dma_wait3A_82 = tpu.memref_slice %arg6[%dma_wait3A_76, %dma_wait3A_81] : memref<79x128xi32, #tpu.memory_space<vmem>> -> memref<1x128xi32, #tpu.memory_space<vmem>>
    %dma_wait3A_83 = tpu.memref_squeeze %dma_wait3A_82 : memref<1x128xi32, #tpu.memory_space<vmem>> -> memref<128xi32, #tpu.memory_space<vmem>>
    %dma_wait3A_84 = arith.constant 0 : i32
    %dma_wait3A_85 = arith.constant 0 : i32
    %dma_wait3A_86 = tpu.memref_slice %arg8[%dma_wait3A_84, %dma_wait3A_85] : memref<10240x64xf32, #tpu.memory_space<vmem_shared>> -> memref<10240x64xf32, #tpu.memory_space<vmem_shared>>
    tpu.wait_indirect_dma semaphore(%arg19 : memref<!tpu.dma_semaphore, #tpu.memory_space<semaphore_mem>>) src(%dma_wait3A_80 : memref<128x64xf32, #tpu.memory_space<vmem>>) dst(%dma_wait3A_86 : memref<10240x64xf32, #tpu.memory_space<vmem_shared>>)
    %dma_wait3A_87 = arith.constant 5 : i32
    %dma_wait3A_88 = arith.constant 77 : i32
    %dma_wait3A_89 = arith.constant 0 : i32
    %dma_wait3A_90 = arith.constant 0 : i32
    %dma_wait3A_91 = tpu.memref_slice %arg7[%dma_wait3A_87, %dma_wait3A_89, %dma_wait3A_90] : memref<6x128x64xf32, #tpu.memory_space<vmem>> -> memref<1x128x64xf32, #tpu.memory_space<vmem>>
    %dma_wait3A_92 = tpu.memref_squeeze %dma_wait3A_91 : memref<1x128x64xf32, #tpu.memory_space<vmem>> -> memref<128x64xf32, #tpu.memory_space<vmem>>
    %dma_wait3A_93 = arith.constant 0 : i32
    %dma_wait3A_94 = tpu.memref_slice %arg6[%dma_wait3A_88, %dma_wait3A_93] : memref<79x128xi32, #tpu.memory_space<vmem>> -> memref<1x128xi32, #tpu.memory_space<vmem>>
    %dma_wait3A_95 = tpu.memref_squeeze %dma_wait3A_94 : memref<1x128xi32, #tpu.memory_space<vmem>> -> memref<128xi32, #tpu.memory_space<vmem>>
    %dma_wait3A_96 = arith.constant 0 : i32
    %dma_wait3A_97 = arith.constant 0 : i32
    %dma_wait3A_98 = tpu.memref_slice %arg8[%dma_wait3A_96, %dma_wait3A_97] : memref<10240x64xf32, #tpu.memory_space<vmem_shared>> -> memref<10240x64xf32, #tpu.memory_space<vmem_shared>>
    tpu.wait_indirect_dma semaphore(%arg20 : memref<!tpu.dma_semaphore, #tpu.memory_space<semaphore_mem>>) src(%dma_wait3A_92 : memref<128x64xf32, #tpu.memory_space<vmem>>) dst(%dma_wait3A_98 : memref<10240x64xf32, #tpu.memory_space<vmem_shared>>)
    %convert_element_type3A_99 = arith.extui %lt3A_1 : i1 to i32
    %cond3A_100 = arith.constant 0 : i32
    %cond3A_101 = arith.cmpi ne, %convert_element_type3A_99, %cond3A_100 : i32
    scf.if %cond3A_101 {
      %dma_start3A = arith.constant 78 : i32
      %dma_start3A_107 = arith.constant 0 : i32
      %dma_start3A_108 = arith.constant 0 : i32
      %dma_start3A_109 = arith.constant 0 : i32
      %dma_start3A_110 = tpu.memref_slice %arg7[%dma_start3A_107, %dma_start3A_108, %dma_start3A_109] : memref<6x128x64xf32, #tpu.memory_space<vmem>> -> memref<1x128x64xf32, #tpu.memory_space<vmem>>
      %dma_start3A_111 = tpu.memref_squeeze %dma_start3A_110 : memref<1x128x64xf32, #tpu.memory_space<vmem>> -> memref<128x64xf32, #tpu.memory_space<vmem>>
      %dma_start3A_112 = arith.constant 0 : i32
      %dma_start3A_113 = tpu.memref_slice %arg5[%dma_start3A, %dma_start3A_112] : memref<79x128xi32, #tpu.memory_space<vmem>> -> memref<1x128xi32, #tpu.memory_space<vmem>>
      %dma_start3A_114 = tpu.memref_squeeze %dma_start3A_113 : memref<1x128xi32, #tpu.memory_space<vmem>> -> memref<128xi32, #tpu.memory_space<vmem>>
      %dma_start3A_115 = arith.constant 0 : i32
      %dma_start3A_116 = arith.constant 0 : i32
      %dma_start3A_117 = tpu.memref_slice %arg2[%dma_start3A_115, %dma_start3A_116] : memref<10000x64xf32, #tpu.memory_space<hbm>> -> memref<10000x64xf32, #tpu.memory_space<hbm>>
      tpu.enqueue_indirect_dma source(%dma_start3A_117 : memref<10000x64xf32, #tpu.memory_space<hbm>>) target(%dma_start3A_111 : memref<128x64xf32, #tpu.memory_space<vmem>>) offsets(%dma_start3A_114 : memref<128xi32, #tpu.memory_space<vmem>>) semaphore(%arg9 : memref<!tpu.dma_semaphore, #tpu.memory_space<semaphore_mem>>)
      %dma_wait3A_118 = arith.constant 78 : i32
      %dma_wait3A_119 = arith.constant 0 : i32
      %dma_wait3A_120 = arith.constant 0 : i32
      %dma_wait3A_121 = arith.constant 0 : i32
      %dma_wait3A_122 = tpu.memref_slice %arg7[%dma_wait3A_119, %dma_wait3A_120, %dma_wait3A_121] : memref<6x128x64xf32, #tpu.memory_space<vmem>> -> memref<1x128x64xf32, #tpu.memory_space<vmem>>
      %dma_wait3A_123 = tpu.memref_squeeze %dma_wait3A_122 : memref<1x128x64xf32, #tpu.memory_space<vmem>> -> memref<128x64xf32, #tpu.memory_space<vmem>>
      %dma_wait3A_124 = arith.constant 0 : i32
      %dma_wait3A_125 = tpu.memref_slice %arg5[%dma_wait3A_118, %dma_wait3A_124] : memref<79x128xi32, #tpu.memory_space<vmem>> -> memref<1x128xi32, #tpu.memory_space<vmem>>
      %dma_wait3A_126 = tpu.memref_squeeze %dma_wait3A_125 : memref<1x128xi32, #tpu.memory_space<vmem>> -> memref<128xi32, #tpu.memory_space<vmem>>
      %dma_wait3A_127 = arith.constant 0 : i32
      %dma_wait3A_128 = arith.constant 0 : i32
      %dma_wait3A_129 = tpu.memref_slice %arg2[%dma_wait3A_127, %dma_wait3A_128] : memref<10000x64xf32, #tpu.memory_space<hbm>> -> memref<10000x64xf32, #tpu.memory_space<hbm>>
      tpu.wait_indirect_dma semaphore(%arg9 : memref<!tpu.dma_semaphore, #tpu.memory_space<semaphore_mem>>) src(%dma_wait3A_129 : memref<10000x64xf32, #tpu.memory_space<hbm>>) dst(%dma_wait3A_123 : memref<128x64xf32, #tpu.memory_space<vmem>>)
      %run_scoped3A_130 = arith.constant 0 : i32
      %run_scoped3A_131 = arith.constant 78 : i32
      "tpu.region"() ({
        %run_scoped3A_132 = tpu.sem_alloc : memref<!tpu.dma_semaphore, #tpu.memory_space<semaphore_mem>>
        %dma_start3A_133 = arith.constant 0 : i32
        %dma_start3A_134 = arith.constant 0 : i32
        %dma_start3A_135 = tpu.memref_slice %arg7[%run_scoped3A_130, %dma_start3A_133, %dma_start3A_134] : memref<6x128x64xf32, #tpu.memory_space<vmem>> -> memref<1x128x64xf32, #tpu.memory_space<vmem>>
        %dma_start3A_136 = tpu.memref_squeeze %dma_start3A_135 : memref<1x128x64xf32, #tpu.memory_space<vmem>> -> memref<128x64xf32, #tpu.memory_space<vmem>>
        %dma_start3A_137 = arith.constant 0 : i32
        %dma_start3A_138 = tpu.memref_slice %arg6[%run_scoped3A_131, %dma_start3A_137] : memref<79x128xi32, #tpu.memory_space<vmem>> -> memref<1x128xi32, #tpu.memory_space<vmem>>
        %dma_start3A_139 = tpu.memref_squeeze %dma_start3A_138 : memref<1x128xi32, #tpu.memory_space<vmem>> -> memref<128xi32, #tpu.memory_space<vmem>>
        %dma_start3A_140 = arith.constant 0 : i32
        %dma_start3A_141 = arith.constant 0 : i32
        %dma_start3A_142 = tpu.memref_slice %arg8[%dma_start3A_140, %dma_start3A_141] : memref<10240x64xf32, #tpu.memory_space<vmem_shared>> -> memref<10240x64xf32, #tpu.memory_space<vmem_shared>>
        tpu.enqueue_indirect_dma source(%dma_start3A_136 : memref<128x64xf32, #tpu.memory_space<vmem>>) target(%dma_start3A_142 : memref<10240x64xf32, #tpu.memory_space<vmem_shared>>) offsets(%dma_start3A_139 : memref<128xi32, #tpu.memory_space<vmem>>) semaphore(%run_scoped3A_132 : memref<!tpu.dma_semaphore, #tpu.memory_space<semaphore_mem>>) {add = true}
        %dma_wait3A_143 = arith.constant 0 : i32
        %dma_wait3A_144 = arith.constant 0 : i32
        %dma_wait3A_145 = tpu.memref_slice %arg7[%run_scoped3A_130, %dma_wait3A_143, %dma_wait3A_144] : memref<6x128x64xf32, #tpu.memory_space<vmem>> -> memref<1x128x64xf32, #tpu.memory_space<vmem>>
        %dma_wait3A_146 = tpu.memref_squeeze %dma_wait3A_145 : memref<1x128x64xf32, #tpu.memory_space<vmem>> -> memref<128x64xf32, #tpu.memory_space<vmem>>
        %dma_wait3A_147 = arith.constant 0 : i32
        %dma_wait3A_148 = tpu.memref_slice %arg6[%run_scoped3A_131, %dma_wait3A_147] : memref<79x128xi32, #tpu.memory_space<vmem>> -> memref<1x128xi32, #tpu.memory_space<vmem>>
        %dma_wait3A_149 = tpu.memref_squeeze %dma_wait3A_148 : memref<1x128xi32, #tpu.memory_space<vmem>> -> memref<128xi32, #tpu.memory_space<vmem>>
        %dma_wait3A_150 = arith.constant 0 : i32
        %dma_wait3A_151 = arith.constant 0 : i32
        %dma_wait3A_152 = tpu.memref_slice %arg8[%dma_wait3A_150, %dma_wait3A_151] : memref<10240x64xf32, #tpu.memory_space<vmem_shared>> -> memref<10240x64xf32, #tpu.memory_space<vmem_shared>>
        tpu.wait_indirect_dma semaphore(%run_scoped3A_132 : memref<!tpu.dma_semaphore, #tpu.memory_space<semaphore_mem>>) src(%dma_wait3A_146 : memref<128x64xf32, #tpu.memory_space<vmem>>) dst(%dma_wait3A_152 : memref<10240x64xf32, #tpu.memory_space<vmem_shared>>)
        tpu.yield
      }) : () -> ()
    } else {
    }
    %barrier3A_102 = arith.constant 0 : index
    tpu.barrier barrier_id(%barrier3A_102)
    %mul3A_103 = arith.constant 625 : i32
    %mul3A_104 = arith.muli %arg1, %mul3A_103 : i32
    %mul3A_105 = arith.constant 625 : i32
    %mul3A_106 = arith.muli %arg1, %mul3A_105 : i32
    "tpu.region"() ({
      %run_scoped3A_107 = tpu.sem_alloc : memref<!tpu.dma_semaphore, #tpu.memory_space<semaphore_mem>>
      %dma_start3A = arith.constant 0 : i32
      %dma_start3A_108 = tpu.memref_slice %arg4[%arg0, %mul3A_106, %dma_start3A] : memref<2x10000x64xf32, #tpu.memory_space<hbm>> -> memref<1x625x64xf32, #tpu.memory_space<hbm>>
      %dma_start3A_109 = tpu.memref_squeeze %dma_start3A_108 : memref<1x625x64xf32, #tpu.memory_space<hbm>> -> memref<625x64xf32, #tpu.memory_space<hbm>>
      %dma_start3A_110 = arith.constant 0 : i32
      %dma_start3A_111 = tpu.memref_slice %arg8[%mul3A_104, %dma_start3A_110] : memref<10240x64xf32, #tpu.memory_space<vmem_shared>> -> memref<625x64xf32, #tpu.memory_space<vmem_shared>>
      tpu.enqueue_dma source(%dma_start3A_111 : memref<625x64xf32, #tpu.memory_space<vmem_shared>>) target(%dma_start3A_109 : memref<625x64xf32, #tpu.memory_space<hbm>>) target_semaphore(%run_scoped3A_107 : memref<!tpu.dma_semaphore, #tpu.memory_space<semaphore_mem>>)
      %dma_wait3A_112 = arith.constant 0 : i32
      %dma_wait3A_113 = tpu.memref_slice %arg4[%arg0, %mul3A_106, %dma_wait3A_112] : memref<2x10000x64xf32, #tpu.memory_space<hbm>> -> memref<1x625x64xf32, #tpu.memory_space<hbm>>
      %dma_wait3A_114 = tpu.memref_squeeze %dma_wait3A_113 : memref<1x625x64xf32, #tpu.memory_space<hbm>> -> memref<625x64xf32, #tpu.memory_space<hbm>>
      %dma_wait3A_115 = arith.constant 0 : i32
      %dma_wait3A_116 = tpu.memref_slice %arg8[%mul3A_104, %dma_wait3A_115] : memref<10240x64xf32, #tpu.memory_space<vmem_shared>> -> memref<625x64xf32, #tpu.memory_space<vmem_shared>>
      tpu.wait_dma2 semaphore(%run_scoped3A_107 : memref<!tpu.dma_semaphore, #tpu.memory_space<semaphore_mem>>) src(%dma_wait3A_116 : memref<625x64xf32, #tpu.memory_space<vmem_shared>>) dst(%dma_wait3A_114 : memref<625x64xf32, #tpu.memory_space<hbm>>)
      tpu.yield
    }) : () -> ()
    return
  }
}

#map = affine_map<(d0, d1) -> (0, 0)>
#map1 = affine_map<(d0, d1) -> (0, 0, 0)>
module attributes {stable_mosaic.version = 14 : i64} {
  func.func @_sc_scatter(%arg0: i32, %arg1: i32, %arg2: memref<10000x64xf32, #tpu.memory_space<hbm>>, %arg3: memref<2x2500x128xi32, #tpu.memory_space<hbm>>, %arg4: memref<2x10000x64xf32, #tpu.memory_space<hbm>>, %arg5: memref<79x128xi32, #tpu.memory_space<vmem>>, %arg6: memref<79x128xi32, #tpu.memory_space<vmem>>, %arg7: memref<6x128x64xf32, #tpu.memory_space<vmem>>, %arg8: memref<10240x64xf32, #tpu.memory_space<vmem_shared>>, %arg9: memref<!tpu.dma_semaphore, #tpu.memory_space<semaphore_mem>>, %arg10: memref<!tpu.dma_semaphore, #tpu.memory_space<semaphore_mem>>, %arg11: memref<!tpu.dma_semaphore, #tpu.memory_space<semaphore_mem>>, %arg12: memref<!tpu.dma_semaphore, #tpu.memory_space<semaphore_mem>>, %arg13: memref<!tpu.dma_semaphore, #tpu.memory_space<semaphore_mem>>, %arg14: memref<!tpu.dma_semaphore, #tpu.memory_space<semaphore_mem>>, %arg15: memref<!tpu.dma_semaphore, #tpu.memory_space<semaphore_mem>>, %arg16: memref<!tpu.dma_semaphore, #tpu.memory_space<semaphore_mem>>, %arg17: memref<!tpu.dma_semaphore, #tpu.memory_space<semaphore_mem>>, %arg18: memref<!tpu.dma_semaphore, #tpu.memory_space<semaphore_mem>>, %arg19: memref<!tpu.dma_semaphore, #tpu.memory_space<semaphore_mem>>, %arg20: memref<!tpu.dma_semaphore, #tpu.memory_space<semaphore_mem>>) attributes {dimension_semantics = [#tpu.dimension_semantics<core_parallel>, #tpu.dimension_semantics<subcore_parallel>], iteration_bounds = array<i64: 2, 16>, scalar_prefetch = 0 : i64, scratch_operands = 16 : i64, tpu.core_type = #tpu.core_type<sc_vector_subcore>, window_params = [{transform_indices = #map}, {transform_indices = #map1}, {transform_indices = #map1}]} {
    %mul3A = arith.constant 16 : i32
    %mul3A_0 = arith.muli %arg0, %mul3A : i32
    %add3A = arith.addi %mul3A_0, %arg1 : i32
    %lt3A = arith.constant 4 : i32
    %lt3A_1 = arith.cmpi slt, %add3A, %lt3A : i32
    %scan3A = arith.constant 0 : i32
    %scan3A_2 = arith.constant 0 : i32
    %scan3A_3 = arith.constant 512 : i32
    %scan3A_4 = arith.addi %scan3A_2, %scan3A_3 : i32
    %scan3A_5 = arith.constant 1 : i32
    %scan3A_6 = scf.for %scan3A_107 = %scan3A_2 to %scan3A_4 step %scan3A_5 iter_args(%scan3A_108 = %scan3A) -> (i32)  : i32 {
      %jit3A = arith.constant 4 : i32
      %div3A = arith.divsi %scan3A_107, %jit3A : i32
      %sign3A = arith.constant 0 : i32
      %sign3A_109 = arith.cmpi sgt, %scan3A_107, %sign3A : i32
      %sign3A_110 = arith.extui %sign3A_109 : i1 to i32
      %sign3A_111 = arith.constant 0 : i32
      %sign3A_112 = arith.cmpi slt, %scan3A_107, %sign3A_111 : i32
      %sign3A_113 = arith.extui %sign3A_112 : i1 to i32
      %sign3A_114 = arith.subi %sign3A_110, %sign3A_113 : i32
      %sign3A_115 = arith.constant 0 : i32
      %sign3A_116 = arith.cmpi sgt, %jit3A, %sign3A_115 : i32
      %sign3A_117 = arith.extui %sign3A_116 : i1 to i32
      %sign3A_118 = arith.constant 0 : i32
      %sign3A_119 = arith.cmpi slt, %jit3A, %sign3A_118 : i32
      %sign3A_120 = arith.extui %sign3A_119 : i1 to i32
      %sign3A_121 = arith.subi %sign3A_117, %sign3A_120 : i32
      %ne3A = arith.cmpi ne, %sign3A_114, %sign3A_121 : i32
      %rem3A = arith.remsi %scan3A_107, %jit3A : i32
      %ne3A_122 = arith.constant 0 : i32
      %ne3A_123 = arith.cmpi ne, %rem3A, %ne3A_122 : i32
      %and3A = arith.andi %ne3A, %ne3A_123 : i1
      %sub3A = arith.constant 1 : i32
      %sub3A_124 = arith.subi %div3A, %sub3A : i32
      %select_n3A = arith.select %and3A, %sub3A_124, %div3A : i32
      %jit3A_125 = arith.constant 4 : i32
      %eq3A = arith.constant 0 : i32
      %eq3A_126 = arith.cmpi eq, %jit3A_125, %eq3A : i32
      %jit3A_127 = arith.constant 1 : i32
      %select_n3A_128 = arith.select %eq3A_126, %jit3A_127, %jit3A_125 : i32
      %rem3A_129 = arith.remsi %scan3A_107, %select_n3A_128 : i32
      %ne3A_130 = arith.constant 0 : i32
      %ne3A_131 = arith.cmpi ne, %rem3A_129, %ne3A_130 : i32
      %lt3A_132 = arith.constant 0 : i32
      %lt3A_133 = arith.cmpi slt, %rem3A_129, %lt3A_132 : i32
      %lt3A_134 = arith.constant 0 : i32
      %lt3A_135 = arith.cmpi slt, %select_n3A_128, %lt3A_134 : i32
      %ne3A_136 = arith.xori %lt3A_133, %lt3A_135 : i1
      %and3A_137 = arith.andi %ne3A_136, %ne3A_131 : i1
      %add3A_138 = arith.addi %rem3A_129, %select_n3A_128 : i32
      %select_n3A_139 = arith.select %and3A_137, %add3A_138, %rem3A_129 : i32
      %mul3A_140 = arith.constant 16 : i32
      %mul3A_141 = arith.muli %select_n3A_139, %mul3A_140 : i32
      %broadcast_in_dim3A = arith.constant 0.000000e+00 : f32
      %broadcast_in_dim3A_142 = vector.broadcast %broadcast_in_dim3A : f32 to vector<16xf32>
      %swap3A = arith.constant 0 : i32
      %swap3A_143 = arith.index_cast %swap3A : i32 to index
      %swap3A_144 = arith.index_cast %select_n3A : i32 to index
      %swap3A_145 = arith.index_cast %mul3A_141 : i32 to index
      %swap3A_146 = tpu.vector_load %arg7[%swap3A_143, %swap3A_144, %swap3A_145] {strides = array<i32>} : memref<6x128x64xf32, #tpu.memory_space<vmem>>, vector<1x1x16xf32>,
      %swap3A_147 = vector.shape_cast %swap3A_146 : vector<1x1x16xf32> to vector<16xf32>
      %swap3A_148 = vector.shape_cast %broadcast_in_dim3A_142 : vector<16xf32> to vector<1x1x16xf32>
      tpu.vector_store %arg7[%swap3A_143, %swap3A_144, %swap3A_145], %swap3A_148 {strides = array<i32>} : memref<6x128x64xf32, #tpu.memory_space<vmem>>, vector<1x1x16xf32>,
      %scan3A_149 = arith.constant 0 : i32
      scf.yield %scan3A_149 : i32
    }
    %scan3A_7 = arith.constant 512 : i32
    %scan3A_8 = arith.constant 0 : i32
    %scan3A_9 = arith.constant 0 : i32
    %scan3A_10 = arith.constant 5 : i32
    %scan3A_11 = arith.addi %scan3A_9, %scan3A_10 : i32
    %scan3A_12 = arith.constant 1 : i32
    %scan3A_13 = scf.for %scan3A_107 = %scan3A_9 to %scan3A_11 step %scan3A_12 iter_args(%scan3A_108 = %scan3A_8) -> (i32)  : i32 {
      %mul3A_109 = arith.constant 640 : i32
      %mul3A_110 = arith.muli %arg1, %mul3A_109 : i32
      %mul3A_111 = arith.constant 128 : i32
      %mul3A_112 = arith.muli %scan3A_107, %mul3A_111 : i32
      %add3A_113 = arith.addi %mul3A_110, %mul3A_112 : i32
      %run_scoped3A_114 = arith.constant 0 : i32
      "tpu.region"() ({
        %run_scoped3A_116 = tpu.sem_alloc : memref<!tpu.dma_semaphore, #tpu.memory_space<semaphore_mem>>
        %dma_start3A = arith.constant 0 : i32
        %dma_start3A_117 = arith.constant 0 : i32
        %dma_start3A_118 = tpu.memref_slice %arg7[%run_scoped3A_114, %dma_start3A, %dma_start3A_117] : memref<6x128x64xf32, #tpu.memory_space<vmem>> -> memref<1x128x64xf32, #tpu.memory_space<vmem>>
        %dma_start3A_119 = tpu.memref_squeeze %dma_start3A_118 : memref<1x128x64xf32, #tpu.memory_space<vmem>> -> memref<128x64xf32, #tpu.memory_space<vmem>>
        %dma_start3A_120 = arith.constant 0 : i32
        %dma_start3A_121 = tpu.memref_slice %arg8[%add3A_113, %dma_start3A_120] : memref<10240x64xf32, #tpu.memory_space<vmem_shared>> -> memref<128x64xf32, #tpu.memory_space<vmem_shared>>
        %dma_start3A_122 = arith.constant 0 : i32
        %dma_start3A_123 = tpu.memref_slice %arg8[%add3A_113, %dma_start3A_122] : memref<10240x64xf32, #tpu.memory_space<vmem_shared>> -> memref<128x64xf32, #tpu.memory_space<vmem_shared>>
        %dma_start3A_124 = arith.constant 0 : i32
        %dma_start3A_125 = arith.constant 0 : i32
        %dma_start3A_126 = tpu.memref_slice %arg7[%run_scoped3A_114, %dma_start3A_124, %dma_start3A_125] : memref<6x128x64xf32, #tpu.memory_space<vmem>> -> memref<1x128x64xf32, #tpu.memory_space<vmem>>
        %dma_start3A_127 = tpu.memref_squeeze %dma_start3A_126 : memref<1x128x64xf32, #tpu.memory_space<vmem>> -> memref<128x64xf32, #tpu.memory_space<vmem>>
        tpu.enqueue_dma source(%dma_start3A_127 : memref<128x64xf32, #tpu.memory_space<vmem>>) target(%dma_start3A_123 : memref<128x64xf32, #tpu.memory_space<vmem_shared>>) target_semaphore(%run_scoped3A_116 : memref<!tpu.dma_semaphore, #tpu.memory_space<semaphore_mem>>)
        %dma_wait3A_128 = arith.constant 0 : i32
        %dma_wait3A_129 = arith.constant 0 : i32
        %dma_wait3A_130 = tpu.memref_slice %arg7[%run_scoped3A_114, %dma_wait3A_128, %dma_wait3A_129] : memref<6x128x64xf32, #tpu.memory_space<vmem>> -> memref<1x128x64xf32, #tpu.memory_space<vmem>>
        %dma_wait3A_131 = tpu.memref_squeeze %dma_wait3A_130 : memref<1x128x64xf32, #tpu.memory_space<vmem>> -> memref<128x64xf32, #tpu.memory_space<vmem>>
        %dma_wait3A_132 = arith.constant 0 : i32
        %dma_wait3A_133 = tpu.memref_slice %arg8[%add3A_113, %dma_wait3A_132] : memref<10240x64xf32, #tpu.memory_space<vmem_shared>> -> memref<128x64xf32, #tpu.memory_space<vmem_shared>>
        %dma_wait3A_134 = arith.constant 0 : i32
        %dma_wait3A_135 = tpu.memref_slice %arg8[%add3A_113, %dma_wait3A_134] : memref<10240x64xf32, #tpu.memory_space<vmem_shared>> -> memref<128x64xf32, #tpu.memory_space<vmem_shared>>
        %dma_wait3A_136 = arith.constant 0 : i32
        %dma_wait3A_137 = arith.constant 0 : i32
        %dma_wait3A_138 = tpu.memref_slice %arg7[%run_scoped3A_114, %dma_wait3A_136, %dma_wait3A_137] : memref<6x128x64xf32, #tpu.memory_space<vmem>> -> memref<1x128x64xf32, #tpu.memory_space<vmem>>
        %dma_wait3A_139 = tpu.memref_squeeze %dma_wait3A_138 : memref<1x128x64xf32, #tpu.memory_space<vmem>> -> memref<128x64xf32, #tpu.memory_space<vmem>>
        tpu.wait_dma2 semaphore(%run_scoped3A_116 : memref<!tpu.dma_semaphore, #tpu.memory_space<semaphore_mem>>) src(%dma_wait3A_139 : memref<128x64xf32, #tpu.memory_space<vmem>>) dst(%dma_wait3A_135 : memref<128x64xf32, #tpu.memory_space<vmem_shared>>)
        tpu.yield
      }) : () -> ()
      %scan3A_115 = arith.constant 0 : i32
      scf.yield %scan3A_115 : i32
    }
    %scan3A_14 = arith.constant 5 : i32
    %barrier3A = arith.constant 0 : index
    tpu.barrier barrier_id(%barrier3A)
    %mul3A_15 = arith.constant 78 : i32
    %mul3A_16 = arith.muli %add3A, %mul3A_15 : i32
    %run_scoped3A = arith.constant 0 : i32
    "tpu.region"() ({
      %run_scoped3A_107 = tpu.sem_alloc : memref<!tpu.dma_semaphore, #tpu.memory_space<semaphore_mem>>
      %dma_start3A = arith.constant 0 : i32
      %dma_start3A_108 = arith.constant 0 : i32
      %dma_start3A_109 = tpu.memref_slice %arg5[%dma_start3A, %dma_start3A_108] : memref<79x128xi32, #tpu.memory_space<vmem>> -> memref<78x128xi32, #tpu.memory_space<vmem>>
      %dma_start3A_110 = arith.constant 0 : i32
      %dma_start3A_111 = tpu.memref_slice %arg3[%run_scoped3A, %mul3A_16, %dma_start3A_110] : memref<2x2500x128xi32, #tpu.memory_space<hbm>> -> memref<1x78x128xi32, #tpu.memory_space<hbm>>
      %dma_start3A_112 = tpu.memref_squeeze %dma_start3A_111 : memref<1x78x128xi32, #tpu.memory_space<hbm>> -> memref<78x128xi32, #tpu.memory_space<hbm>>
      %dma_start3A_113 = arith.constant 0 : i32
      %dma_start3A_114 = arith.constant 0 : i32
      %dma_start3A_115 = tpu.memref_slice %arg5[%dma_start3A_113, %dma_start3A_114] : memref<79x128xi32, #tpu.memory_space<vmem>> -> memref<78x128xi32, #tpu.memory_space<vmem>>
      %dma_start3A_116 = arith.constant 0 : i32
      %dma_start3A_117 = tpu.memref_slice %arg3[%run_scoped3A, %mul3A_16, %dma_start3A_116] : memref<2x2500x128xi32, #tpu.memory_space<hbm>> -> memref<1x78x128xi32, #tpu.memory_space<hbm>>
      %dma_start3A_118 = tpu.memref_squeeze %dma_start3A_117 : memref<1x78x128xi32, #tpu.memory_space<hbm>> -> memref<78x128xi32, #tpu.memory_space<hbm>>
      tpu.enqueue_dma source(%dma_start3A_118 : memref<78x128xi32, #tpu.memory_space<hbm>>) target(%dma_start3A_115 : memref<78x128xi32, #tpu.memory_space<vmem>>) target_semaphore(%run_scoped3A_107 : memref<!tpu.dma_semaphore, #tpu.memory_space<semaphore_mem>>)
      %dma_wait3A_119 = arith.constant 0 : i32
      %dma_wait3A_120 = arith.constant 0 : i32
      %dma_wait3A_121 = tpu.memref_slice %arg5[%dma_wait3A_119, %dma_wait3A_120] : memref<79x128xi32, #tpu.memory_space<vmem>> -> memref<78x128xi32, #tpu.memory_space<vmem>>
      %dma_wait3A_122 = arith.constant 0 : i32
      %dma_wait3A_123 = tpu.memref_slice %arg3[%run_scoped3A, %mul3A_16, %dma_wait3A_122] : memref<2x2500x128xi32, #tpu.memory_space<hbm>> -> memref<1x78x128xi32, #tpu.memory_space<hbm>>
      %dma_wait3A_124 = tpu.memref_squeeze %dma_wait3A_123 : memref<1x78x128xi32, #tpu.memory_space<hbm>> -> memref<78x128xi32, #tpu.memory_space<hbm>>
      %dma_wait3A_125 = arith.constant 0 : i32
      %dma_wait3A_126 = arith.constant 0 : i32
      %dma_wait3A_127 = tpu.memref_slice %arg5[%dma_wait3A_125, %dma_wait3A_126] : memref<79x128xi32, #tpu.memory_space<vmem>> -> memref<78x128xi32, #tpu.memory_space<vmem>>
      %dma_wait3A_128 = arith.constant 0 : i32
      %dma_wait3A_129 = tpu.memref_slice %arg3[%run_scoped3A, %mul3A_16, %dma_wait3A_128] : memref<2x2500x128xi32, #tpu.memory_space<hbm>> -> memref<1x78x128xi32, #tpu.memory_space<hbm>>
      %dma_wait3A_130 = tpu.memref_squeeze %dma_wait3A_129 : memref<1x78x128xi32, #tpu.memory_space<hbm>> -> memref<78x128xi32, #tpu.memory_space<hbm>>
      tpu.wait_dma2 semaphore(%run_scoped3A_107 : memref<!tpu.dma_semaphore, #tpu.memory_space<semaphore_mem>>) src(%dma_wait3A_130 : memref<78x128xi32, #tpu.memory_space<hbm>>) dst(%dma_wait3A_127 : memref<78x128xi32, #tpu.memory_space<vmem>>)
      tpu.yield
    }) : () -> ()
    %mul3A_17 = arith.constant 78 : i32
    %mul3A_18 = arith.muli %add3A, %mul3A_17 : i32
    %run_scoped3A_19 = arith.constant 1 : i32
    "tpu.region"() ({
      %run_scoped3A_107 = tpu.sem_alloc : memref<!tpu.dma_semaphore, #tpu.memory_space<semaphore_mem>>
      %dma_start3A = arith.constant 0 : i32
      %dma_start3A_108 = arith.constant 0 : i32
      %dma_start3A_109 = tpu.memref_slice %arg6[%dma_start3A, %dma_start3A_108] : memref<79x128xi32, #tpu.memory_space<vmem>> -> memref<78x128xi32, #tpu.memory_space<vmem>>
      %dma_start3A_110 = arith.constant 0 : i32
      %dma_start3A_111 = tpu.memref_slice %arg3[%run_scoped3A_19, %mul3A_18, %dma_start3A_110] : memref<2x2500x128xi32, #tpu.memory_space<hbm>> -> memref<1x78x128xi32, #tpu.memory_space<hbm>>
      %dma_start3A_112 = tpu.memref_squeeze %dma_start3A_111 : memref<1x78x128xi32, #tpu.memory_space<hbm>> -> memref<78x128xi32, #tpu.memory_space<hbm>>
      %dma_start3A_113 = arith.constant 0 : i32
      %dma_start3A_114 = arith.constant 0 : i32
      %dma_start3A_115 = tpu.memref_slice %arg6[%dma_start3A_113, %dma_start3A_114] : memref<79x128xi32, #tpu.memory_space<vmem>> -> memref<78x128xi32, #tpu.memory_space<vmem>>
      %dma_start3A_116 = arith.constant 0 : i32
      %dma_start3A_117 = tpu.memref_slice %arg3[%run_scoped3A_19, %mul3A_18, %dma_start3A_116] : memref<2x2500x128xi32, #tpu.memory_space<hbm>> -> memref<1x78x128xi32, #tpu.memory_space<hbm>>
      %dma_start3A_118 = tpu.memref_squeeze %dma_start3A_117 : memref<1x78x128xi32, #tpu.memory_space<hbm>> -> memref<78x128xi32, #tpu.memory_space<hbm>>
      tpu.enqueue_dma source(%dma_start3A_118 : memref<78x128xi32, #tpu.memory_space<hbm>>) target(%dma_start3A_115 : memref<78x128xi32, #tpu.memory_space<vmem>>) target_semaphore(%run_scoped3A_107 : memref<!tpu.dma_semaphore, #tpu.memory_space<semaphore_mem>>)
      %dma_wait3A_119 = arith.constant 0 : i32
      %dma_wait3A_120 = arith.constant 0 : i32
      %dma_wait3A_121 = tpu.memref_slice %arg6[%dma_wait3A_119, %dma_wait3A_120] : memref<79x128xi32, #tpu.memory_space<vmem>> -> memref<78x128xi32, #tpu.memory_space<vmem>>
      %dma_wait3A_122 = arith.constant 0 : i32
      %dma_wait3A_123 = tpu.memref_slice %arg3[%run_scoped3A_19, %mul3A_18, %dma_wait3A_122] : memref<2x2500x128xi32, #tpu.memory_space<hbm>> -> memref<1x78x128xi32, #tpu.memory_space<hbm>>
      %dma_wait3A_124 = tpu.memref_squeeze %dma_wait3A_123 : memref<1x78x128xi32, #tpu.memory_space<hbm>> -> memref<78x128xi32, #tpu.memory_space<hbm>>
      %dma_wait3A_125 = arith.constant 0 : i32
      %dma_wait3A_126 = arith.constant 0 : i32
      %dma_wait3A_127 = tpu.memref_slice %arg6[%dma_wait3A_125, %dma_wait3A_126] : memref<79x128xi32, #tpu.memory_space<vmem>> -> memref<78x128xi32, #tpu.memory_space<vmem>>
      %dma_wait3A_128 = arith.constant 0 : i32
      %dma_wait3A_129 = tpu.memref_slice %arg3[%run_scoped3A_19, %mul3A_18, %dma_wait3A_128] : memref<2x2500x128xi32, #tpu.memory_space<hbm>> -> memref<1x78x128xi32, #tpu.memory_space<hbm>>
      %dma_wait3A_130 = tpu.memref_squeeze %dma_wait3A_129 : memref<1x78x128xi32, #tpu.memory_space<hbm>> -> memref<78x128xi32, #tpu.memory_space<hbm>>
      tpu.wait_dma2 semaphore(%run_scoped3A_107 : memref<!tpu.dma_semaphore, #tpu.memory_space<semaphore_mem>>) src(%dma_wait3A_130 : memref<78x128xi32, #tpu.memory_space<hbm>>) dst(%dma_wait3A_127 : memref<78x128xi32, #tpu.memory_space<vmem>>)
      tpu.yield
    }) : () -> ()
    %convert_element_type3A = arith.extui %lt3A_1 : i1 to i32
    %cond3A = arith.constant 0 : i32
    %cond3A_20 = arith.cmpi ne, %convert_element_type3A, %cond3A : i32
    scf.if %cond3A_20 {
      %add3A_107 = arith.constant 2496 : i32
      %add3A_108 = arith.addi %add3A_107, %add3A : i32
      %run_scoped3A_109 = arith.constant 0 : i32
      %run_scoped3A_110 = arith.constant 78 : i32
      "tpu.region"() ({
        %run_scoped3A_115 = tpu.sem_alloc : memref<!tpu.dma_semaphore, #tpu.memory_space<semaphore_mem>>
        %dma_start3A = arith.constant 0 : i32
        %dma_start3A_116 = tpu.memref_slice %arg5[%run_scoped3A_110, %dma_start3A] : memref<79x128xi32, #tpu.memory_space<vmem>> -> memref<1x128xi32, #tpu.memory_space<vmem>>
        %dma_start3A_117 = tpu.memref_squeeze %dma_start3A_116 : memref<1x128xi32, #tpu.memory_space<vmem>> -> memref<128xi32, #tpu.memory_space<vmem>>
        %dma_start3A_118 = arith.constant 0 : i32
        %dma_start3A_119 = tpu.memref_slice %arg3[%run_scoped3A_109, %add3A_108, %dma_start3A_118] : memref<2x2500x128xi32, #tpu.memory_space<hbm>> -> memref<1x1x128xi32, #tpu.memory_space<hbm>>
        %dma_start3A_120 = tpu.memref_squeeze %dma_start3A_119 : memref<1x1x128xi32, #tpu.memory_space<hbm>> -> memref<128xi32, #tpu.memory_space<hbm>>
        %dma_start3A_121 = arith.constant 0 : i32
        %dma_start3A_122 = tpu.memref_slice %arg5[%run_scoped3A_110, %dma_start3A_121] : memref<79x128xi32, #tpu.memory_space<vmem>> -> memref<1x128xi32, #tpu.memory_space<vmem>>
        %dma_start3A_123 = tpu.memref_squeeze %dma_start3A_122 : memref<1x128xi32, #tpu.memory_space<vmem>> -> memref<128xi32, #tpu.memory_space<vmem>>
        %dma_start3A_124 = arith.constant 0 : i32
        %dma_start3A_125 = tpu.memref_slice %arg3[%run_scoped3A_109, %add3A_108, %dma_start3A_124] : memref<2x2500x128xi32, #tpu.memory_space<hbm>> -> memref<1x1x128xi32, #tpu.memory_space<hbm>>
        %dma_start3A_126 = tpu.memref_squeeze %dma_start3A_125 : memref<1x1x128xi32, #tpu.memory_space<hbm>> -> memref<128xi32, #tpu.memory_space<hbm>>
        tpu.enqueue_dma source(%dma_start3A_126 : memref<128xi32, #tpu.memory_space<hbm>>) target(%dma_start3A_123 : memref<128xi32, #tpu.memory_space<vmem>>) target_semaphore(%run_scoped3A_115 : memref<!tpu.dma_semaphore, #tpu.memory_space<semaphore_mem>>)
        %dma_wait3A_127 = arith.constant 0 : i32
        %dma_wait3A_128 = tpu.memref_slice %arg5[%run_scoped3A_110, %dma_wait3A_127] : memref<79x128xi32, #tpu.memory_space<vmem>> -> memref<1x128xi32, #tpu.memory_space<vmem>>
        %dma_wait3A_129 = tpu.memref_squeeze %dma_wait3A_128 : memref<1x128xi32, #tpu.memory_space<vmem>> -> memref<128xi32, #tpu.memory_space<vmem>>
        %dma_wait3A_130 = arith.constant 0 : i32
        %dma_wait3A_131 = tpu.memref_slice %arg3[%run_scoped3A_109, %add3A_108, %dma_wait3A_130] : memref<2x2500x128xi32, #tpu.memory_space<hbm>> -> memref<1x1x128xi32, #tpu.memory_space<hbm>>
        %dma_wait3A_132 = tpu.memref_squeeze %dma_wait3A_131 : memref<1x1x128xi32, #tpu.memory_space<hbm>> -> memref<128xi32, #tpu.memory_space<hbm>>
        %dma_wait3A_133 = arith.constant 0 : i32
        %dma_wait3A_134 = tpu.memref_slice %arg5[%run_scoped3A_110, %dma_wait3A_133] : memref<79x128xi32, #tpu.memory_space<vmem>> -> memref<1x128xi32, #tpu.memory_space<vmem>>
        %dma_wait3A_135 = tpu.memref_squeeze %dma_wait3A_134 : memref<1x128xi32, #tpu.memory_space<vmem>> -> memref<128xi32, #tpu.memory_space<vmem>>
        %dma_wait3A_136 = arith.constant 0 : i32
        %dma_wait3A_137 = tpu.memref_slice %arg3[%run_scoped3A_109, %add3A_108, %dma_wait3A_136] : memref<2x2500x128xi32, #tpu.memory_space<hbm>> -> memref<1x1x128xi32, #tpu.memory_space<hbm>>
        %dma_wait3A_138 = tpu.memref_squeeze %dma_wait3A_137 : memref<1x1x128xi32, #tpu.memory_space<hbm>> -> memref<128xi32, #tpu.memory_space<hbm>>
        tpu.wait_dma2 semaphore(%run_scoped3A_115 : memref<!tpu.dma_semaphore, #tpu.memory_space<semaphore_mem>>) src(%dma_wait3A_138 : memref<128xi32, #tpu.memory_space<hbm>>) dst(%dma_wait3A_135 : memref<128xi32, #tpu.memory_space<vmem>>)
        tpu.yield
      }) : () -> ()
      %add3A_111 = arith.constant 2496 : i32
      %add3A_112 = arith.addi %add3A_111, %add3A : i32
      %run_scoped3A_113 = arith.constant 1 : i32
      %run_scoped3A_114 = arith.constant 78 : i32
      "tpu.region"() ({
        %run_scoped3A_115 = tpu.sem_alloc : memref<!tpu.dma_semaphore, #tpu.memory_space<semaphore_mem>>
        %dma_start3A = arith.constant 0 : i32
        %dma_start3A_116 = tpu.memref_slice %arg6[%run_scoped3A_114, %dma_start3A] : memref<79x128xi32, #tpu.memory_space<vmem>> -> memref<1x128xi32, #tpu.memory_space<vmem>>
        %dma_start3A_117 = tpu.memref_squeeze %dma_start3A_116 : memref<1x128xi32, #tpu.memory_space<vmem>> -> memref<128xi32, #tpu.memory_space<vmem>>
        %dma_start3A_118 = arith.constant 0 : i32
        %dma_start3A_119 = tpu.memref_slice %arg3[%run_scoped3A_113, %add3A_112, %dma_start3A_118] : memref<2x2500x128xi32, #tpu.memory_space<hbm>> -> memref<1x1x128xi32, #tpu.memory_space<hbm>>
        %dma_start3A_120 = tpu.memref_squeeze %dma_start3A_119 : memref<1x1x128xi32, #tpu.memory_space<hbm>> -> memref<128xi32, #tpu.memory_space<hbm>>
        %dma_start3A_121 = arith.constant 0 : i32
        %dma_start3A_122 = tpu.memref_slice %arg6[%run_scoped3A_114, %dma_start3A_121] : memref<79x128xi32, #tpu.memory_space<vmem>> -> memref<1x128xi32, #tpu.memory_space<vmem>>
        %dma_start3A_123 = tpu.memref_squeeze %dma_start3A_122 : memref<1x128xi32, #tpu.memory_space<vmem>> -> memref<128xi32, #tpu.memory_space<vmem>>
        %dma_start3A_124 = arith.constant 0 : i32
        %dma_start3A_125 = tpu.memref_slice %arg3[%run_scoped3A_113, %add3A_112, %dma_start3A_124] : memref<2x2500x128xi32, #tpu.memory_space<hbm>> -> memref<1x1x128xi32, #tpu.memory_space<hbm>>
        %dma_start3A_126 = tpu.memref_squeeze %dma_start3A_125 : memref<1x1x128xi32, #tpu.memory_space<hbm>> -> memref<128xi32, #tpu.memory_space<hbm>>
        tpu.enqueue_dma source(%dma_start3A_126 : memref<128xi32, #tpu.memory_space<hbm>>) target(%dma_start3A_123 : memref<128xi32, #tpu.memory_space<vmem>>) target_semaphore(%run_scoped3A_115 : memref<!tpu.dma_semaphore, #tpu.memory_space<semaphore_mem>>)
        %dma_wait3A_127 = arith.constant 0 : i32
        %dma_wait3A_128 = tpu.memref_slice %arg6[%run_scoped3A_114, %dma_wait3A_127] : memref<79x128xi32, #tpu.memory_space<vmem>> -> memref<1x128xi32, #tpu.memory_space<vmem>>
        %dma_wait3A_129 = tpu.memref_squeeze %dma_wait3A_128 : memref<1x128xi32, #tpu.memory_space<vmem>> -> memref<128xi32, #tpu.memory_space<vmem>>
        %dma_wait3A_130 = arith.constant 0 : i32
        %dma_wait3A_131 = tpu.memref_slice %arg3[%run_scoped3A_113, %add3A_112, %dma_wait3A_130] : memref<2x2500x128xi32, #tpu.memory_space<hbm>> -> memref<1x1x128xi32, #tpu.memory_space<hbm>>
        %dma_wait3A_132 = tpu.memref_squeeze %dma_wait3A_131 : memref<1x1x128xi32, #tpu.memory_space<hbm>> -> memref<128xi32, #tpu.memory_space<hbm>>
        %dma_wait3A_133 = arith.constant 0 : i32
        %dma_wait3A_134 = tpu.memref_slice %arg6[%run_scoped3A_114, %dma_wait3A_133] : memref<79x128xi32, #tpu.memory_space<vmem>> -> memref<1x128xi32, #tpu.memory_space<vmem>>
        %dma_wait3A_135 = tpu.memref_squeeze %dma_wait3A_134 : memref<1x128xi32, #tpu.memory_space<vmem>> -> memref<128xi32, #tpu.memory_space<vmem>>
        %dma_wait3A_136 = arith.constant 0 : i32
        %dma_wait3A_137 = tpu.memref_slice %arg3[%run_scoped3A_113, %add3A_112, %dma_wait3A_136] : memref<2x2500x128xi32, #tpu.memory_space<hbm>> -> memref<1x1x128xi32, #tpu.memory_space<hbm>>
        %dma_wait3A_138 = tpu.memref_squeeze %dma_wait3A_137 : memref<1x1x128xi32, #tpu.memory_space<hbm>> -> memref<128xi32, #tpu.memory_space<hbm>>
        tpu.wait_dma2 semaphore(%run_scoped3A_115 : memref<!tpu.dma_semaphore, #tpu.memory_space<semaphore_mem>>) src(%dma_wait3A_138 : memref<128xi32, #tpu.memory_space<hbm>>) dst(%dma_wait3A_135 : memref<128xi32, #tpu.memory_space<vmem>>)
        tpu.yield
      }) : () -> ()
    } else {
    }
    %scan3A_21 = arith.constant 0 : i32
    %scan3A_22 = arith.constant 0 : i32
    %scan3A_23 = arith.constant 14 : i32
    %scan3A_24 = arith.addi %scan3A_22, %scan3A_23 : i32
    %scan3A_25 = arith.constant 1 : i32
    %scan3A_26 = scf.for %scan3A_107 = %scan3A_22 to %scan3A_24 step %scan3A_25 iter_args(%scan3A_108 = %scan3A_21) -> (i32)  : i32 {
      %mul3A_109 = arith.constant 6 : i32
      %mul3A_110 = arith.muli %scan3A_107, %mul3A_109 : i32
      %add3A_111 = arith.constant 0 : i32
      %add3A_112 = arith.addi %mul3A_110, %add3A_111 : i32
      %lt3A_113 = arith.constant 78 : i32
      %lt3A_114 = arith.cmpi slt, %add3A_112, %lt3A_113 : i32
      %convert_element_type3A_115 = arith.extui %lt3A_114 : i1 to i32
      %cond3A_116 = arith.constant 0 : i32
      %cond3A_117 = arith.cmpi ne, %convert_element_type3A_115, %cond3A_116 : i32
      scf.if %cond3A_117 {
        %ge3A_221 = arith.constant 6 : i32
        %ge3A_222 = arith.cmpi sge, %add3A_112, %ge3A_221 : i32
        %convert_element_type3A_223 = arith.extui %ge3A_222 : i1 to i32
        %cond3A_224 = arith.constant 0 : i32
        %cond3A_225 = arith.cmpi ne, %convert_element_type3A_223, %cond3A_224 : i32
        scf.if %cond3A_225 {
          %sub3A_236 = arith.constant 6 : i32
          %sub3A_237 = arith.subi %add3A_112, %sub3A_236 : i32
          %dma_wait3A_238 = arith.constant 0 : i32
          %dma_wait3A_239 = arith.constant 0 : i32
          %dma_wait3A_240 = arith.constant 0 : i32
          %dma_wait3A_241 = tpu.memref_slice %arg7[%dma_wait3A_238, %dma_wait3A_239, %dma_wait3A_240] : memref<6x128x64xf32, #tpu.memory_space<vmem>> -> memref<1x128x64xf32, #tpu.memory_space<vmem>>
          %dma_wait3A_242 = tpu.memref_squeeze %dma_wait3A_241 : memref<1x128x64xf32, #tpu.memory_space<vmem>> -> memref<128x64xf32, #tpu.memory_space<vmem>>
          %dma_wait3A_243 = arith.constant 0 : i32
          %dma_wait3A_244 = tpu.memref_slice %arg6[%sub3A_237, %dma_wait3A_243] : memref<79x128xi32, #tpu.memory_space<vmem>> -> memref<1x128xi32, #tpu.memory_space<vmem>>
          %dma_wait3A_245 = tpu.memref_squeeze %dma_wait3A_244 : memref<1x128xi32, #tpu.memory_space<vmem>> -> memref<128xi32, #tpu.memory_space<vmem>>
          %dma_wait3A_246 = arith.constant 0 : i32
          %dma_wait3A_247 = arith.constant 0 : i32
          %dma_wait3A_248 = tpu.memref_slice %arg8[%dma_wait3A_246, %dma_wait3A_247] : memref<10240x64xf32, #tpu.memory_space<vmem_shared>> -> memref<10240x64xf32, #tpu.memory_space<vmem_shared>>
          tpu.wait_indirect_dma semaphore(%arg15 : memref<!tpu.dma_semaphore, #tpu.memory_space<semaphore_mem>>) src(%dma_wait3A_242 : memref<128x64xf32, #tpu.memory_space<vmem>>) dst(%dma_wait3A_248 : memref<10240x64xf32, #tpu.memory_space<vmem_shared>>)
        } else {
        }
        %dma_start3A = arith.constant 0 : i32
        %dma_start3A_226 = arith.constant 0 : i32
        %dma_start3A_227 = arith.constant 0 : i32
        %dma_start3A_228 = tpu.memref_slice %arg7[%dma_start3A, %dma_start3A_226, %dma_start3A_227] : memref<6x128x64xf32, #tpu.memory_space<vmem>> -> memref<1x128x64xf32, #tpu.memory_space<vmem>>
        %dma_start3A_229 = tpu.memref_squeeze %dma_start3A_228 : memref<1x128x64xf32, #tpu.memory_space<vmem>> -> memref<128x64xf32, #tpu.memory_space<vmem>>
        %dma_start3A_230 = arith.constant 0 : i32
        %dma_start3A_231 = tpu.memref_slice %arg5[%add3A_112, %dma_start3A_230] : memref<79x128xi32, #tpu.memory_space<vmem>> -> memref<1x128xi32, #tpu.memory_space<vmem>>
        %dma_start3A_232 = tpu.memref_squeeze %dma_start3A_231 : memref<1x128xi32, #tpu.memory_space<vmem>> -> memref<128xi32, #tpu.memory_space<vmem>>
        %dma_start3A_233 = arith.constant 0 : i32
        %dma_start3A_234 = arith.constant 0 : i32
        %dma_start3A_235 = tpu.memref_slice %arg2[%dma_start3A_233, %dma_start3A_234] : memref<10000x64xf32, #tpu.memory_space<hbm>> -> memref<10000x64xf32, #tpu.memory_space<hbm>>
        tpu.enqueue_indirect_dma source(%dma_start3A_235 : memref<10000x64xf32, #tpu.memory_space<hbm>>) target(%dma_start3A_229 : memref<128x64xf32, #tpu.memory_space<vmem>>) offsets(%dma_start3A_232 : memref<128xi32, #tpu.memory_space<vmem>>) semaphore(%arg9 : memref<!tpu.dma_semaphore, #tpu.memory_space<semaphore_mem>>)
      } else {
      }
      %sub3A = arith.constant 3 : i32
      %sub3A_118 = arith.subi %add3A_112, %sub3A : i32
      %ge3A = arith.constant 0 : i32
      %ge3A_119 = arith.cmpi sge, %sub3A_118, %ge3A : i32
      %lt3A_120 = arith.constant 78 : i32
      %lt3A_121 = arith.cmpi slt, %sub3A_118, %lt3A_120 : i32
      %and3A = arith.andi %ge3A_119, %lt3A_121 : i1
      %convert_element_type3A_122 = arith.extui %and3A : i1 to i32
      %cond3A_123 = arith.constant 0 : i32
      %cond3A_124 = arith.cmpi ne, %convert_element_type3A_122, %cond3A_123 : i32
      scf.if %cond3A_124 {
        %dma_wait3A_221 = arith.constant 3 : i32
        %dma_wait3A_222 = arith.constant 0 : i32
        %dma_wait3A_223 = arith.constant 0 : i32
        %dma_wait3A_224 = tpu.memref_slice %arg7[%dma_wait3A_221, %dma_wait3A_222, %dma_wait3A_223] : memref<6x128x64xf32, #tpu.memory_space<vmem>> -> memref<1x128x64xf32, #tpu.memory_space<vmem>>
        %dma_wait3A_225 = tpu.memref_squeeze %dma_wait3A_224 : memref<1x128x64xf32, #tpu.memory_space<vmem>> -> memref<128x64xf32, #tpu.memory_space<vmem>>
        %dma_wait3A_226 = arith.constant 0 : i32
        %dma_wait3A_227 = tpu.memref_slice %arg5[%sub3A_118, %dma_wait3A_226] : memref<79x128xi32, #tpu.memory_space<vmem>> -> memref<1x128xi32, #tpu.memory_space<vmem>>
        %dma_wait3A_228 = tpu.memref_squeeze %dma_wait3A_227 : memref<1x128xi32, #tpu.memory_space<vmem>> -> memref<128xi32, #tpu.memory_space<vmem>>
        %dma_wait3A_229 = arith.constant 0 : i32
        %dma_wait3A_230 = arith.constant 0 : i32
        %dma_wait3A_231 = tpu.memref_slice %arg2[%dma_wait3A_229, %dma_wait3A_230] : memref<10000x64xf32, #tpu.memory_space<hbm>> -> memref<10000x64xf32, #tpu.memory_space<hbm>>
        tpu.wait_indirect_dma semaphore(%arg12 : memref<!tpu.dma_semaphore, #tpu.memory_space<semaphore_mem>>) src(%dma_wait3A_231 : memref<10000x64xf32, #tpu.memory_space<hbm>>) dst(%dma_wait3A_225 : memref<128x64xf32, #tpu.memory_space<vmem>>)
        %dma_start3A = arith.constant 3 : i32
        %dma_start3A_232 = arith.constant 0 : i32
        %dma_start3A_233 = arith.constant 0 : i32
        %dma_start3A_234 = tpu.memref_slice %arg7[%dma_start3A, %dma_start3A_232, %dma_start3A_233] : memref<6x128x64xf32, #tpu.memory_space<vmem>> -> memref<1x128x64xf32, #tpu.memory_space<vmem>>
        %dma_start3A_235 = tpu.memref_squeeze %dma_start3A_234 : memref<1x128x64xf32, #tpu.memory_space<vmem>> -> memref<128x64xf32, #tpu.memory_space<vmem>>
        %dma_start3A_236 = arith.constant 0 : i32
        %dma_start3A_237 = tpu.memref_slice %arg6[%sub3A_118, %dma_start3A_236] : memref<79x128xi32, #tpu.memory_space<vmem>> -> memref<1x128xi32, #tpu.memory_space<vmem>>
        %dma_start3A_238 = tpu.memref_squeeze %dma_start3A_237 : memref<1x128xi32, #tpu.memory_space<vmem>> -> memref<128xi32, #tpu.memory_space<vmem>>
        %dma_start3A_239 = arith.constant 0 : i32
        %dma_start3A_240 = arith.constant 0 : i32
        %dma_start3A_241 = tpu.memref_slice %arg8[%dma_start3A_239, %dma_start3A_240] : memref<10240x64xf32, #tpu.memory_space<vmem_shared>> -> memref<10240x64xf32, #tpu.memory_space<vmem_shared>>
        tpu.enqueue_indirect_dma source(%dma_start3A_235 : memref<128x64xf32, #tpu.memory_space<vmem>>) target(%dma_start3A_241 : memref<10240x64xf32, #tpu.memory_space<vmem_shared>>) offsets(%dma_start3A_238 : memref<128xi32, #tpu.memory_space<vmem>>) semaphore(%arg18 : memref<!tpu.dma_semaphore, #tpu.memory_space<semaphore_mem>>) {add = true}
      } else {
      }
      %mul3A_125 = arith.constant 6 : i32
      %mul3A_126 = arith.muli %scan3A_107, %mul3A_125 : i32
      %add3A_127 = arith.constant 1 : i32
      %add3A_128 = arith.addi %mul3A_126, %add3A_127 : i32
      %lt3A_129 = arith.constant 78 : i32
      %lt3A_130 = arith.cmpi slt, %add3A_128, %lt3A_129 : i32
      %convert_element_type3A_131 = arith.extui %lt3A_130 : i1 to i32
      %cond3A_132 = arith.constant 0 : i32
      %cond3A_133 = arith.cmpi ne, %convert_element_type3A_131, %cond3A_132 : i32
      scf.if %cond3A_133 {
        %ge3A_221 = arith.constant 6 : i32
        %ge3A_222 = arith.cmpi sge, %add3A_128, %ge3A_221 : i32
        %convert_element_type3A_223 = arith.extui %ge3A_222 : i1 to i32
        %cond3A_224 = arith.constant 0 : i32
        %cond3A_225 = arith.cmpi ne, %convert_element_type3A_223, %cond3A_224 : i32
        scf.if %cond3A_225 {
          %sub3A_236 = arith.constant 6 : i32
          %sub3A_237 = arith.subi %add3A_128, %sub3A_236 : i32
          %dma_wait3A_238 = arith.constant 1 : i32
          %dma_wait3A_239 = arith.constant 0 : i32
          %dma_wait3A_240 = arith.constant 0 : i32
          %dma_wait3A_241 = tpu.memref_slice %arg7[%dma_wait3A_238, %dma_wait3A_239, %dma_wait3A_240] : memref<6x128x64xf32, #tpu.memory_space<vmem>> -> memref<1x128x64xf32, #tpu.memory_space<vmem>>
          %dma_wait3A_242 = tpu.memref_squeeze %dma_wait3A_241 : memref<1x128x64xf32, #tpu.memory_space<vmem>> -> memref<128x64xf32, #tpu.memory_space<vmem>>
          %dma_wait3A_243 = arith.constant 0 : i32
          %dma_wait3A_244 = tpu.memref_slice %arg6[%sub3A_237, %dma_wait3A_243] : memref<79x128xi32, #tpu.memory_space<vmem>> -> memref<1x128xi32, #tpu.memory_space<vmem>>
          %dma_wait3A_245 = tpu.memref_squeeze %dma_wait3A_244 : memref<1x128xi32, #tpu.memory_space<vmem>> -> memref<128xi32, #tpu.memory_space<vmem>>
          %dma_wait3A_246 = arith.constant 0 : i32
          %dma_wait3A_247 = arith.constant 0 : i32
          %dma_wait3A_248 = tpu.memref_slice %arg8[%dma_wait3A_246, %dma_wait3A_247] : memref<10240x64xf32, #tpu.memory_space<vmem_shared>> -> memref<10240x64xf32, #tpu.memory_space<vmem_shared>>
          tpu.wait_indirect_dma semaphore(%arg16 : memref<!tpu.dma_semaphore, #tpu.memory_space<semaphore_mem>>) src(%dma_wait3A_242 : memref<128x64xf32, #tpu.memory_space<vmem>>) dst(%dma_wait3A_248 : memref<10240x64xf32, #tpu.memory_space<vmem_shared>>)
        } else {
        }
        %dma_start3A = arith.constant 1 : i32
        %dma_start3A_226 = arith.constant 0 : i32
        %dma_start3A_227 = arith.constant 0 : i32
        %dma_start3A_228 = tpu.memref_slice %arg7[%dma_start3A, %dma_start3A_226, %dma_start3A_227] : memref<6x128x64xf32, #tpu.memory_space<vmem>> -> memref<1x128x64xf32, #tpu.memory_space<vmem>>
        %dma_start3A_229 = tpu.memref_squeeze %dma_start3A_228 : memref<1x128x64xf32, #tpu.memory_space<vmem>> -> memref<128x64xf32, #tpu.memory_space<vmem>>
        %dma_start3A_230 = arith.constant 0 : i32
        %dma_start3A_231 = tpu.memref_slice %arg5[%add3A_128, %dma_start3A_230] : memref<79x128xi32, #tpu.memory_space<vmem>> -> memref<1x128xi32, #tpu.memory_space<vmem>>
        %dma_start3A_232 = tpu.memref_squeeze %dma_start3A_231 : memref<1x128xi32, #tpu.memory_space<vmem>> -> memref<128xi32, #tpu.memory_space<vmem>>
        %dma_start3A_233 = arith.constant 0 : i32
        %dma_start3A_234 = arith.constant 0 : i32
        %dma_start3A_235 = tpu.memref_slice %arg2[%dma_start3A_233, %dma_start3A_234] : memref<10000x64xf32, #tpu.memory_space<hbm>> -> memref<10000x64xf32, #tpu.memory_space<hbm>>
        tpu.enqueue_indirect_dma source(%dma_start3A_235 : memref<10000x64xf32, #tpu.memory_space<hbm>>) target(%dma_start3A_229 : memref<128x64xf32, #tpu.memory_space<vmem>>) offsets(%dma_start3A_232 : memref<128xi32, #tpu.memory_space<vmem>>) semaphore(%arg10 : memref<!tpu.dma_semaphore, #tpu.memory_space<semaphore_mem>>)
      } else {
      }
      %sub3A_134 = arith.constant 3 : i32
      %sub3A_135 = arith.subi %add3A_128, %sub3A_134 : i32
      %ge3A_136 = arith.constant 0 : i32
      %ge3A_137 = arith.cmpi sge, %sub3A_135, %ge3A_136 : i32
      %lt3A_138 = arith.constant 78 : i32
      %lt3A_139 = arith.cmpi slt, %sub3A_135, %lt3A_138 : i32
      %and3A_140 = arith.andi %ge3A_137, %lt3A_139 : i1
      %convert_element_type3A_141 = arith.extui %and3A_140 : i1 to i32
      %cond3A_142 = arith.constant 0 : i32
      %cond3A_143 = arith.cmpi ne, %convert_element_type3A_141, %cond3A_142 : i32
      scf.if %cond3A_143 {
        %dma_wait3A_221 = arith.constant 4 : i32
        %dma_wait3A_222 = arith.constant 0 : i32
        %dma_wait3A_223 = arith.constant 0 : i32
        %dma_wait3A_224 = tpu.memref_slice %arg7[%dma_wait3A_221, %dma_wait3A_222, %dma_wait3A_223] : memref<6x128x64xf32, #tpu.memory_space<vmem>> -> memref<1x128x64xf32, #tpu.memory_space<vmem>>
        %dma_wait3A_225 = tpu.memref_squeeze %dma_wait3A_224 : memref<1x128x64xf32, #tpu.memory_space<vmem>> -> memref<128x64xf32, #tpu.memory_space<vmem>>
        %dma_wait3A_226 = arith.constant 0 : i32
        %dma_wait3A_227 = tpu.memref_slice %arg5[%sub3A_135, %dma_wait3A_226] : memref<79x128xi32, #tpu.memory_space<vmem>> -> memref<1x128xi32, #tpu.memory_space<vmem>>
        %dma_wait3A_228 = tpu.memref_squeeze %dma_wait3A_227 : memref<1x128xi32, #tpu.memory_space<vmem>> -> memref<128xi32, #tpu.memory_space<vmem>>
        %dma_wait3A_229 = arith.constant 0 : i32
        %dma_wait3A_230 = arith.constant 0 : i32
        %dma_wait3A_231 = tpu.memref_slice %arg2[%dma_wait3A_229, %dma_wait3A_230] : memref<10000x64xf32, #tpu.memory_space<hbm>> -> memref<10000x64xf32, #tpu.memory_space<hbm>>
        tpu.wait_indirect_dma semaphore(%arg13 : memref<!tpu.dma_semaphore, #tpu.memory_space<semaphore_mem>>) src(%dma_wait3A_231 : memref<10000x64xf32, #tpu.memory_space<hbm>>) dst(%dma_wait3A_225 : memref<128x64xf32, #tpu.memory_space<vmem>>)
        %dma_start3A = arith.constant 4 : i32
        %dma_start3A_232 = arith.constant 0 : i32
        %dma_start3A_233 = arith.constant 0 : i32
        %dma_start3A_234 = tpu.memref_slice %arg7[%dma_start3A, %dma_start3A_232, %dma_start3A_233] : memref<6x128x64xf32, #tpu.memory_space<vmem>> -> memref<1x128x64xf32, #tpu.memory_space<vmem>>
        %dma_start3A_235 = tpu.memref_squeeze %dma_start3A_234 : memref<1x128x64xf32, #tpu.memory_space<vmem>> -> memref<128x64xf32, #tpu.memory_space<vmem>>
        %dma_start3A_236 = arith.constant 0 : i32
        %dma_start3A_237 = tpu.memref_slice %arg6[%sub3A_135, %dma_start3A_236] : memref<79x128xi32, #tpu.memory_space<vmem>> -> memref<1x128xi32, #tpu.memory_space<vmem>>
        %dma_start3A_238 = tpu.memref_squeeze %dma_start3A_237 : memref<1x128xi32, #tpu.memory_space<vmem>> -> memref<128xi32, #tpu.memory_space<vmem>>
        %dma_start3A_239 = arith.constant 0 : i32
        %dma_start3A_240 = arith.constant 0 : i32
        %dma_start3A_241 = tpu.memref_slice %arg8[%dma_start3A_239, %dma_start3A_240] : memref<10240x64xf32, #tpu.memory_space<vmem_shared>> -> memref<10240x64xf32, #tpu.memory_space<vmem_shared>>
        tpu.enqueue_indirect_dma source(%dma_start3A_235 : memref<128x64xf32, #tpu.memory_space<vmem>>) target(%dma_start3A_241 : memref<10240x64xf32, #tpu.memory_space<vmem_shared>>) offsets(%dma_start3A_238 : memref<128xi32, #tpu.memory_space<vmem>>) semaphore(%arg19 : memref<!tpu.dma_semaphore, #tpu.memory_space<semaphore_mem>>) {add = true}
      } else {
      }
      %mul3A_144 = arith.constant 6 : i32
      %mul3A_145 = arith.muli %scan3A_107, %mul3A_144 : i32
      %add3A_146 = arith.constant 2 : i32
      %add3A_147 = arith.addi %mul3A_145, %add3A_146 : i32
      %lt3A_148 = arith.constant 78 : i32
      %lt3A_149 = arith.cmpi slt, %add3A_147, %lt3A_148 : i32
      %convert_element_type3A_150 = arith.extui %lt3A_149 : i1 to i32
      %cond3A_151 = arith.constant 0 : i32
      %cond3A_152 = arith.cmpi ne, %convert_element_type3A_150, %cond3A_151 : i32
      scf.if %cond3A_152 {
        %ge3A_221 = arith.constant 6 : i32
        %ge3A_222 = arith.cmpi sge, %add3A_147, %ge3A_221 : i32
        %convert_element_type3A_223 = arith.extui %ge3A_222 : i1 to i32
        %cond3A_224 = arith.constant 0 : i32
        %cond3A_225 = arith.cmpi ne, %convert_element_type3A_223, %cond3A_224 : i32
        scf.if %cond3A_225 {
          %sub3A_236 = arith.constant 6 : i32
          %sub3A_237 = arith.subi %add3A_147, %sub3A_236 : i32
          %dma_wait3A_238 = arith.constant 2 : i32
          %dma_wait3A_239 = arith.constant 0 : i32
          %dma_wait3A_240 = arith.constant 0 : i32
          %dma_wait3A_241 = tpu.memref_slice %arg7[%dma_wait3A_238, %dma_wait3A_239, %dma_wait3A_240] : memref<6x128x64xf32, #tpu.memory_space<vmem>> -> memref<1x128x64xf32, #tpu.memory_space<vmem>>
          %dma_wait3A_242 = tpu.memref_squeeze %dma_wait3A_241 : memref<1x128x64xf32, #tpu.memory_space<vmem>> -> memref<128x64xf32, #tpu.memory_space<vmem>>
          %dma_wait3A_243 = arith.constant 0 : i32
          %dma_wait3A_244 = tpu.memref_slice %arg6[%sub3A_237, %dma_wait3A_243] : memref<79x128xi32, #tpu.memory_space<vmem>> -> memref<1x128xi32, #tpu.memory_space<vmem>>
          %dma_wait3A_245 = tpu.memref_squeeze %dma_wait3A_244 : memref<1x128xi32, #tpu.memory_space<vmem>> -> memref<128xi32, #tpu.memory_space<vmem>>
          %dma_wait3A_246 = arith.constant 0 : i32
          %dma_wait3A_247 = arith.constant 0 : i32
          %dma_wait3A_248 = tpu.memref_slice %arg8[%dma_wait3A_246, %dma_wait3A_247] : memref<10240x64xf32, #tpu.memory_space<vmem_shared>> -> memref<10240x64xf32, #tpu.memory_space<vmem_shared>>
          tpu.wait_indirect_dma semaphore(%arg17 : memref<!tpu.dma_semaphore, #tpu.memory_space<semaphore_mem>>) src(%dma_wait3A_242 : memref<128x64xf32, #tpu.memory_space<vmem>>) dst(%dma_wait3A_248 : memref<10240x64xf32, #tpu.memory_space<vmem_shared>>)
        } else {
        }
        %dma_start3A = arith.constant 2 : i32
        %dma_start3A_226 = arith.constant 0 : i32
        %dma_start3A_227 = arith.constant 0 : i32
        %dma_start3A_228 = tpu.memref_slice %arg7[%dma_start3A, %dma_start3A_226, %dma_start3A_227] : memref<6x128x64xf32, #tpu.memory_space<vmem>> -> memref<1x128x64xf32, #tpu.memory_space<vmem>>
        %dma_start3A_229 = tpu.memref_squeeze %dma_start3A_228 : memref<1x128x64xf32, #tpu.memory_space<vmem>> -> memref<128x64xf32, #tpu.memory_space<vmem>>
        %dma_start3A_230 = arith.constant 0 : i32
        %dma_start3A_231 = tpu.memref_slice %arg5[%add3A_147, %dma_start3A_230] : memref<79x128xi32, #tpu.memory_space<vmem>> -> memref<1x128xi32, #tpu.memory_space<vmem>>
        %dma_start3A_232 = tpu.memref_squeeze %dma_start3A_231 : memref<1x128xi32, #tpu.memory_space<vmem>> -> memref<128xi32, #tpu.memory_space<vmem>>
        %dma_start3A_233 = arith.constant 0 : i32
        %dma_start3A_234 = arith.constant 0 : i32
        %dma_start3A_235 = tpu.memref_slice %arg2[%dma_start3A_233, %dma_start3A_234] : memref<10000x64xf32, #tpu.memory_space<hbm>> -> memref<10000x64xf32, #tpu.memory_space<hbm>>
        tpu.enqueue_indirect_dma source(%dma_start3A_235 : memref<10000x64xf32, #tpu.memory_space<hbm>>) target(%dma_start3A_229 : memref<128x64xf32, #tpu.memory_space<vmem>>) offsets(%dma_start3A_232 : memref<128xi32, #tpu.memory_space<vmem>>) semaphore(%arg11 : memref<!tpu.dma_semaphore, #tpu.memory_space<semaphore_mem>>)
      } else {
      }
      %sub3A_153 = arith.constant 3 : i32
      %sub3A_154 = arith.subi %add3A_147, %sub3A_153 : i32
      %ge3A_155 = arith.constant 0 : i32
      %ge3A_156 = arith.cmpi sge, %sub3A_154, %ge3A_155 : i32
      %lt3A_157 = arith.constant 78 : i32
      %lt3A_158 = arith.cmpi slt, %sub3A_154, %lt3A_157 : i32
      %and3A_159 = arith.andi %ge3A_156, %lt3A_158 : i1
      %convert_element_type3A_160 = arith.extui %and3A_159 : i1 to i32
      %cond3A_161 = arith.constant 0 : i32
      %cond3A_162 = arith.cmpi ne, %convert_element_type3A_160, %cond3A_161 : i32
      scf.if %cond3A_162 {
        %dma_wait3A_221 = arith.constant 5 : i32
        %dma_wait3A_222 = arith.constant 0 : i32
        %dma_wait3A_223 = arith.constant 0 : i32
        %dma_wait3A_224 = tpu.memref_slice %arg7[%dma_wait3A_221, %dma_wait3A_222, %dma_wait3A_223] : memref<6x128x64xf32, #tpu.memory_space<vmem>> -> memref<1x128x64xf32, #tpu.memory_space<vmem>>
        %dma_wait3A_225 = tpu.memref_squeeze %dma_wait3A_224 : memref<1x128x64xf32, #tpu.memory_space<vmem>> -> memref<128x64xf32, #tpu.memory_space<vmem>>
        %dma_wait3A_226 = arith.constant 0 : i32
        %dma_wait3A_227 = tpu.memref_slice %arg5[%sub3A_154, %dma_wait3A_226] : memref<79x128xi32, #tpu.memory_space<vmem>> -> memref<1x128xi32, #tpu.memory_space<vmem>>
        %dma_wait3A_228 = tpu.memref_squeeze %dma_wait3A_227 : memref<1x128xi32, #tpu.memory_space<vmem>> -> memref<128xi32, #tpu.memory_space<vmem>>
        %dma_wait3A_229 = arith.constant 0 : i32
        %dma_wait3A_230 = arith.constant 0 : i32
        %dma_wait3A_231 = tpu.memref_slice %arg2[%dma_wait3A_229, %dma_wait3A_230] : memref<10000x64xf32, #tpu.memory_space<hbm>> -> memref<10000x64xf32, #tpu.memory_space<hbm>>
        tpu.wait_indirect_dma semaphore(%arg14 : memref<!tpu.dma_semaphore, #tpu.memory_space<semaphore_mem>>) src(%dma_wait3A_231 : memref<10000x64xf32, #tpu.memory_space<hbm>>) dst(%dma_wait3A_225 : memref<128x64xf32, #tpu.memory_space<vmem>>)
        %dma_start3A = arith.constant 5 : i32
        %dma_start3A_232 = arith.constant 0 : i32
        %dma_start3A_233 = arith.constant 0 : i32
        %dma_start3A_234 = tpu.memref_slice %arg7[%dma_start3A, %dma_start3A_232, %dma_start3A_233] : memref<6x128x64xf32, #tpu.memory_space<vmem>> -> memref<1x128x64xf32, #tpu.memory_space<vmem>>
        %dma_start3A_235 = tpu.memref_squeeze %dma_start3A_234 : memref<1x128x64xf32, #tpu.memory_space<vmem>> -> memref<128x64xf32, #tpu.memory_space<vmem>>
        %dma_start3A_236 = arith.constant 0 : i32
        %dma_start3A_237 = tpu.memref_slice %arg6[%sub3A_154, %dma_start3A_236] : memref<79x128xi32, #tpu.memory_space<vmem>> -> memref<1x128xi32, #tpu.memory_space<vmem>>
        %dma_start3A_238 = tpu.memref_squeeze %dma_start3A_237 : memref<1x128xi32, #tpu.memory_space<vmem>> -> memref<128xi32, #tpu.memory_space<vmem>>
        %dma_start3A_239 = arith.constant 0 : i32
        %dma_start3A_240 = arith.constant 0 : i32
        %dma_start3A_241 = tpu.memref_slice %arg8[%dma_start3A_239, %dma_start3A_240] : memref<10240x64xf32, #tpu.memory_space<vmem_shared>> -> memref<10240x64xf32, #tpu.memory_space<vmem_shared>>
        tpu.enqueue_indirect_dma source(%dma_start3A_235 : memref<128x64xf32, #tpu.memory_space<vmem>>) target(%dma_start3A_241 : memref<10240x64xf32, #tpu.memory_space<vmem_shared>>) offsets(%dma_start3A_238 : memref<128xi32, #tpu.memory_space<vmem>>) semaphore(%arg20 : memref<!tpu.dma_semaphore, #tpu.memory_space<semaphore_mem>>) {add = true}
      } else {
      }
      %mul3A_163 = arith.constant 6 : i32
      %mul3A_164 = arith.muli %scan3A_107, %mul3A_163 : i32
      %add3A_165 = arith.constant 3 : i32
      %add3A_166 = arith.addi %mul3A_164, %add3A_165 : i32
      %lt3A_167 = arith.constant 78 : i32
      %lt3A_168 = arith.cmpi slt, %add3A_166, %lt3A_167 : i32
      %convert_element_type3A_169 = arith.extui %lt3A_168 : i1 to i32
      %cond3A_170 = arith.constant 0 : i32
      %cond3A_171 = arith.cmpi ne, %convert_element_type3A_169, %cond3A_170 : i32
      scf.if %cond3A_171 {
        %ge3A_221 = arith.constant 6 : i32
        %ge3A_222 = arith.cmpi sge, %add3A_166, %ge3A_221 : i32
        %convert_element_type3A_223 = arith.extui %ge3A_222 : i1 to i32
        %cond3A_224 = arith.constant 0 : i32
        %cond3A_225 = arith.cmpi ne, %convert_element_type3A_223, %cond3A_224 : i32
        scf.if %cond3A_225 {
          %sub3A_236 = arith.constant 6 : i32
          %sub3A_237 = arith.subi %add3A_166, %sub3A_236 : i32
          %dma_wait3A_238 = arith.constant 3 : i32
          %dma_wait3A_239 = arith.constant 0 : i32
          %dma_wait3A_240 = arith.constant 0 : i32
          %dma_wait3A_241 = tpu.memref_slice %arg7[%dma_wait3A_238, %dma_wait3A_239, %dma_wait3A_240] : memref<6x128x64xf32, #tpu.memory_space<vmem>> -> memref<1x128x64xf32, #tpu.memory_space<vmem>>
          %dma_wait3A_242 = tpu.memref_squeeze %dma_wait3A_241 : memref<1x128x64xf32, #tpu.memory_space<vmem>> -> memref<128x64xf32, #tpu.memory_space<vmem>>
          %dma_wait3A_243 = arith.constant 0 : i32
          %dma_wait3A_244 = tpu.memref_slice %arg6[%sub3A_237, %dma_wait3A_243] : memref<79x128xi32, #tpu.memory_space<vmem>> -> memref<1x128xi32, #tpu.memory_space<vmem>>
          %dma_wait3A_245 = tpu.memref_squeeze %dma_wait3A_244 : memref<1x128xi32, #tpu.memory_space<vmem>> -> memref<128xi32, #tpu.memory_space<vmem>>
          %dma_wait3A_246 = arith.constant 0 : i32
          %dma_wait3A_247 = arith.constant 0 : i32
          %dma_wait3A_248 = tpu.memref_slice %arg8[%dma_wait3A_246, %dma_wait3A_247] : memref<10240x64xf32, #tpu.memory_space<vmem_shared>> -> memref<10240x64xf32, #tpu.memory_space<vmem_shared>>
          tpu.wait_indirect_dma semaphore(%arg18 : memref<!tpu.dma_semaphore, #tpu.memory_space<semaphore_mem>>) src(%dma_wait3A_242 : memref<128x64xf32, #tpu.memory_space<vmem>>) dst(%dma_wait3A_248 : memref<10240x64xf32, #tpu.memory_space<vmem_shared>>)
        } else {
        }
        %dma_start3A = arith.constant 3 : i32
        %dma_start3A_226 = arith.constant 0 : i32
        %dma_start3A_227 = arith.constant 0 : i32
        %dma_start3A_228 = tpu.memref_slice %arg7[%dma_start3A, %dma_start3A_226, %dma_start3A_227] : memref<6x128x64xf32, #tpu.memory_space<vmem>> -> memref<1x128x64xf32, #tpu.memory_space<vmem>>
        %dma_start3A_229 = tpu.memref_squeeze %dma_start3A_228 : memref<1x128x64xf32, #tpu.memory_space<vmem>> -> memref<128x64xf32, #tpu.memory_space<vmem>>
        %dma_start3A_230 = arith.constant 0 : i32
        %dma_start3A_231 = tpu.memref_slice %arg5[%add3A_166, %dma_start3A_230] : memref<79x128xi32, #tpu.memory_space<vmem>> -> memref<1x128xi32, #tpu.memory_space<vmem>>
        %dma_start3A_232 = tpu.memref_squeeze %dma_start3A_231 : memref<1x128xi32, #tpu.memory_space<vmem>> -> memref<128xi32, #tpu.memory_space<vmem>>
        %dma_start3A_233 = arith.constant 0 : i32
        %dma_start3A_234 = arith.constant 0 : i32
        %dma_start3A_235 = tpu.memref_slice %arg2[%dma_start3A_233, %dma_start3A_234] : memref<10000x64xf32, #tpu.memory_space<hbm>> -> memref<10000x64xf32, #tpu.memory_space<hbm>>
        tpu.enqueue_indirect_dma source(%dma_start3A_235 : memref<10000x64xf32, #tpu.memory_space<hbm>>) target(%dma_start3A_229 : memref<128x64xf32, #tpu.memory_space<vmem>>) offsets(%dma_start3A_232 : memref<128xi32, #tpu.memory_space<vmem>>) semaphore(%arg12 : memref<!tpu.dma_semaphore, #tpu.memory_space<semaphore_mem>>)
      } else {
      }
      %sub3A_172 = arith.constant 3 : i32
      %sub3A_173 = arith.subi %add3A_166, %sub3A_172 : i32
      %ge3A_174 = arith.constant 0 : i32
      %ge3A_175 = arith.cmpi sge, %sub3A_173, %ge3A_174 : i32
      %lt3A_176 = arith.constant 78 : i32
      %lt3A_177 = arith.cmpi slt, %sub3A_173, %lt3A_176 : i32
      %and3A_178 = arith.andi %ge3A_175, %lt3A_177 : i1
      %convert_element_type3A_179 = arith.extui %and3A_178 : i1 to i32
      %cond3A_180 = arith.constant 0 : i32
      %cond3A_181 = arith.cmpi ne, %convert_element_type3A_179, %cond3A_180 : i32
      scf.if %cond3A_181 {
        %dma_wait3A_221 = arith.constant 0 : i32
        %dma_wait3A_222 = arith.constant 0 : i32
        %dma_wait3A_223 = arith.constant 0 : i32
        %dma_wait3A_224 = tpu.memref_slice %arg7[%dma_wait3A_221, %dma_wait3A_222, %dma_wait3A_223] : memref<6x128x64xf32, #tpu.memory_space<vmem>> -> memref<1x128x64xf32, #tpu.memory_space<vmem>>
        %dma_wait3A_225 = tpu.memref_squeeze %dma_wait3A_224 : memref<1x128x64xf32, #tpu.memory_space<vmem>> -> memref<128x64xf32, #tpu.memory_space<vmem>>
        %dma_wait3A_226 = arith.constant 0 : i32
        %dma_wait3A_227 = tpu.memref_slice %arg5[%sub3A_173, %dma_wait3A_226] : memref<79x128xi32, #tpu.memory_space<vmem>> -> memref<1x128xi32, #tpu.memory_space<vmem>>
        %dma_wait3A_228 = tpu.memref_squeeze %dma_wait3A_227 : memref<1x128xi32, #tpu.memory_space<vmem>> -> memref<128xi32, #tpu.memory_space<vmem>>
        %dma_wait3A_229 = arith.constant 0 : i32
        %dma_wait3A_230 = arith.constant 0 : i32
        %dma_wait3A_231 = tpu.memref_slice %arg2[%dma_wait3A_229, %dma_wait3A_230] : memref<10000x64xf32, #tpu.memory_space<hbm>> -> memref<10000x64xf32, #tpu.memory_space<hbm>>
        tpu.wait_indirect_dma semaphore(%arg9 : memref<!tpu.dma_semaphore, #tpu.memory_space<semaphore_mem>>) src(%dma_wait3A_231 : memref<10000x64xf32, #tpu.memory_space<hbm>>) dst(%dma_wait3A_225 : memref<128x64xf32, #tpu.memory_space<vmem>>)
        %dma_start3A = arith.constant 0 : i32
        %dma_start3A_232 = arith.constant 0 : i32
        %dma_start3A_233 = arith.constant 0 : i32
        %dma_start3A_234 = tpu.memref_slice %arg7[%dma_start3A, %dma_start3A_232, %dma_start3A_233] : memref<6x128x64xf32, #tpu.memory_space<vmem>> -> memref<1x128x64xf32, #tpu.memory_space<vmem>>
        %dma_start3A_235 = tpu.memref_squeeze %dma_start3A_234 : memref<1x128x64xf32, #tpu.memory_space<vmem>> -> memref<128x64xf32, #tpu.memory_space<vmem>>
        %dma_start3A_236 = arith.constant 0 : i32
        %dma_start3A_237 = tpu.memref_slice %arg6[%sub3A_173, %dma_start3A_236] : memref<79x128xi32, #tpu.memory_space<vmem>> -> memref<1x128xi32, #tpu.memory_space<vmem>>
        %dma_start3A_238 = tpu.memref_squeeze %dma_start3A_237 : memref<1x128xi32, #tpu.memory_space<vmem>> -> memref<128xi32, #tpu.memory_space<vmem>>
        %dma_start3A_239 = arith.constant 0 : i32
        %dma_start3A_240 = arith.constant 0 : i32
        %dma_start3A_241 = tpu.memref_slice %arg8[%dma_start3A_239, %dma_start3A_240] : memref<10240x64xf32, #tpu.memory_space<vmem_shared>> -> memref<10240x64xf32, #tpu.memory_space<vmem_shared>>
        tpu.enqueue_indirect_dma source(%dma_start3A_235 : memref<128x64xf32, #tpu.memory_space<vmem>>) target(%dma_start3A_241 : memref<10240x64xf32, #tpu.memory_space<vmem_shared>>) offsets(%dma_start3A_238 : memref<128xi32, #tpu.memory_space<vmem>>) semaphore(%arg15 : memref<!tpu.dma_semaphore, #tpu.memory_space<semaphore_mem>>) {add = true}
      } else {
      }
      %mul3A_182 = arith.constant 6 : i32
      %mul3A_183 = arith.muli %scan3A_107, %mul3A_182 : i32
      %add3A_184 = arith.constant 4 : i32
      %add3A_185 = arith.addi %mul3A_183, %add3A_184 : i32
      %lt3A_186 = arith.constant 78 : i32
      %lt3A_187 = arith.cmpi slt, %add3A_185, %lt3A_186 : i32
      %convert_element_type3A_188 = arith.extui %lt3A_187 : i1 to i32
      %cond3A_189 = arith.constant 0 : i32
      %cond3A_190 = arith.cmpi ne, %convert_element_type3A_188, %cond3A_189 : i32
      scf.if %cond3A_190 {
        %ge3A_221 = arith.constant 6 : i32
        %ge3A_222 = arith.cmpi sge, %add3A_185, %ge3A_221 : i32
        %convert_element_type3A_223 = arith.extui %ge3A_222 : i1 to i32
        %cond3A_224 = arith.constant 0 : i32
        %cond3A_225 = arith.cmpi ne, %convert_element_type3A_223, %cond3A_224 : i32
        scf.if %cond3A_225 {
          %sub3A_236 = arith.constant 6 : i32
          %sub3A_237 = arith.subi %add3A_185, %sub3A_236 : i32
          %dma_wait3A_238 = arith.constant 4 : i32
          %dma_wait3A_239 = arith.constant 0 : i32
          %dma_wait3A_240 = arith.constant 0 : i32
          %dma_wait3A_241 = tpu.memref_slice %arg7[%dma_wait3A_238, %dma_wait3A_239, %dma_wait3A_240] : memref<6x128x64xf32, #tpu.memory_space<vmem>> -> memref<1x128x64xf32, #tpu.memory_space<vmem>>
          %dma_wait3A_242 = tpu.memref_squeeze %dma_wait3A_241 : memref<1x128x64xf32, #tpu.memory_space<vmem>> -> memref<128x64xf32, #tpu.memory_space<vmem>>
          %dma_wait3A_243 = arith.constant 0 : i32
          %dma_wait3A_244 = tpu.memref_slice %arg6[%sub3A_237, %dma_wait3A_243] : memref<79x128xi32, #tpu.memory_space<vmem>> -> memref<1x128xi32, #tpu.memory_space<vmem>>
          %dma_wait3A_245 = tpu.memref_squeeze %dma_wait3A_244 : memref<1x128xi32, #tpu.memory_space<vmem>> -> memref<128xi32, #tpu.memory_space<vmem>>
          %dma_wait3A_246 = arith.constant 0 : i32
          %dma_wait3A_247 = arith.constant 0 : i32
          %dma_wait3A_248 = tpu.memref_slice %arg8[%dma_wait3A_246, %dma_wait3A_247] : memref<10240x64xf32, #tpu.memory_space<vmem_shared>> -> memref<10240x64xf32, #tpu.memory_space<vmem_shared>>
          tpu.wait_indirect_dma semaphore(%arg19 : memref<!tpu.dma_semaphore, #tpu.memory_space<semaphore_mem>>) src(%dma_wait3A_242 : memref<128x64xf32, #tpu.memory_space<vmem>>) dst(%dma_wait3A_248 : memref<10240x64xf32, #tpu.memory_space<vmem_shared>>)
        } else {
        }
        %dma_start3A = arith.constant 4 : i32
        %dma_start3A_226 = arith.constant 0 : i32
        %dma_start3A_227 = arith.constant 0 : i32
        %dma_start3A_228 = tpu.memref_slice %arg7[%dma_start3A, %dma_start3A_226, %dma_start3A_227] : memref<6x128x64xf32, #tpu.memory_space<vmem>> -> memref<1x128x64xf32, #tpu.memory_space<vmem>>
        %dma_start3A_229 = tpu.memref_squeeze %dma_start3A_228 : memref<1x128x64xf32, #tpu.memory_space<vmem>> -> memref<128x64xf32, #tpu.memory_space<vmem>>
        %dma_start3A_230 = arith.constant 0 : i32
        %dma_start3A_231 = tpu.memref_slice %arg5[%add3A_185, %dma_start3A_230] : memref<79x128xi32, #tpu.memory_space<vmem>> -> memref<1x128xi32, #tpu.memory_space<vmem>>
        %dma_start3A_232 = tpu.memref_squeeze %dma_start3A_231 : memref<1x128xi32, #tpu.memory_space<vmem>> -> memref<128xi32, #tpu.memory_space<vmem>>
        %dma_start3A_233 = arith.constant 0 : i32
        %dma_start3A_234 = arith.constant 0 : i32
        %dma_start3A_235 = tpu.memref_slice %arg2[%dma_start3A_233, %dma_start3A_234] : memref<10000x64xf32, #tpu.memory_space<hbm>> -> memref<10000x64xf32, #tpu.memory_space<hbm>>
        tpu.enqueue_indirect_dma source(%dma_start3A_235 : memref<10000x64xf32, #tpu.memory_space<hbm>>) target(%dma_start3A_229 : memref<128x64xf32, #tpu.memory_space<vmem>>) offsets(%dma_start3A_232 : memref<128xi32, #tpu.memory_space<vmem>>) semaphore(%arg13 : memref<!tpu.dma_semaphore, #tpu.memory_space<semaphore_mem>>)
      } else {
      }
      %sub3A_191 = arith.constant 3 : i32
      %sub3A_192 = arith.subi %add3A_185, %sub3A_191 : i32
      %ge3A_193 = arith.constant 0 : i32
      %ge3A_194 = arith.cmpi sge, %sub3A_192, %ge3A_193 : i32
      %lt3A_195 = arith.constant 78 : i32
      %lt3A_196 = arith.cmpi slt, %sub3A_192, %lt3A_195 : i32
      %and3A_197 = arith.andi %ge3A_194, %lt3A_196 : i1
      %convert_element_type3A_198 = arith.extui %and3A_197 : i1 to i32
      %cond3A_199 = arith.constant 0 : i32
      %cond3A_200 = arith.cmpi ne, %convert_element_type3A_198, %cond3A_199 : i32
      scf.if %cond3A_200 {
        %dma_wait3A_221 = arith.constant 1 : i32
        %dma_wait3A_222 = arith.constant 0 : i32
        %dma_wait3A_223 = arith.constant 0 : i32
        %dma_wait3A_224 = tpu.memref_slice %arg7[%dma_wait3A_221, %dma_wait3A_222, %dma_wait3A_223] : memref<6x128x64xf32, #tpu.memory_space<vmem>> -> memref<1x128x64xf32, #tpu.memory_space<vmem>>
        %dma_wait3A_225 = tpu.memref_squeeze %dma_wait3A_224 : memref<1x128x64xf32, #tpu.memory_space<vmem>> -> memref<128x64xf32, #tpu.memory_space<vmem>>
        %dma_wait3A_226 = arith.constant 0 : i32
        %dma_wait3A_227 = tpu.memref_slice %arg5[%sub3A_192, %dma_wait3A_226] : memref<79x128xi32, #tpu.memory_space<vmem>> -> memref<1x128xi32, #tpu.memory_space<vmem>>
        %dma_wait3A_228 = tpu.memref_squeeze %dma_wait3A_227 : memref<1x128xi32, #tpu.memory_space<vmem>> -> memref<128xi32, #tpu.memory_space<vmem>>
        %dma_wait3A_229 = arith.constant 0 : i32
        %dma_wait3A_230 = arith.constant 0 : i32
        %dma_wait3A_231 = tpu.memref_slice %arg2[%dma_wait3A_229, %dma_wait3A_230] : memref<10000x64xf32, #tpu.memory_space<hbm>> -> memref<10000x64xf32, #tpu.memory_space<hbm>>
        tpu.wait_indirect_dma semaphore(%arg10 : memref<!tpu.dma_semaphore, #tpu.memory_space<semaphore_mem>>) src(%dma_wait3A_231 : memref<10000x64xf32, #tpu.memory_space<hbm>>) dst(%dma_wait3A_225 : memref<128x64xf32, #tpu.memory_space<vmem>>)
        %dma_start3A = arith.constant 1 : i32
        %dma_start3A_232 = arith.constant 0 : i32
        %dma_start3A_233 = arith.constant 0 : i32
        %dma_start3A_234 = tpu.memref_slice %arg7[%dma_start3A, %dma_start3A_232, %dma_start3A_233] : memref<6x128x64xf32, #tpu.memory_space<vmem>> -> memref<1x128x64xf32, #tpu.memory_space<vmem>>
        %dma_start3A_235 = tpu.memref_squeeze %dma_start3A_234 : memref<1x128x64xf32, #tpu.memory_space<vmem>> -> memref<128x64xf32, #tpu.memory_space<vmem>>
        %dma_start3A_236 = arith.constant 0 : i32
        %dma_start3A_237 = tpu.memref_slice %arg6[%sub3A_192, %dma_start3A_236] : memref<79x128xi32, #tpu.memory_space<vmem>> -> memref<1x128xi32, #tpu.memory_space<vmem>>
        %dma_start3A_238 = tpu.memref_squeeze %dma_start3A_237 : memref<1x128xi32, #tpu.memory_space<vmem>> -> memref<128xi32, #tpu.memory_space<vmem>>
        %dma_start3A_239 = arith.constant 0 : i32
        %dma_start3A_240 = arith.constant 0 : i32
        %dma_start3A_241 = tpu.memref_slice %arg8[%dma_start3A_239, %dma_start3A_240] : memref<10240x64xf32, #tpu.memory_space<vmem_shared>> -> memref<10240x64xf32, #tpu.memory_space<vmem_shared>>
        tpu.enqueue_indirect_dma source(%dma_start3A_235 : memref<128x64xf32, #tpu.memory_space<vmem>>) target(%dma_start3A_241 : memref<10240x64xf32, #tpu.memory_space<vmem_shared>>) offsets(%dma_start3A_238 : memref<128xi32, #tpu.memory_space<vmem>>) semaphore(%arg16 : memref<!tpu.dma_semaphore, #tpu.memory_space<semaphore_mem>>) {add = true}
      } else {
      }
      %mul3A_201 = arith.constant 6 : i32
      %mul3A_202 = arith.muli %scan3A_107, %mul3A_201 : i32
      %add3A_203 = arith.constant 5 : i32
      %add3A_204 = arith.addi %mul3A_202, %add3A_203 : i32
      %lt3A_205 = arith.constant 78 : i32
      %lt3A_206 = arith.cmpi slt, %add3A_204, %lt3A_205 : i32
      %convert_element_type3A_207 = arith.extui %lt3A_206 : i1 to i32
      %cond3A_208 = arith.constant 0 : i32
      %cond3A_209 = arith.cmpi ne, %convert_element_type3A_207, %cond3A_208 : i32
      scf.if %cond3A_209 {
        %ge3A_221 = arith.constant 6 : i32
        %ge3A_222 = arith.cmpi sge, %add3A_204, %ge3A_221 : i32
        %convert_element_type3A_223 = arith.extui %ge3A_222 : i1 to i32
        %cond3A_224 = arith.constant 0 : i32
        %cond3A_225 = arith.cmpi ne, %convert_element_type3A_223, %cond3A_224 : i32
        scf.if %cond3A_225 {
          %sub3A_236 = arith.constant 6 : i32
          %sub3A_237 = arith.subi %add3A_204, %sub3A_236 : i32
          %dma_wait3A_238 = arith.constant 5 : i32
          %dma_wait3A_239 = arith.constant 0 : i32
          %dma_wait3A_240 = arith.constant 0 : i32
          %dma_wait3A_241 = tpu.memref_slice %arg7[%dma_wait3A_238, %dma_wait3A_239, %dma_wait3A_240] : memref<6x128x64xf32, #tpu.memory_space<vmem>> -> memref<1x128x64xf32, #tpu.memory_space<vmem>>
          %dma_wait3A_242 = tpu.memref_squeeze %dma_wait3A_241 : memref<1x128x64xf32, #tpu.memory_space<vmem>> -> memref<128x64xf32, #tpu.memory_space<vmem>>
          %dma_wait3A_243 = arith.constant 0 : i32
          %dma_wait3A_244 = tpu.memref_slice %arg6[%sub3A_237, %dma_wait3A_243] : memref<79x128xi32, #tpu.memory_space<vmem>> -> memref<1x128xi32, #tpu.memory_space<vmem>>
          %dma_wait3A_245 = tpu.memref_squeeze %dma_wait3A_244 : memref<1x128xi32, #tpu.memory_space<vmem>> -> memref<128xi32, #tpu.memory_space<vmem>>
          %dma_wait3A_246 = arith.constant 0 : i32
          %dma_wait3A_247 = arith.constant 0 : i32
          %dma_wait3A_248 = tpu.memref_slice %arg8[%dma_wait3A_246, %dma_wait3A_247] : memref<10240x64xf32, #tpu.memory_space<vmem_shared>> -> memref<10240x64xf32, #tpu.memory_space<vmem_shared>>
          tpu.wait_indirect_dma semaphore(%arg20 : memref<!tpu.dma_semaphore, #tpu.memory_space<semaphore_mem>>) src(%dma_wait3A_242 : memref<128x64xf32, #tpu.memory_space<vmem>>) dst(%dma_wait3A_248 : memref<10240x64xf32, #tpu.memory_space<vmem_shared>>)
        } else {
        }
        %dma_start3A = arith.constant 5 : i32
        %dma_start3A_226 = arith.constant 0 : i32
        %dma_start3A_227 = arith.constant 0 : i32
        %dma_start3A_228 = tpu.memref_slice %arg7[%dma_start3A, %dma_start3A_226, %dma_start3A_227] : memref<6x128x64xf32, #tpu.memory_space<vmem>> -> memref<1x128x64xf32, #tpu.memory_space<vmem>>
        %dma_start3A_229 = tpu.memref_squeeze %dma_start3A_228 : memref<1x128x64xf32, #tpu.memory_space<vmem>> -> memref<128x64xf32, #tpu.memory_space<vmem>>
        %dma_start3A_230 = arith.constant 0 : i32
        %dma_start3A_231 = tpu.memref_slice %arg5[%add3A_204, %dma_start3A_230] : memref<79x128xi32, #tpu.memory_space<vmem>> -> memref<1x128xi32, #tpu.memory_space<vmem>>
        %dma_start3A_232 = tpu.memref_squeeze %dma_start3A_231 : memref<1x128xi32, #tpu.memory_space<vmem>> -> memref<128xi32, #tpu.memory_space<vmem>>
        %dma_start3A_233 = arith.constant 0 : i32
        %dma_start3A_234 = arith.constant 0 : i32
        %dma_start3A_235 = tpu.memref_slice %arg2[%dma_start3A_233, %dma_start3A_234] : memref<10000x64xf32, #tpu.memory_space<hbm>> -> memref<10000x64xf32, #tpu.memory_space<hbm>>
        tpu.enqueue_indirect_dma source(%dma_start3A_235 : memref<10000x64xf32, #tpu.memory_space<hbm>>) target(%dma_start3A_229 : memref<128x64xf32, #tpu.memory_space<vmem>>) offsets(%dma_start3A_232 : memref<128xi32, #tpu.memory_space<vmem>>) semaphore(%arg14 : memref<!tpu.dma_semaphore, #tpu.memory_space<semaphore_mem>>)
      } else {
      }
      %sub3A_210 = arith.constant 3 : i32
      %sub3A_211 = arith.subi %add3A_204, %sub3A_210 : i32
      %ge3A_212 = arith.constant 0 : i32
      %ge3A_213 = arith.cmpi sge, %sub3A_211, %ge3A_212 : i32
      %lt3A_214 = arith.constant 78 : i32
      %lt3A_215 = arith.cmpi slt, %sub3A_211, %lt3A_214 : i32
      %and3A_216 = arith.andi %ge3A_213, %lt3A_215 : i1
      %convert_element_type3A_217 = arith.extui %and3A_216 : i1 to i32
      %cond3A_218 = arith.constant 0 : i32
      %cond3A_219 = arith.cmpi ne, %convert_element_type3A_217, %cond3A_218 : i32
      scf.if %cond3A_219 {
        %dma_wait3A_221 = arith.constant 2 : i32
        %dma_wait3A_222 = arith.constant 0 : i32
        %dma_wait3A_223 = arith.constant 0 : i32
        %dma_wait3A_224 = tpu.memref_slice %arg7[%dma_wait3A_221, %dma_wait3A_222, %dma_wait3A_223] : memref<6x128x64xf32, #tpu.memory_space<vmem>> -> memref<1x128x64xf32, #tpu.memory_space<vmem>>
        %dma_wait3A_225 = tpu.memref_squeeze %dma_wait3A_224 : memref<1x128x64xf32, #tpu.memory_space<vmem>> -> memref<128x64xf32, #tpu.memory_space<vmem>>
        %dma_wait3A_226 = arith.constant 0 : i32
        %dma_wait3A_227 = tpu.memref_slice %arg5[%sub3A_211, %dma_wait3A_226] : memref<79x128xi32, #tpu.memory_space<vmem>> -> memref<1x128xi32, #tpu.memory_space<vmem>>
        %dma_wait3A_228 = tpu.memref_squeeze %dma_wait3A_227 : memref<1x128xi32, #tpu.memory_space<vmem>> -> memref<128xi32, #tpu.memory_space<vmem>>
        %dma_wait3A_229 = arith.constant 0 : i32
        %dma_wait3A_230 = arith.constant 0 : i32
        %dma_wait3A_231 = tpu.memref_slice %arg2[%dma_wait3A_229, %dma_wait3A_230] : memref<10000x64xf32, #tpu.memory_space<hbm>> -> memref<10000x64xf32, #tpu.memory_space<hbm>>
        tpu.wait_indirect_dma semaphore(%arg11 : memref<!tpu.dma_semaphore, #tpu.memory_space<semaphore_mem>>) src(%dma_wait3A_231 : memref<10000x64xf32, #tpu.memory_space<hbm>>) dst(%dma_wait3A_225 : memref<128x64xf32, #tpu.memory_space<vmem>>)
        %dma_start3A = arith.constant 2 : i32
        %dma_start3A_232 = arith.constant 0 : i32
        %dma_start3A_233 = arith.constant 0 : i32
        %dma_start3A_234 = tpu.memref_slice %arg7[%dma_start3A, %dma_start3A_232, %dma_start3A_233] : memref<6x128x64xf32, #tpu.memory_space<vmem>> -> memref<1x128x64xf32, #tpu.memory_space<vmem>>
        %dma_start3A_235 = tpu.memref_squeeze %dma_start3A_234 : memref<1x128x64xf32, #tpu.memory_space<vmem>> -> memref<128x64xf32, #tpu.memory_space<vmem>>
        %dma_start3A_236 = arith.constant 0 : i32
        %dma_start3A_237 = tpu.memref_slice %arg6[%sub3A_211, %dma_start3A_236] : memref<79x128xi32, #tpu.memory_space<vmem>> -> memref<1x128xi32, #tpu.memory_space<vmem>>
        %dma_start3A_238 = tpu.memref_squeeze %dma_start3A_237 : memref<1x128xi32, #tpu.memory_space<vmem>> -> memref<128xi32, #tpu.memory_space<vmem>>
        %dma_start3A_239 = arith.constant 0 : i32
        %dma_start3A_240 = arith.constant 0 : i32
        %dma_start3A_241 = tpu.memref_slice %arg8[%dma_start3A_239, %dma_start3A_240] : memref<10240x64xf32, #tpu.memory_space<vmem_shared>> -> memref<10240x64xf32, #tpu.memory_space<vmem_shared>>
        tpu.enqueue_indirect_dma source(%dma_start3A_235 : memref<128x64xf32, #tpu.memory_space<vmem>>) target(%dma_start3A_241 : memref<10240x64xf32, #tpu.memory_space<vmem_shared>>) offsets(%dma_start3A_238 : memref<128xi32, #tpu.memory_space<vmem>>) semaphore(%arg17 : memref<!tpu.dma_semaphore, #tpu.memory_space<semaphore_mem>>) {add = true}
      } else {
      }
      %scan3A_220 = arith.constant 0 : i32
      scf.yield %scan3A_220 : i32
    }
    %scan3A_27 = arith.constant 14 : i32
    %dma_wait3A = arith.constant 0 : i32
    %dma_wait3A_28 = arith.constant 72 : i32
    %dma_wait3A_29 = arith.constant 0 : i32
    %dma_wait3A_30 = arith.constant 0 : i32
    %dma_wait3A_31 = tpu.memref_slice %arg7[%dma_wait3A, %dma_wait3A_29, %dma_wait3A_30] : memref<6x128x64xf32, #tpu.memory_space<vmem>> -> memref<1x128x64xf32, #tpu.memory_space<vmem>>
    %dma_wait3A_32 = tpu.memref_squeeze %dma_wait3A_31 : memref<1x128x64xf32, #tpu.memory_space<vmem>> -> memref<128x64xf32, #tpu.memory_space<vmem>>
    %dma_wait3A_33 = arith.constant 0 : i32
    %dma_wait3A_34 = tpu.memref_slice %arg6[%dma_wait3A_28, %dma_wait3A_33] : memref<79x128xi32, #tpu.memory_space<vmem>> -> memref<1x128xi32, #tpu.memory_space<vmem>>
    %dma_wait3A_35 = tpu.memref_squeeze %dma_wait3A_34 : memref<1x128xi32, #tpu.memory_space<vmem>> -> memref<128xi32, #tpu.memory_space<vmem>>
    %dma_wait3A_36 = arith.constant 0 : i32
    %dma_wait3A_37 = arith.constant 0 : i32
    %dma_wait3A_38 = tpu.memref_slice %arg8[%dma_wait3A_36, %dma_wait3A_37] : memref<10240x64xf32, #tpu.memory_space<vmem_shared>> -> memref<10240x64xf32, #tpu.memory_space<vmem_shared>>
    tpu.wait_indirect_dma semaphore(%arg15 : memref<!tpu.dma_semaphore, #tpu.memory_space<semaphore_mem>>) src(%dma_wait3A_32 : memref<128x64xf32, #tpu.memory_space<vmem>>) dst(%dma_wait3A_38 : memref<10240x64xf32, #tpu.memory_space<vmem_shared>>)
    %dma_wait3A_39 = arith.constant 1 : i32
    %dma_wait3A_40 = arith.constant 73 : i32
    %dma_wait3A_41 = arith.constant 0 : i32
    %dma_wait3A_42 = arith.constant 0 : i32
    %dma_wait3A_43 = tpu.memref_slice %arg7[%dma_wait3A_39, %dma_wait3A_41, %dma_wait3A_42] : memref<6x128x64xf32, #tpu.memory_space<vmem>> -> memref<1x128x64xf32, #tpu.memory_space<vmem>>
    %dma_wait3A_44 = tpu.memref_squeeze %dma_wait3A_43 : memref<1x128x64xf32, #tpu.memory_space<vmem>> -> memref<128x64xf32, #tpu.memory_space<vmem>>
    %dma_wait3A_45 = arith.constant 0 : i32
    %dma_wait3A_46 = tpu.memref_slice %arg6[%dma_wait3A_40, %dma_wait3A_45] : memref<79x128xi32, #tpu.memory_space<vmem>> -> memref<1x128xi32, #tpu.memory_space<vmem>>
    %dma_wait3A_47 = tpu.memref_squeeze %dma_wait3A_46 : memref<1x128xi32, #tpu.memory_space<vmem>> -> memref<128xi32, #tpu.memory_space<vmem>>
    %dma_wait3A_48 = arith.constant 0 : i32
    %dma_wait3A_49 = arith.constant 0 : i32
    %dma_wait3A_50 = tpu.memref_slice %arg8[%dma_wait3A_48, %dma_wait3A_49] : memref<10240x64xf32, #tpu.memory_space<vmem_shared>> -> memref<10240x64xf32, #tpu.memory_space<vmem_shared>>
    tpu.wait_indirect_dma semaphore(%arg16 : memref<!tpu.dma_semaphore, #tpu.memory_space<semaphore_mem>>) src(%dma_wait3A_44 : memref<128x64xf32, #tpu.memory_space<vmem>>) dst(%dma_wait3A_50 : memref<10240x64xf32, #tpu.memory_space<vmem_shared>>)
    %dma_wait3A_51 = arith.constant 2 : i32
    %dma_wait3A_52 = arith.constant 74 : i32
    %dma_wait3A_53 = arith.constant 0 : i32
    %dma_wait3A_54 = arith.constant 0 : i32
    %dma_wait3A_55 = tpu.memref_slice %arg7[%dma_wait3A_51, %dma_wait3A_53, %dma_wait3A_54] : memref<6x128x64xf32, #tpu.memory_space<vmem>> -> memref<1x128x64xf32, #tpu.memory_space<vmem>>
    %dma_wait3A_56 = tpu.memref_squeeze %dma_wait3A_55 : memref<1x128x64xf32, #tpu.memory_space<vmem>> -> memref<128x64xf32, #tpu.memory_space<vmem>>
    %dma_wait3A_57 = arith.constant 0 : i32
    %dma_wait3A_58 = tpu.memref_slice %arg6[%dma_wait3A_52, %dma_wait3A_57] : memref<79x128xi32, #tpu.memory_space<vmem>> -> memref<1x128xi32, #tpu.memory_space<vmem>>
    %dma_wait3A_59 = tpu.memref_squeeze %dma_wait3A_58 : memref<1x128xi32, #tpu.memory_space<vmem>> -> memref<128xi32, #tpu.memory_space<vmem>>
    %dma_wait3A_60 = arith.constant 0 : i32
    %dma_wait3A_61 = arith.constant 0 : i32
    %dma_wait3A_62 = tpu.memref_slice %arg8[%dma_wait3A_60, %dma_wait3A_61] : memref<10240x64xf32, #tpu.memory_space<vmem_shared>> -> memref<10240x64xf32, #tpu.memory_space<vmem_shared>>
    tpu.wait_indirect_dma semaphore(%arg17 : memref<!tpu.dma_semaphore, #tpu.memory_space<semaphore_mem>>) src(%dma_wait3A_56 : memref<128x64xf32, #tpu.memory_space<vmem>>) dst(%dma_wait3A_62 : memref<10240x64xf32, #tpu.memory_space<vmem_shared>>)
    %dma_wait3A_63 = arith.constant 3 : i32
    %dma_wait3A_64 = arith.constant 75 : i32
    %dma_wait3A_65 = arith.constant 0 : i32
    %dma_wait3A_66 = arith.constant 0 : i32
    %dma_wait3A_67 = tpu.memref_slice %arg7[%dma_wait3A_63, %dma_wait3A_65, %dma_wait3A_66] : memref<6x128x64xf32, #tpu.memory_space<vmem>> -> memref<1x128x64xf32, #tpu.memory_space<vmem>>
    %dma_wait3A_68 = tpu.memref_squeeze %dma_wait3A_67 : memref<1x128x64xf32, #tpu.memory_space<vmem>> -> memref<128x64xf32, #tpu.memory_space<vmem>>
    %dma_wait3A_69 = arith.constant 0 : i32
    %dma_wait3A_70 = tpu.memref_slice %arg6[%dma_wait3A_64, %dma_wait3A_69] : memref<79x128xi32, #tpu.memory_space<vmem>> -> memref<1x128xi32, #tpu.memory_space<vmem>>
    %dma_wait3A_71 = tpu.memref_squeeze %dma_wait3A_70 : memref<1x128xi32, #tpu.memory_space<vmem>> -> memref<128xi32, #tpu.memory_space<vmem>>
    %dma_wait3A_72 = arith.constant 0 : i32
    %dma_wait3A_73 = arith.constant 0 : i32
    %dma_wait3A_74 = tpu.memref_slice %arg8[%dma_wait3A_72, %dma_wait3A_73] : memref<10240x64xf32, #tpu.memory_space<vmem_shared>> -> memref<10240x64xf32, #tpu.memory_space<vmem_shared>>
    tpu.wait_indirect_dma semaphore(%arg18 : memref<!tpu.dma_semaphore, #tpu.memory_space<semaphore_mem>>) src(%dma_wait3A_68 : memref<128x64xf32, #tpu.memory_space<vmem>>) dst(%dma_wait3A_74 : memref<10240x64xf32, #tpu.memory_space<vmem_shared>>)
    %dma_wait3A_75 = arith.constant 4 : i32
    %dma_wait3A_76 = arith.constant 76 : i32
    %dma_wait3A_77 = arith.constant 0 : i32
    %dma_wait3A_78 = arith.constant 0 : i32
    %dma_wait3A_79 = tpu.memref_slice %arg7[%dma_wait3A_75, %dma_wait3A_77, %dma_wait3A_78] : memref<6x128x64xf32, #tpu.memory_space<vmem>> -> memref<1x128x64xf32, #tpu.memory_space<vmem>>
    %dma_wait3A_80 = tpu.memref_squeeze %dma_wait3A_79 : memref<1x128x64xf32, #tpu.memory_space<vmem>> -> memref<128x64xf32, #tpu.memory_space<vmem>>
    %dma_wait3A_81 = arith.constant 0 : i32
    %dma_wait3A_82 = tpu.memref_slice %arg6[%dma_wait3A_76, %dma_wait3A_81] : memref<79x128xi32, #tpu.memory_space<vmem>> -> memref<1x128xi32, #tpu.memory_space<vmem>>
    %dma_wait3A_83 = tpu.memref_squeeze %dma_wait3A_82 : memref<1x128xi32, #tpu.memory_space<vmem>> -> memref<128xi32, #tpu.memory_space<vmem>>
    %dma_wait3A_84 = arith.constant 0 : i32
    %dma_wait3A_85 = arith.constant 0 : i32
    %dma_wait3A_86 = tpu.memref_slice %arg8[%dma_wait3A_84, %dma_wait3A_85] : memref<10240x64xf32, #tpu.memory_space<vmem_shared>> -> memref<10240x64xf32, #tpu.memory_space<vmem_shared>>
    tpu.wait_indirect_dma semaphore(%arg19 : memref<!tpu.dma_semaphore, #tpu.memory_space<semaphore_mem>>) src(%dma_wait3A_80 : memref<128x64xf32, #tpu.memory_space<vmem>>) dst(%dma_wait3A_86 : memref<10240x64xf32, #tpu.memory_space<vmem_shared>>)
    %dma_wait3A_87 = arith.constant 5 : i32
    %dma_wait3A_88 = arith.constant 77 : i32
    %dma_wait3A_89 = arith.constant 0 : i32
    %dma_wait3A_90 = arith.constant 0 : i32
    %dma_wait3A_91 = tpu.memref_slice %arg7[%dma_wait3A_87, %dma_wait3A_89, %dma_wait3A_90] : memref<6x128x64xf32, #tpu.memory_space<vmem>> -> memref<1x128x64xf32, #tpu.memory_space<vmem>>
    %dma_wait3A_92 = tpu.memref_squeeze %dma_wait3A_91 : memref<1x128x64xf32, #tpu.memory_space<vmem>> -> memref<128x64xf32, #tpu.memory_space<vmem>>
    %dma_wait3A_93 = arith.constant 0 : i32
    %dma_wait3A_94 = tpu.memref_slice %arg6[%dma_wait3A_88, %dma_wait3A_93] : memref<79x128xi32, #tpu.memory_space<vmem>> -> memref<1x128xi32, #tpu.memory_space<vmem>>
    %dma_wait3A_95 = tpu.memref_squeeze %dma_wait3A_94 : memref<1x128xi32, #tpu.memory_space<vmem>> -> memref<128xi32, #tpu.memory_space<vmem>>
    %dma_wait3A_96 = arith.constant 0 : i32
    %dma_wait3A_97 = arith.constant 0 : i32
    %dma_wait3A_98 = tpu.memref_slice %arg8[%dma_wait3A_96, %dma_wait3A_97] : memref<10240x64xf32, #tpu.memory_space<vmem_shared>> -> memref<10240x64xf32, #tpu.memory_space<vmem_shared>>
    tpu.wait_indirect_dma semaphore(%arg20 : memref<!tpu.dma_semaphore, #tpu.memory_space<semaphore_mem>>) src(%dma_wait3A_92 : memref<128x64xf32, #tpu.memory_space<vmem>>) dst(%dma_wait3A_98 : memref<10240x64xf32, #tpu.memory_space<vmem_shared>>)
    %convert_element_type3A_99 = arith.extui %lt3A_1 : i1 to i32
    %cond3A_100 = arith.constant 0 : i32
    %cond3A_101 = arith.cmpi ne, %convert_element_type3A_99, %cond3A_100 : i32
    scf.if %cond3A_101 {
      %dma_start3A = arith.constant 78 : i32
      %dma_start3A_107 = arith.constant 0 : i32
      %dma_start3A_108 = arith.constant 0 : i32
      %dma_start3A_109 = arith.constant 0 : i32
      %dma_start3A_110 = tpu.memref_slice %arg7[%dma_start3A_107, %dma_start3A_108, %dma_start3A_109] : memref<6x128x64xf32, #tpu.memory_space<vmem>> -> memref<1x128x64xf32, #tpu.memory_space<vmem>>
      %dma_start3A_111 = tpu.memref_squeeze %dma_start3A_110 : memref<1x128x64xf32, #tpu.memory_space<vmem>> -> memref<128x64xf32, #tpu.memory_space<vmem>>
      %dma_start3A_112 = arith.constant 0 : i32
      %dma_start3A_113 = tpu.memref_slice %arg5[%dma_start3A, %dma_start3A_112] : memref<79x128xi32, #tpu.memory_space<vmem>> -> memref<1x128xi32, #tpu.memory_space<vmem>>
      %dma_start3A_114 = tpu.memref_squeeze %dma_start3A_113 : memref<1x128xi32, #tpu.memory_space<vmem>> -> memref<128xi32, #tpu.memory_space<vmem>>
      %dma_start3A_115 = arith.constant 0 : i32
      %dma_start3A_116 = arith.constant 0 : i32
      %dma_start3A_117 = tpu.memref_slice %arg2[%dma_start3A_115, %dma_start3A_116] : memref<10000x64xf32, #tpu.memory_space<hbm>> -> memref<10000x64xf32, #tpu.memory_space<hbm>>
      tpu.enqueue_indirect_dma source(%dma_start3A_117 : memref<10000x64xf32, #tpu.memory_space<hbm>>) target(%dma_start3A_111 : memref<128x64xf32, #tpu.memory_space<vmem>>) offsets(%dma_start3A_114 : memref<128xi32, #tpu.memory_space<vmem>>) semaphore(%arg9 : memref<!tpu.dma_semaphore, #tpu.memory_space<semaphore_mem>>)
      %dma_wait3A_118 = arith.constant 78 : i32
      %dma_wait3A_119 = arith.constant 0 : i32
      %dma_wait3A_120 = arith.constant 0 : i32
      %dma_wait3A_121 = arith.constant 0 : i32
      %dma_wait3A_122 = tpu.memref_slice %arg7[%dma_wait3A_119, %dma_wait3A_120, %dma_wait3A_121] : memref<6x128x64xf32, #tpu.memory_space<vmem>> -> memref<1x128x64xf32, #tpu.memory_space<vmem>>
      %dma_wait3A_123 = tpu.memref_squeeze %dma_wait3A_122 : memref<1x128x64xf32, #tpu.memory_space<vmem>> -> memref<128x64xf32, #tpu.memory_space<vmem>>
      %dma_wait3A_124 = arith.constant 0 : i32
      %dma_wait3A_125 = tpu.memref_slice %arg5[%dma_wait3A_118, %dma_wait3A_124] : memref<79x128xi32, #tpu.memory_space<vmem>> -> memref<1x128xi32, #tpu.memory_space<vmem>>
      %dma_wait3A_126 = tpu.memref_squeeze %dma_wait3A_125 : memref<1x128xi32, #tpu.memory_space<vmem>> -> memref<128xi32, #tpu.memory_space<vmem>>
      %dma_wait3A_127 = arith.constant 0 : i32
      %dma_wait3A_128 = arith.constant 0 : i32
      %dma_wait3A_129 = tpu.memref_slice %arg2[%dma_wait3A_127, %dma_wait3A_128] : memref<10000x64xf32, #tpu.memory_space<hbm>> -> memref<10000x64xf32, #tpu.memory_space<hbm>>
      tpu.wait_indirect_dma semaphore(%arg9 : memref<!tpu.dma_semaphore, #tpu.memory_space<semaphore_mem>>) src(%dma_wait3A_129 : memref<10000x64xf32, #tpu.memory_space<hbm>>) dst(%dma_wait3A_123 : memref<128x64xf32, #tpu.memory_space<vmem>>)
      %run_scoped3A_130 = arith.constant 0 : i32
      %run_scoped3A_131 = arith.constant 78 : i32
      "tpu.region"() ({
        %run_scoped3A_132 = tpu.sem_alloc : memref<!tpu.dma_semaphore, #tpu.memory_space<semaphore_mem>>
        %dma_start3A_133 = arith.constant 0 : i32
        %dma_start3A_134 = arith.constant 0 : i32
        %dma_start3A_135 = tpu.memref_slice %arg7[%run_scoped3A_130, %dma_start3A_133, %dma_start3A_134] : memref<6x128x64xf32, #tpu.memory_space<vmem>> -> memref<1x128x64xf32, #tpu.memory_space<vmem>>
        %dma_start3A_136 = tpu.memref_squeeze %dma_start3A_135 : memref<1x128x64xf32, #tpu.memory_space<vmem>> -> memref<128x64xf32, #tpu.memory_space<vmem>>
        %dma_start3A_137 = arith.constant 0 : i32
        %dma_start3A_138 = tpu.memref_slice %arg6[%run_scoped3A_131, %dma_start3A_137] : memref<79x128xi32, #tpu.memory_space<vmem>> -> memref<1x128xi32, #tpu.memory_space<vmem>>
        %dma_start3A_139 = tpu.memref_squeeze %dma_start3A_138 : memref<1x128xi32, #tpu.memory_space<vmem>> -> memref<128xi32, #tpu.memory_space<vmem>>
        %dma_start3A_140 = arith.constant 0 : i32
        %dma_start3A_141 = arith.constant 0 : i32
        %dma_start3A_142 = tpu.memref_slice %arg8[%dma_start3A_140, %dma_start3A_141] : memref<10240x64xf32, #tpu.memory_space<vmem_shared>> -> memref<10240x64xf32, #tpu.memory_space<vmem_shared>>
        tpu.enqueue_indirect_dma source(%dma_start3A_136 : memref<128x64xf32, #tpu.memory_space<vmem>>) target(%dma_start3A_142 : memref<10240x64xf32, #tpu.memory_space<vmem_shared>>) offsets(%dma_start3A_139 : memref<128xi32, #tpu.memory_space<vmem>>) semaphore(%run_scoped3A_132 : memref<!tpu.dma_semaphore, #tpu.memory_space<semaphore_mem>>) {add = true}
        %dma_wait3A_143 = arith.constant 0 : i32
        %dma_wait3A_144 = arith.constant 0 : i32
        %dma_wait3A_145 = tpu.memref_slice %arg7[%run_scoped3A_130, %dma_wait3A_143, %dma_wait3A_144] : memref<6x128x64xf32, #tpu.memory_space<vmem>> -> memref<1x128x64xf32, #tpu.memory_space<vmem>>
        %dma_wait3A_146 = tpu.memref_squeeze %dma_wait3A_145 : memref<1x128x64xf32, #tpu.memory_space<vmem>> -> memref<128x64xf32, #tpu.memory_space<vmem>>
        %dma_wait3A_147 = arith.constant 0 : i32
        %dma_wait3A_148 = tpu.memref_slice %arg6[%run_scoped3A_131, %dma_wait3A_147] : memref<79x128xi32, #tpu.memory_space<vmem>> -> memref<1x128xi32, #tpu.memory_space<vmem>>
        %dma_wait3A_149 = tpu.memref_squeeze %dma_wait3A_148 : memref<1x128xi32, #tpu.memory_space<vmem>> -> memref<128xi32, #tpu.memory_space<vmem>>
        %dma_wait3A_150 = arith.constant 0 : i32
        %dma_wait3A_151 = arith.constant 0 : i32
        %dma_wait3A_152 = tpu.memref_slice %arg8[%dma_wait3A_150, %dma_wait3A_151] : memref<10240x64xf32, #tpu.memory_space<vmem_shared>> -> memref<10240x64xf32, #tpu.memory_space<vmem_shared>>
        tpu.wait_indirect_dma semaphore(%run_scoped3A_132 : memref<!tpu.dma_semaphore, #tpu.memory_space<semaphore_mem>>) src(%dma_wait3A_146 : memref<128x64xf32, #tpu.memory_space<vmem>>) dst(%dma_wait3A_152 : memref<10240x64xf32, #tpu.memory_space<vmem_shared>>)
        tpu.yield
      }) : () -> ()
    } else {
    }
    %barrier3A_102 = arith.constant 0 : index
    tpu.barrier barrier_id(%barrier3A_102)
    %mul3A_103 = arith.constant 625 : i32
    %mul3A_104 = arith.muli %arg1, %mul3A_103 : i32
    %mul3A_105 = arith.constant 625 : i32
    %mul3A_106 = arith.muli %arg1, %mul3A_105 : i32
    "tpu.region"() ({
      %run_scoped3A_107 = tpu.sem_alloc : memref<!tpu.dma_semaphore, #tpu.memory_space<semaphore_mem>>
      %dma_start3A = arith.constant 0 : i32
      %dma_start3A_108 = tpu.memref_slice %arg4[%arg0, %mul3A_106, %dma_start3A] : memref<2x10000x64xf32, #tpu.memory_space<hbm>> -> memref<1x625x64xf32, #tpu.memory_space<hbm>>
      %dma_start3A_109 = tpu.memref_squeeze %dma_start3A_108 : memref<1x625x64xf32, #tpu.memory_space<hbm>> -> memref<625x64xf32, #tpu.memory_space<hbm>>
      %dma_start3A_110 = arith.constant 0 : i32
      %dma_start3A_111 = tpu.memref_slice %arg8[%mul3A_104, %dma_start3A_110] : memref<10240x64xf32, #tpu.memory_space<vmem_shared>> -> memref<625x64xf32, #tpu.memory_space<vmem_shared>>
      tpu.enqueue_dma source(%dma_start3A_111 : memref<625x64xf32, #tpu.memory_space<vmem_shared>>) target(%dma_start3A_109 : memref<625x64xf32, #tpu.memory_space<hbm>>) target_semaphore(%run_scoped3A_107 : memref<!tpu.dma_semaphore, #tpu.memory_space<semaphore_mem>>)
      %dma_wait3A_112 = arith.constant 0 : i32
      %dma_wait3A_113 = tpu.memref_slice %arg4[%arg0, %mul3A_106, %dma_wait3A_112] : memref<2x10000x64xf32, #tpu.memory_space<hbm>> -> memref<1x625x64xf32, #tpu.memory_space<hbm>>
      %dma_wait3A_114 = tpu.memref_squeeze %dma_wait3A_113 : memref<1x625x64xf32, #tpu.memory_space<hbm>> -> memref<625x64xf32, #tpu.memory_space<hbm>>
      %dma_wait3A_115 = arith.constant 0 : i32
      %dma_wait3A_116 = tpu.memref_slice %arg8[%mul3A_104, %dma_wait3A_115] : memref<10240x64xf32, #tpu.memory_space<vmem_shared>> -> memref<625x64xf32, #tpu.memory_space<vmem_shared>>
      tpu.wait_dma2 semaphore(%run_scoped3A_107 : memref<!tpu.dma_semaphore, #tpu.memory_space<semaphore_mem>>) src(%dma_wait3A_116 : memref<625x64xf32, #tpu.memory_space<vmem_shared>>) dst(%dma_wait3A_114 : memref<625x64xf32, #tpu.memory_space<hbm>>)
      tpu.yield
    }) : () -> ()
    return
  }
}

module attributes {stable_mosaic.version = 14 : i64} {
  func.func @_tca_body(%arg0: i32, %arg1: memref<5000x128xf32, #tpu.memory_space<vmem>>, %arg2: memref<128x64xf32, #tpu.memory_space<vmem>>, %arg3: memref<5000x64xf32, #tpu.memory_space<vmem>>) attributes {dimension_semantics = [#tpu.dimension_semantics<arbitrary>], iteration_bounds = array<i64: 2>, scalar_prefetch = 0 : i64, scratch_operands = 0 : i64, tpu.core_type = #tpu.core_type<tc>, window_params = [{transform_indices = @transform_0, window_bounds = array<i64: 5000, 128>}, {pipeline_mode = #tpu.pipeline_mode<synchronous>, transform_indices = @transform_1, window_bounds = array<i64: 128, 64>}, {transform_indices = @transform_2, window_bounds = array<i64: 5000, 64>}]} {
    %get3A = arith.constant 0 : index
    %get3A_0 = arith.constant 0 : index
    %get3A_1 = vector.load %arg1[%get3A, %get3A_0] : memref<5000x128xf32, #tpu.memory_space<vmem>>, vector<5000x128xf32>
    %convert_element_type3A = arith.truncf %get3A_1 : vector<5000x128xf32> to vector<5000x128xbf16>
    %get3A_2 = arith.constant 0 : index
    %get3A_3 = arith.constant 0 : index
    %get3A_4 = vector.load %arg2[%get3A_2, %get3A_3] : memref<128x64xf32, #tpu.memory_space<vmem>>, vector<128x64xf32>
    %convert_element_type3A_5 = arith.truncf %get3A_4 : vector<128x64xf32> to vector<128x64xbf16>
    %dot_general3A = arith.constant dense<0.000000e+00> : vector<5000x64xf32>
    %dot_general3A_6 = tpu.matmul %convert_element_type3A, %convert_element_type3A_5, %dot_general3A {dimension_numbers = #tpu.dot_dimension_numbers<[1], [0], [0], [1], [0, 0, 1, 1], [], []>, transpose_lhs_hint = false} : vector<5000x128xbf16>, vector<128x64xbf16>, vector<5000x64xf32> -> vector<5000x64xf32>
    %swap3A = arith.constant 0 : index
    %swap3A_7 = arith.constant 0 : index
    %swap3A_8 = vector.load %arg3[%swap3A, %swap3A_7] : memref<5000x64xf32, #tpu.memory_space<vmem>>, vector<5000x64xf32>
    tpu.vector_store %arg3[%swap3A, %swap3A_7], %dot_general3A_6 {strides = array<i32>} : memref<5000x64xf32, #tpu.memory_space<vmem>>, vector<5000x64xf32>,
    return
  }
  func.func @transform_0(%arg0: i32) -> (i32, i32) {
    %c0_i32 = arith.constant 0 : i32
    %c0_i32_0 = arith.constant 0 : i32
    return %arg0, %c0_i32 : i32, i32
  }
  func.func @transform_1(%arg0: i32) -> (i32, i32) {
    %c0_i32 = arith.constant 0 : i32
    %c0_i32_0 = arith.constant 0 : i32
    %c0_i32_1 = arith.constant 0 : i32
    return %c0_i32, %c0_i32_0 : i32, i32
  }
  func.func @transform_2(%arg0: i32) -> (i32, i32) {
    %c0_i32 = arith.constant 0 : i32
    %c0_i32_0 = arith.constant 0 : i32
    return %arg0, %c0_i32 : i32, i32
  }
}

module attributes {stable_mosaic.version = 14 : i64} {
  func.func @_tcb_body(%arg0: i32, %arg1: memref<1000x64xf32, #tpu.memory_space<vmem>>, %arg2: memref<1000x64xf32, #tpu.memory_space<vmem>>, %arg3: memref<2x1x1000x2xf32, #tpu.memory_space<vmem>>, %arg4: memref<1000x128xf32, #tpu.memory_space<vmem>>) attributes {dimension_semantics = [#tpu.dimension_semantics<arbitrary>], iteration_bounds = array<i64: 5>, scalar_prefetch = 0 : i64, scratch_operands = 0 : i64, tpu.core_type = #tpu.core_type<tc>, window_params = [{transform_indices = @transform_0, window_bounds = array<i64: 1000, 64>}, {transform_indices = @transform_1, window_bounds = array<i64: 1000, 64>}, {transform_indices = @transform_2, window_bounds = array<i64: 2, 1, 1000, 2>}, {transform_indices = @transform_3, window_bounds = array<i64: 1000, 128>}]} {
    %get3A = arith.constant 0 : index
    %get3A_0 = arith.constant 0 : index
    %get3A_1 = arith.constant 0 : index
    %get3A_2 = arith.constant 0 : index
    %get3A_3 = vector.load %arg3[%get3A, %get3A_0, %get3A_1, %get3A_2] : memref<2x1x1000x2xf32, #tpu.memory_space<vmem>>, vector<1x1x1000x2xf32>
    %get3A_4 = vector.shape_cast %get3A_3 : vector<1x1x1000x2xf32> to vector<1000x2xf32>
    %get3A_5 = arith.constant 1 : index
    %get3A_6 = arith.constant 0 : index
    %get3A_7 = arith.constant 0 : index
    %get3A_8 = arith.constant 0 : index
    %get3A_9 = vector.load %arg3[%get3A_5, %get3A_6, %get3A_7, %get3A_8] : memref<2x1x1000x2xf32, #tpu.memory_space<vmem>>, vector<1x1x1000x2xf32>
    %get3A_10 = vector.shape_cast %get3A_9 : vector<1x1x1000x2xf32> to vector<1000x2xf32>
    %add3A = arith.addf %get3A_4, %get3A_10 : vector<1000x2xf32>
    %add3A_11 = arith.constant 1.000000e+00 : f32
    %add3A_12 = vector.broadcast %add3A_11 : f32 to vector<1000x2xf32>
    %add3A_13 = arith.addf %add3A, %add3A_12 : vector<1000x2xf32>
    %slice3A = vector.extract_strided_slice %add3A_13 {offsets = [0, 0], sizes = [1000, 1], strides = [1, 1]} : vector<1000x2xf32> to vector<1000x1xf32>
    %rsqrt3A = math.rsqrt %slice3A : vector<1000x1xf32>
    %slice3A_14 = vector.extract_strided_slice %add3A_13 {offsets = [0, 1], sizes = [1000, 1], strides = [1, 1]} : vector<1000x2xf32> to vector<1000x1xf32>
    %rsqrt3A_15 = math.rsqrt %slice3A_14 : vector<1000x1xf32>
    %get3A_16 = arith.constant 0 : index
    %get3A_17 = arith.constant 0 : index
    %get3A_18 = vector.load %arg1[%get3A_16, %get3A_17] : memref<1000x64xf32, #tpu.memory_space<vmem>>, vector<1000x64xf32>
    %mul3A = vector.broadcast %rsqrt3A : vector<1000x1xf32> to vector<1000x64xf32>
    %mul3A_19 = arith.mulf %mul3A, %get3A_18 : vector<1000x64xf32>
    %swap3A = arith.constant 0 : index
    %swap3A_20 = arith.constant 0 : index
    %swap3A_21 = vector.load %arg4[%swap3A, %swap3A_20] : memref<1000x128xf32, #tpu.memory_space<vmem>>, vector<1000x64xf32>
    tpu.vector_store %arg4[%swap3A, %swap3A_20], %mul3A_19 {strides = array<i32>} : memref<1000x128xf32, #tpu.memory_space<vmem>>, vector<1000x64xf32>,
    %get3A_22 = arith.constant 0 : index
    %get3A_23 = arith.constant 0 : index
    %get3A_24 = vector.load %arg2[%get3A_22, %get3A_23] : memref<1000x64xf32, #tpu.memory_space<vmem>>, vector<1000x64xf32>
    %mul3A_25 = vector.broadcast %rsqrt3A_15 : vector<1000x1xf32> to vector<1000x64xf32>
    %mul3A_26 = arith.mulf %mul3A_25, %get3A_24 : vector<1000x64xf32>
    %swap3A_27 = arith.constant 0 : index
    %swap3A_28 = arith.constant 64 : index
    %swap3A_29 = vector.load %arg4[%swap3A_27, %swap3A_28] : memref<1000x128xf32, #tpu.memory_space<vmem>>, vector<1000x64xf32>
    tpu.vector_store %arg4[%swap3A_27, %swap3A_28], %mul3A_26 {strides = array<i32>} : memref<1000x128xf32, #tpu.memory_space<vmem>>, vector<1000x64xf32>,
    return
  }
  func.func @transform_0(%arg0: i32) -> (i32, i32) {
    %c0_i32 = arith.constant 0 : i32
    %c0_i32_0 = arith.constant 0 : i32
    return %arg0, %c0_i32 : i32, i32
  }
  func.func @transform_1(%arg0: i32) -> (i32, i32) {
    %add3A = arith.constant 5 : i32
    %add3A_0 = arith.addi %arg0, %add3A : i32
    %c0_i32 = arith.constant 0 : i32
    %c0_i32_1 = arith.constant 0 : i32
    return %add3A_0, %c0_i32 : i32, i32
  }
  func.func @transform_2(%arg0: i32) -> (i32, i32, i32, i32) {
    %c0_i32 = arith.constant 0 : i32
    %c0_i32_0 = arith.constant 0 : i32
    %c0_i32_1 = arith.constant 0 : i32
    %c0_i32_2 = arith.constant 0 : i32
    return %c0_i32, %arg0, %c0_i32_0, %c0_i32_1 : i32, i32, i32, i32
  }
  func.func @transform_3(%arg0: i32) -> (i32, i32) {
    %c0_i32 = arith.constant 0 : i32
    %c0_i32_0 = arith.constant 0 : i32
    return %arg0, %c0_i32 : i32, i32
  }
}

module attributes {stable_mosaic.version = 14 : i64} {
  func.func @_tc2_body(%arg0: i32, %arg1: memref<2x1000x128xf32, #tpu.memory_space<vmem>>, %arg2: memref<1000x128xf32, #tpu.memory_space<vmem>>, %arg3: memref<2x1x1000x2xf32, #tpu.memory_space<vmem>>, %arg4: memref<1x128xf32, #tpu.memory_space<vmem>>, %arg5: memref<128x128xf32, #tpu.memory_space<vmem>>, %arg6: memref<1000x128xf32, #tpu.memory_space<vmem>>) attributes {dimension_semantics = [#tpu.dimension_semantics<arbitrary>], iteration_bounds = array<i64: 5>, scalar_prefetch = 0 : i64, scratch_operands = 0 : i64, tpu.core_type = #tpu.core_type<tc>, window_params = [{transform_indices = @transform_0, window_bounds = array<i64: 2, 1000, 128>}, {transform_indices = @transform_1, window_bounds = array<i64: 1000, 128>}, {transform_indices = @transform_2, window_bounds = array<i64: 2, 1, 1000, 2>}, {pipeline_mode = #tpu.pipeline_mode<synchronous>, transform_indices = @transform_3, window_bounds = array<i64: 1, 128>}, {pipeline_mode = #tpu.pipeline_mode<synchronous>, transform_indices = @transform_4, window_bounds = array<i64: 128, 128>}, {transform_indices = @transform_5, window_bounds = array<i64: 1000, 128>}]} {
    %get3A = arith.constant 0 : index
    %get3A_0 = arith.constant 0 : index
    %get3A_1 = arith.constant 0 : index
    %get3A_2 = vector.load %arg1[%get3A, %get3A_0, %get3A_1] : memref<2x1000x128xf32, #tpu.memory_space<vmem>>, vector<1x1000x128xf32>
    %get3A_3 = vector.shape_cast %get3A_2 : vector<1x1000x128xf32> to vector<1000x128xf32>
    %get3A_4 = arith.constant 1 : index
    %get3A_5 = arith.constant 0 : index
    %get3A_6 = arith.constant 0 : index
    %get3A_7 = vector.load %arg1[%get3A_4, %get3A_5, %get3A_6] : memref<2x1000x128xf32, #tpu.memory_space<vmem>>, vector<1x1000x128xf32>
    %get3A_8 = vector.shape_cast %get3A_7 : vector<1x1000x128xf32> to vector<1000x128xf32>
    %add3A = arith.addf %get3A_3, %get3A_8 : vector<1000x128xf32>
    %get3A_9 = arith.constant 0 : index
    %get3A_10 = arith.constant 0 : index
    %get3A_11 = vector.load %arg2[%get3A_9, %get3A_10] : memref<1000x128xf32, #tpu.memory_space<vmem>>, vector<1000x128xf32>
    %add3A_12 = arith.addf %add3A, %get3A_11 : vector<1000x128xf32>
    %get3A_13 = arith.constant 0 : index
    %get3A_14 = arith.constant 0 : index
    %get3A_15 = arith.constant 0 : index
    %get3A_16 = arith.constant 0 : index
    %get3A_17 = vector.load %arg3[%get3A_13, %get3A_14, %get3A_15, %get3A_16] : memref<2x1x1000x2xf32, #tpu.memory_space<vmem>>, vector<1x1x1000x2xf32>
    %get3A_18 = vector.shape_cast %get3A_17 : vector<1x1x1000x2xf32> to vector<1000x2xf32>
    %get3A_19 = arith.constant 1 : index
    %get3A_20 = arith.constant 0 : index
    %get3A_21 = arith.constant 0 : index
    %get3A_22 = arith.constant 0 : index
    %get3A_23 = vector.load %arg3[%get3A_19, %get3A_20, %get3A_21, %get3A_22] : memref<2x1x1000x2xf32, #tpu.memory_space<vmem>>, vector<1x1x1000x2xf32>
    %get3A_24 = vector.shape_cast %get3A_23 : vector<1x1x1000x2xf32> to vector<1000x2xf32>
    %add3A_25 = arith.addf %get3A_18, %get3A_24 : vector<1000x2xf32>
    %add3A_26 = arith.constant 1.000000e+00 : f32
    %add3A_27 = vector.broadcast %add3A_26 : f32 to vector<1000x2xf32>
    %add3A_28 = arith.addf %add3A_25, %add3A_27 : vector<1000x2xf32>
    %slice3A = vector.extract_strided_slice %add3A_28 {offsets = [0, 0], sizes = [1000, 1], strides = [1, 1]} : vector<1000x2xf32> to vector<1000x1xf32>
    %rsqrt3A = math.rsqrt %slice3A : vector<1000x1xf32>
    %broadcast_in_dim3A = vector.shape_cast %rsqrt3A : vector<1000x1xf32> to vector<1000x1xf32>
    %broadcast_in_dim3A_29 = vector.broadcast %broadcast_in_dim3A : vector<1000x1xf32> to vector<1000x64xf32>
    %slice3A_30 = vector.extract_strided_slice %add3A_28 {offsets = [0, 1], sizes = [1000, 1], strides = [1, 1]} : vector<1000x2xf32> to vector<1000x1xf32>
    %rsqrt3A_31 = math.rsqrt %slice3A_30 : vector<1000x1xf32>
    %broadcast_in_dim3A_32 = vector.shape_cast %rsqrt3A_31 : vector<1000x1xf32> to vector<1000x1xf32>
    %broadcast_in_dim3A_33 = vector.broadcast %broadcast_in_dim3A_32 : vector<1000x1xf32> to vector<1000x64xf32>
    %concatenate3A = tpu.concatenate %broadcast_in_dim3A_29, %broadcast_in_dim3A_33 in 1 : vector<1000x64xf32>, vector<1000x64xf32> -> vector<1000x128xf32>
    %mul3A = arith.mulf %concatenate3A, %add3A_12 : vector<1000x128xf32>
    %get3A_34 = arith.constant 0 : index
    %get3A_35 = arith.constant 0 : index
    %get3A_36 = vector.load %arg4[%get3A_34, %get3A_35] : memref<1x128xf32, #tpu.memory_space<vmem>>, vector<1x128xf32>
    %add3A_37 = vector.broadcast %get3A_36 : vector<1x128xf32> to vector<1000x128xf32>
    %add3A_38 = arith.addf %mul3A, %add3A_37 : vector<1000x128xf32>
    %max3A = arith.constant 0.000000e+00 : f32
    %max3A_39 = vector.broadcast %max3A : f32 to vector<1000x128xf32>
    %max3A_40 = arith.maximumf %add3A_38, %max3A_39 : vector<1000x128xf32>
    %convert_element_type3A = arith.truncf %max3A_40 : vector<1000x128xf32> to vector<1000x128xbf16>
    %get3A_41 = arith.constant 0 : index
    %get3A_42 = arith.constant 0 : index
    %get3A_43 = vector.load %arg5[%get3A_41, %get3A_42] : memref<128x128xf32, #tpu.memory_space<vmem>>, vector<128x128xf32>
    %convert_element_type3A_44 = arith.truncf %get3A_43 : vector<128x128xf32> to vector<128x128xbf16>
    %dot_general3A = arith.constant dense<0.000000e+00> : vector<1000x128xf32>
    %dot_general3A_45 = tpu.matmul %convert_element_type3A, %convert_element_type3A_44, %dot_general3A {dimension_numbers = #tpu.dot_dimension_numbers<[1], [0], [0], [1], [0, 0, 1, 1], [], []>, transpose_lhs_hint = false} : vector<1000x128xbf16>, vector<128x128xbf16>, vector<1000x128xf32> -> vector<1000x128xf32>
    %mul3A_46 = arith.mulf %concatenate3A, %dot_general3A_45 : vector<1000x128xf32>
    %swap3A = arith.constant 0 : index
    %swap3A_47 = arith.constant 0 : index
    %swap3A_48 = vector.load %arg6[%swap3A, %swap3A_47] : memref<1000x128xf32, #tpu.memory_space<vmem>>, vector<1000x128xf32>
    tpu.vector_store %arg6[%swap3A, %swap3A_47], %mul3A_46 {strides = array<i32>} : memref<1000x128xf32, #tpu.memory_space<vmem>>, vector<1000x128xf32>,
    return
  }
  func.func @transform_0(%arg0: i32) -> (i32, i32, i32) {
    %c0_i32 = arith.constant 0 : i32
    %c0_i32_0 = arith.constant 0 : i32
    %c0_i32_1 = arith.constant 0 : i32
    return %c0_i32, %arg0, %c0_i32_0 : i32, i32, i32
  }
  func.func @transform_1(%arg0: i32) -> (i32, i32) {
    %c0_i32 = arith.constant 0 : i32
    %c0_i32_0 = arith.constant 0 : i32
    return %arg0, %c0_i32 : i32, i32
  }
  func.func @transform_2(%arg0: i32) -> (i32, i32, i32, i32) {
    %c0_i32 = arith.constant 0 : i32
    %c0_i32_0 = arith.constant 0 : i32
    %c0_i32_1 = arith.constant 0 : i32
    %c0_i32_2 = arith.constant 0 : i32
    return %c0_i32, %arg0, %c0_i32_0, %c0_i32_1 : i32, i32, i32, i32
  }
  func.func @transform_3(%arg0: i32) -> (i32, i32) {
    %c0_i32 = arith.constant 0 : i32
    %c0_i32_0 = arith.constant 0 : i32
    %c0_i32_1 = arith.constant 0 : i32
    return %c0_i32, %c0_i32_0 : i32, i32
  }
  func.func @transform_4(%arg0: i32) -> (i32, i32) {
    %c0_i32 = arith.constant 0 : i32
    %c0_i32_0 = arith.constant 0 : i32
    %c0_i32_1 = arith.constant 0 : i32
    return %c0_i32, %c0_i32_0 : i32, i32
  }
  func.func @transform_5(%arg0: i32) -> (i32, i32) {
    %c0_i32 = arith.constant 0 : i32
    %c0_i32_0 = arith.constant 0 : i32
    return %arg0, %c0_i32 : i32, i32
  }
}

module attributes {stable_mosaic.version = 14 : i64} {
  func.func @_tc3_body(%arg0: i32, %arg1: memref<2x1000x128xf32, #tpu.memory_space<vmem>>, %arg2: memref<1000x128xf32, #tpu.memory_space<vmem>>, %arg3: memref<2x1x1000x2xf32, #tpu.memory_space<vmem>>, %arg4: memref<1x128xf32, #tpu.memory_space<vmem>>, %arg5: memref<64x2xf32, #tpu.memory_space<vmem>>, %arg6: memref<1x2xf32, #tpu.memory_space<vmem>>, %arg7: memref<1x2xf32, #tpu.memory_space<vmem>>, %arg8: memref<1x128xf32, #tpu.memory_space<vmem>>) attributes {dimension_semantics = [#tpu.dimension_semantics<arbitrary>], iteration_bounds = array<i64: 5>, scalar_prefetch = 0 : i64, scratch_operands = 1 : i64, tpu.core_type = #tpu.core_type<tc>, window_params = [{transform_indices = @transform_0, window_bounds = array<i64: 2, 1000, 128>}, {transform_indices = @transform_1, window_bounds = array<i64: 1000, 128>}, {transform_indices = @transform_2, window_bounds = array<i64: 2, 1, 1000, 2>}, {pipeline_mode = #tpu.pipeline_mode<synchronous>, transform_indices = @transform_3, window_bounds = array<i64: 1, 128>}, {pipeline_mode = #tpu.pipeline_mode<synchronous>, transform_indices = @transform_4, window_bounds = array<i64: 64, 2>}, {pipeline_mode = #tpu.pipeline_mode<synchronous>, transform_indices = @transform_5, window_bounds = array<i64: 1, 2>}, {pipeline_mode = #tpu.pipeline_mode<synchronous>, transform_indices = @transform_6, window_bounds = array<i64: 1, 2>}]} {
    %get3A = arith.constant 0 : index
    %get3A_0 = arith.constant 0 : index
    %get3A_1 = arith.constant 0 : index
    %get3A_2 = vector.load %arg1[%get3A, %get3A_0, %get3A_1] : memref<2x1000x128xf32, #tpu.memory_space<vmem>>, vector<1x1000x128xf32>
    %get3A_3 = vector.shape_cast %get3A_2 : vector<1x1000x128xf32> to vector<1000x128xf32>
    %get3A_4 = arith.constant 1 : index
    %get3A_5 = arith.constant 0 : index
    %get3A_6 = arith.constant 0 : index
    %get3A_7 = vector.load %arg1[%get3A_4, %get3A_5, %get3A_6] : memref<2x1000x128xf32, #tpu.memory_space<vmem>>, vector<1x1000x128xf32>
    %get3A_8 = vector.shape_cast %get3A_7 : vector<1x1000x128xf32> to vector<1000x128xf32>
    %add3A = arith.addf %get3A_3, %get3A_8 : vector<1000x128xf32>
    %get3A_9 = arith.constant 0 : index
    %get3A_10 = arith.constant 0 : index
    %get3A_11 = vector.load %arg2[%get3A_9, %get3A_10] : memref<1000x128xf32, #tpu.memory_space<vmem>>, vector<1000x128xf32>
    %add3A_12 = arith.addf %add3A, %get3A_11 : vector<1000x128xf32>
    %get3A_13 = arith.constant 0 : index
    %get3A_14 = arith.constant 0 : index
    %get3A_15 = arith.constant 0 : index
    %get3A_16 = arith.constant 0 : index
    %get3A_17 = vector.load %arg3[%get3A_13, %get3A_14, %get3A_15, %get3A_16] : memref<2x1x1000x2xf32, #tpu.memory_space<vmem>>, vector<1x1x1000x2xf32>
    %get3A_18 = vector.shape_cast %get3A_17 : vector<1x1x1000x2xf32> to vector<1000x2xf32>
    %get3A_19 = arith.constant 1 : index
    %get3A_20 = arith.constant 0 : index
    %get3A_21 = arith.constant 0 : index
    %get3A_22 = arith.constant 0 : index
    %get3A_23 = vector.load %arg3[%get3A_19, %get3A_20, %get3A_21, %get3A_22] : memref<2x1x1000x2xf32, #tpu.memory_space<vmem>>, vector<1x1x1000x2xf32>
    %get3A_24 = vector.shape_cast %get3A_23 : vector<1x1x1000x2xf32> to vector<1000x2xf32>
    %add3A_25 = arith.addf %get3A_18, %get3A_24 : vector<1000x2xf32>
    %add3A_26 = arith.constant 1.000000e+00 : f32
    %add3A_27 = vector.broadcast %add3A_26 : f32 to vector<1000x2xf32>
    %add3A_28 = arith.addf %add3A_25, %add3A_27 : vector<1000x2xf32>
    %slice3A = vector.extract_strided_slice %add3A_28 {offsets = [0, 0], sizes = [1000, 1], strides = [1, 1]} : vector<1000x2xf32> to vector<1000x1xf32>
    %rsqrt3A = math.rsqrt %slice3A : vector<1000x1xf32>
    %broadcast_in_dim3A = vector.shape_cast %rsqrt3A : vector<1000x1xf32> to vector<1000x1xf32>
    %broadcast_in_dim3A_29 = vector.broadcast %broadcast_in_dim3A : vector<1000x1xf32> to vector<1000x64xf32>
    %slice3A_30 = vector.extract_strided_slice %add3A_28 {offsets = [0, 1], sizes = [1000, 1], strides = [1, 1]} : vector<1000x2xf32> to vector<1000x1xf32>
    %rsqrt3A_31 = math.rsqrt %slice3A_30 : vector<1000x1xf32>
    %broadcast_in_dim3A_32 = vector.shape_cast %rsqrt3A_31 : vector<1000x1xf32> to vector<1000x1xf32>
    %broadcast_in_dim3A_33 = vector.broadcast %broadcast_in_dim3A_32 : vector<1000x1xf32> to vector<1000x64xf32>
    %concatenate3A = tpu.concatenate %broadcast_in_dim3A_29, %broadcast_in_dim3A_33 in 1 : vector<1000x64xf32>, vector<1000x64xf32> -> vector<1000x128xf32>
    %mul3A = arith.mulf %concatenate3A, %add3A_12 : vector<1000x128xf32>
    %get3A_34 = arith.constant 0 : index
    %get3A_35 = arith.constant 0 : index
    %get3A_36 = vector.load %arg4[%get3A_34, %get3A_35] : memref<1x128xf32, #tpu.memory_space<vmem>>, vector<1x128xf32>
    %add3A_37 = vector.broadcast %get3A_36 : vector<1x128xf32> to vector<1000x128xf32>
    %add3A_38 = arith.addf %mul3A, %add3A_37 : vector<1000x128xf32>
    %max3A = arith.constant 0.000000e+00 : f32
    %max3A_39 = vector.broadcast %max3A : f32 to vector<1000x128xf32>
    %max3A_40 = arith.maximumf %add3A_38, %max3A_39 : vector<1000x128xf32>
    %reduce_sum3A = arith.constant dense<0.000000e+00> : vector<128xf32>
    %reduce_sum3A_41 = vector.multi_reduction <add>, %max3A_40, %reduce_sum3A [0] : vector<1000x128xf32> to vector<128xf32>
    %broadcast_in_dim3A_42 = vector.shape_cast %reduce_sum3A_41 : vector<128xf32> to vector<1x128xf32>
    %eq3A = arith.constant 0 : i32
    %eq3A_43 = arith.cmpi eq, %arg0, %eq3A : i32
    %convert_element_type3A = arith.extui %eq3A_43 : i1 to i32
    %cond3A = arith.constant 0 : i32
    %cond3A_44 = arith.cmpi ne, %convert_element_type3A, %cond3A : i32
    scf.if %cond3A_44 {
      %swap3A = arith.constant 0 : index
      %swap3A_54 = arith.constant 0 : index
      %swap3A_55 = vector.load %arg8[%swap3A, %swap3A_54] : memref<1x128xf32, #tpu.memory_space<vmem>>, vector<1x128xf32>
      tpu.vector_store %arg8[%swap3A, %swap3A_54], %broadcast_in_dim3A_42 {strides = array<i32>} : memref<1x128xf32, #tpu.memory_space<vmem>>, vector<1x128xf32>,
    } else {
    }
    %gt3A = arith.constant 0 : i32
    %gt3A_45 = arith.cmpi sgt, %arg0, %gt3A : i32
    %convert_element_type3A_46 = arith.extui %gt3A_45 : i1 to i32
    %cond3A_47 = arith.constant 0 : i32
    %cond3A_48 = arith.cmpi ne, %convert_element_type3A_46, %cond3A_47 : i32
    scf.if %cond3A_48 {
      %get3A_54 = arith.constant 0 : index
      %get3A_55 = arith.constant 0 : index
      %get3A_56 = vector.load %arg8[%get3A_54, %get3A_55] : memref<1x128xf32, #tpu.memory_space<vmem>>, vector<1x128xf32>
      %add3A_57 = arith.addf %get3A_56, %broadcast_in_dim3A_42 : vector<1x128xf32>
      %swap3A = arith.constant 0 : index
      %swap3A_58 = arith.constant 0 : index
      %swap3A_59 = vector.load %arg8[%swap3A, %swap3A_58] : memref<1x128xf32, #tpu.memory_space<vmem>>, vector<1x128xf32>
      tpu.vector_store %arg8[%swap3A, %swap3A_58], %add3A_57 {strides = array<i32>} : memref<1x128xf32, #tpu.memory_space<vmem>>, vector<1x128xf32>,
    } else {
    }
    %eq3A_49 = arith.constant 4 : i32
    %eq3A_50 = arith.cmpi eq, %arg0, %eq3A_49 : i32
    %convert_element_type3A_51 = arith.extui %eq3A_50 : i1 to i32
    %cond3A_52 = arith.constant 0 : i32
    %cond3A_53 = arith.cmpi ne, %convert_element_type3A_51, %cond3A_52 : i32
    scf.if %cond3A_53 {
      %get3A_54 = arith.constant 0 : index
      %get3A_55 = arith.constant 0 : index
      %get3A_56 = vector.load %arg8[%get3A_54, %get3A_55] : memref<1x128xf32, #tpu.memory_space<vmem>>, vector<1x64xf32>
      %get3A_57 = arith.constant 0 : index
      %get3A_58 = arith.constant 64 : index
      %get3A_59 = vector.load %arg8[%get3A_57, %get3A_58] : memref<1x128xf32, #tpu.memory_space<vmem>>, vector<1x64xf32>
      %add3A_60 = arith.addf %get3A_56, %get3A_59 : vector<1x64xf32>
      %mul3A_61 = arith.constant 9.99999974E-5 : f32
      %mul3A_62 = vector.broadcast %mul3A_61 : f32 to vector<1x64xf32>
      %mul3A_63 = arith.mulf %add3A_60, %mul3A_62 : vector<1x64xf32>
      %convert_element_type3A_64 = arith.truncf %mul3A_63 : vector<1x64xf32> to vector<1x64xbf16>
      %get3A_65 = arith.constant 0 : index
      %get3A_66 = arith.constant 0 : index
      %get3A_67 = vector.load %arg5[%get3A_65, %get3A_66] : memref<64x2xf32, #tpu.memory_space<vmem>>, vector<64x2xf32>
      %convert_element_type3A_68 = arith.truncf %get3A_67 : vector<64x2xf32> to vector<64x2xbf16>
      %dot_general3A = arith.constant dense<0.000000e+00> : vector<1x2xf32>
      %dot_general3A_69 = tpu.matmul %convert_element_type3A_64, %convert_element_type3A_68, %dot_general3A {dimension_numbers = #tpu.dot_dimension_numbers<[1], [0], [0], [1], [0, 0, 1, 1], [], []>, transpose_lhs_hint = false} : vector<1x64xbf16>, vector<64x2xbf16>, vector<1x2xf32> -> vector<1x2xf32>
      %get3A_70 = arith.constant 0 : index
      %get3A_71 = arith.constant 0 : index
      %get3A_72 = vector.load %arg6[%get3A_70, %get3A_71] : memref<1x2xf32, #tpu.memory_space<vmem>>, vector<1x2xf32>
      %add3A_73 = arith.addf %dot_general3A_69, %get3A_72 : vector<1x2xf32>
      %swap3A = arith.constant 0 : index
      %swap3A_74 = arith.constant 0 : index
      %swap3A_75 = vector.load %arg7[%swap3A, %swap3A_74] : memref<1x2xf32, #tpu.memory_space<vmem>>, vector<1x2xf32>
      tpu.vector_store %arg7[%swap3A, %swap3A_74], %add3A_73 {strides = array<i32>} : memref<1x2xf32, #tpu.memory_space<vmem>>, vector<1x2xf32>,
    } else {
    }
    return
  }
  func.func @transform_0(%arg0: i32) -> (i32, i32, i32) {
    %c0_i32 = arith.constant 0 : i32
    %c0_i32_0 = arith.constant 0 : i32
    %c0_i32_1 = arith.constant 0 : i32
    return %c0_i32, %arg0, %c0_i32_0 : i32, i32, i32
  }
  func.func @transform_1(%arg0: i32) -> (i32, i32) {
    %c0_i32 = arith.constant 0 : i32
    %c0_i32_0 = arith.constant 0 : i32
    return %arg0, %c0_i32 : i32, i32
  }
  func.func @transform_2(%arg0: i32) -> (i32, i32, i32, i32) {
    %c0_i32 = arith.constant 0 : i32
    %c0_i32_0 = arith.constant 0 : i32
    %c0_i32_1 = arith.constant 0 : i32
    %c0_i32_2 = arith.constant 0 : i32
    return %c0_i32, %arg0, %c0_i32_0, %c0_i32_1 : i32, i32, i32, i32
  }
  func.func @transform_3(%arg0: i32) -> (i32, i32) {
    %c0_i32 = arith.constant 0 : i32
    %c0_i32_0 = arith.constant 0 : i32
    %c0_i32_1 = arith.constant 0 : i32
    return %c0_i32, %c0_i32_0 : i32, i32
  }
  func.func @transform_4(%arg0: i32) -> (i32, i32) {
    %c0_i32 = arith.constant 0 : i32
    %c0_i32_0 = arith.constant 0 : i32
    %c0_i32_1 = arith.constant 0 : i32
    return %c0_i32, %c0_i32_0 : i32, i32
  }
  func.func @transform_5(%arg0: i32) -> (i32, i32) {
    %c0_i32 = arith.constant 0 : i32
    %c0_i32_0 = arith.constant 0 : i32
    %c0_i32_1 = arith.constant 0 : i32
    return %c0_i32, %c0_i32_0 : i32, i32
  }
  func.func @transform_6(%arg0: i32) -> (i32, i32) {
    %c0_i32 = arith.constant 0 : i32
    %c0_i32_0 = arith.constant 0 : i32
    %c0_i32_1 = arith.constant 0 : i32
    return %c0_i32, %c0_i32_0 : i32, i32
  }
}

</mosaic_0001>

<sc_bundles>
// kernel: kernel.12.cloned.1.call-start
scs
__scs_entry_jumppad:
0x0: {  	(pc) =	sbr.rel $0x88, $3  }
0x1: {  	(tag) =	ssettag $0x0;
	lr =	simm.s32 $0x1  }
0x2: {  	[smem:$0x3F99] =	sst lr;
	_ =	strace $0xD0000000  }
0x3: {  	_ = 	snop  }
0x4: {  	_ = 	snop  }
0x5: {  	_ = 	snop  }
0x6: {  	_ = 	snop  }
0x7: {  	_ = 	snop  }
__scs_overlays_trampoline_lowered:
0x8: {  	[smem:$0x3FA8] =	sst s0  }
0x9: {  	[smem:$0x3FA9] =	sst s1  }
0xa: {  	[smem:$0x3FAA] =	sst s2  }
0xb: {  	[smem:$0x3FAB] =	sst s3  }
0xc: {  	[smem:$0x3FAC] =	sst s4  }
0xd: {  	[smem:$0x3FAD] =	sst s5  }
0xe: {  	[smem:$0x3FAE] =	sst s6  }
0xf: {  	[smem:$0x3FAF] =	sst s7  }
0x10: {  	[smem:$0x3FB0] =	sst s8  }
0x11: {  	[smem:$0x3FB1] =	sst s9;
	s0 =	simm.s32 @!p0 $0x0  }
0x12: {  	s1 =	sld [smem:$0x3F97];
	s0 =	simm.s32 @p0 $0x1  }
0x13: {  	[smem:$0x3FB2] =	sst s0;
	s0 =	simm.s32 @!p1 $0x0  }
0x14: {  	s2 =	sld [smem:$0x3F96];
	s0 =	simm.s32 @p1 $0x1  }
0x15: {  	[smem:$0x3FB3] =	sst s0;
	s0 =	simm.s32 @!p2 $0x0  }
0x16: {  	s3 =	sld [smem:$0x3FDB];
	s0 =	simm.s32 @p2 $0x1  }
0x17: {  	s4 =	simm.s32 $0x1BF5;
	[smem:$0x3FB5] =	sst s0  }
0x18: {  	s0 =	sld [smem:$0x3F98];
	_ =	swait.ge [sflag:s4], $0x0  }
0x19: {  	s7 =	sld [smem:$0x3F99]  }
0x1a: {  	s8 =	sadd.s32 $0xFFFFE003, lr  }
0x1b: {  	s9 =	sadd.s32 $0xFFFFFEF7, lr;
	s5 =	simm.s32 $0xFFFFFFFF;
	p2 =	slt.u32 s8, $0xFFFFF086  }
0x1c: {  	p1 =	slt.u32 s9, $0xF7A;
	s5 =	simm.s32 @!p2 $0x0  }
0x1d: {  	s5 =	simm.s32 @p1 $0x1;
	p0 =	seq.s32 s7, s2  }
0x1e: {  	s7 =	smul.u32 @!p0 $0xF7A, s2;
	p2 =	seq.s32 @!p0 s5, $0x0  }
0x1f: {  	s9 =	smul.u32 $0xF7A, s1;
	s8 =	simm.s32 @!p0 $0x1BF5;
	p2 =	por !p2, p0  }
0x20: {  	[sflag:s8] =	ssyncset.s32 @!p0 $0xFFFFF086;
	s6 =	sadd.s32 @!p0 s3, s7;
	s7 =	simm.s32 @!p0 $0x108  }
0x21: {  	s3 =	sadd.s32 s3, s9;
	s6 =	sadd.s32 @!p0 $0x88, s6;
	s7 =	simm.s32 @p2 $0x1082  }
0x22: {  	[simem:s7], [sflag:s8] =	dma.local @!p0 [hbm:s6], $0xF7A  }
0x23: {  	s9 =	sor.u32 $0xD0000000, s2;
	s6 =	simm.s32 $0x108;
	_ =	swait.ge @!p0 [sflag:s8], $0x0  }
0x24: {  	s3 =	sadd.s32 $0x88, s3;
	s6 =	simm.s32 @!p1 $0x1082;
	[sflag:s4] =	ssyncset.s32 $0xFFFFF086  }
0x25: {  	[simem:s6], [sflag:s4] =	dma.local [hbm:s3], $0xF7A  }
0x26: {  	[smem:$0x3F99] =	sst s1;
	(tag) =	ssettag s2;
	_ =	strace s9  }
0x27: {  	s1 =	sld [smem:$0x3FA9]  }
0x28: {  	s2 =	sld [smem:$0x3FAA]  }
0x29: {  	s4 =	sld [smem:$0x3FAC]  }
0x2a: {  	p0 =	seq.s32 s5, $0x0;
	s5 =	sld [smem:$0x3FAD]  }
0x2b: {  	s6 =	sld [smem:$0x3FAE]  }
0x2c: {  	s7 =	sld [smem:$0x3FAF]  }
0x2d: {  	s3 =	simm.s32 $0x108;
	s8 =	sld [smem:$0x3FB0]  }
0x2e: {  	s3 =	simm.s32 @!p0 $0x1082;
	s9 =	sld [smem:$0x3FB1]  }
0x2f: {  	lr =	sadd.s32 s0, s3;
	s0 =	sld [smem:$0x3FA8]  }
0x30: {  	s3 =	sld [smem:$0x3FAB]  }
0x31: {  	[smem:$0x3FB4] =	sst s10  }
0x32: {  	s10 =	sld [smem:$0x3FB2];
	_ =	sdelay $0x3  }
0x33: {  	p0 =	seq.s32 s10, $0x1;
	s10 =	sld [smem:$0x3FB4];
	_ =	sdelay $0x3  }
0x34: {  	[smem:$0x3FB4] =	sst s10  }
0x35: {  	s10 =	sld [smem:$0x3FB3];
	_ =	sdelay $0x3  }
0x36: {  	p1 =	seq.s32 s10, $0x1;
	s10 =	sld [smem:$0x3FB4];
	_ =	sdelay $0x3  }
0x37: {  	[smem:$0x3FB4] =	sst s10  }
0x38: {  	s10 =	sld [smem:$0x3FB5]  }
0x39: {  	_ = 	snop;
	(pc) =	sbr.ind lr, $3  }
0x3a: {  	_ = 	snop  }
0x3b: {  	_ = 	snop  }
0x3c: {  	p2 =	seq.s32 s10, $0x1;
	s10 =	sld [smem:$0x3FB4]  }
0x3d: {  	_ =	shalt  }
0x3e: {  	_ =	shalt  }
0x3f: {  	_ =	shalt  }
0x40: {  	_ =	shalt  }
0x41: {  	_ =	shalt  }
0x42: {  	_ =	shalt  }
0x43: {  	_ =	shalt  }
0x44: {  	_ =	shalt  }
0x45: {  	_ =	shalt  }
0x46: {  	_ =	shalt  }
0x47: {  	_ =	shalt  }
0x48: {  	_ =	shalt  }
0x49: {  	_ =	shalt  }
0x4a: {  	_ =	shalt  }
0x4b: {  	_ =	shalt  }
0x4c: {  	_ =	shalt  }
0x4d: {  	_ =	shalt  }
0x4e: {  	_ =	shalt  }
0x4f: {  	_ =	shalt  }
0x50: {  	_ =	shalt  }
0x51: {  	_ =	shalt  }
0x52: {  	_ =	shalt  }
0x53: {  	_ =	shalt  }
0x54: {  	_ =	shalt  }
0x55: {  	_ =	shalt  }
0x56: {  	_ =	shalt  }
0x57: {  	_ =	shalt  }
0x58: {  	_ =	shalt  }
0x59: {  	_ =	shalt  }
0x5a: {  	_ =	shalt  }
0x5b: {  	_ =	shalt  }
0x5c: {  	_ =	shalt  }
0x5d: {  	_ =	shalt  }
0x5e: {  	_ =	shalt  }
0x5f: {  	_ =	shalt  }
0x60: {  	_ =	shalt  }
0x61: {  	_ =	shalt  }
0x62: {  	_ =	shalt  }
0x63: {  	_ =	shalt  }
0x64: {  	_ =	shalt  }
0x65: {  	_ =	shalt  }
0x66: {  	_ =	shalt  }
0x67: {  	_ =	shalt  }
0x68: {  	_ =	shalt  }
0x69: {  	_ =	shalt  }
0x6a: {  	_ =	shalt  }
0x6b: {  	_ =	shalt  }
0x6c: {  	_ =	shalt  }
0x6d: {  	_ =	shalt  }
0x6e: {  	_ =	shalt  }
0x6f: {  	_ =	shalt  }
0x70: {  	_ =	shalt  }
0x71: {  	_ =	shalt  }
0x72: {  	_ =	shalt  }
0x73: {  	_ =	shalt  }
0x74: {  	_ =	shalt  }
0x75: {  	_ =	shalt  }
0x76: {  	_ =	shalt  }
0x77: {  	_ =	shalt  }
0x78: {  	_ =	shalt  }
0x79: {  	_ =	shalt  }
0x7a: {  	_ =	shalt  }
0x7b: {  	_ =	shalt  }
0x7c: {  	_ =	shalt  }
0x7d: {  	_ =	shalt  }
0x7e: {  	_ =	shalt  }
0x7f: {  	_ =	shalt  }
0x80: {  	_ =	shalt  }
0x81: {  	_ =	shalt  }
0x82: {  	_ =	shalt  }
0x83: {  	_ =	shalt  }
0x84: {  	_ =	shalt  }
0x85: {  	_ =	shalt  }
0x86: {  	_ =	shalt  }
0x87: {  	_ =	shalt  }
.Lfunc_end0:
.L_simem_size_0:
called_computation.1_lowered:
.L_overlay_start_0:
0x88: {  	s2 =	sld [smem:$0x3FD9]  }
0x89: {  	s3 =	sld [smem:$0x3FFE];
	_ =	sdelay $0x1  }
0x8a: {  	s1 =	srdreg.scid  }
0x8b: {  	s0 =	sand.u32 $0x1, s1  }
0x8c: {  	s16 =	sshll.u32 s0, $0xA;
	s2 =	sadd.s32 s3, s2  }
0x8d: {  	s2 =	sadd.s32 s2, s16  }
0x8e: {  	[smem:$0x3FC0] =	sst s2  }
0x8f: {  	_ = 	snop  }
0x90: {  	(tm) =	ssettm $0x1  }
0x91: {  	s17 =	sld [smem:$0x3FFB];
	_ =	sdelay $0x3  }
0x92: {  	_ =	strace s17  }
0x93: {  	s2 =	sld [smem:$0x3FFC];
	_ =	sdelay $0x3  }
0x94: {  	_ =	strace s2  }
0x95: {  	s2 =	sld [smem:$0x3FFD];
	_ =	sdelay $0x3  }
0x96: {  	_ =	strace s2  }
0x97: {  	_ =	strace $0x8FFFFFFF  }
0x98: {  	s18 =	sld [smem:$0x3FDB];
	_ =	sdelay $0x1  }
0x99: {  	s19 =	simm.s32 $_scs_section_size  }
0x9a: {  	s4 =	simm.s32 $_size__tile_overlayer_lowered;
	s5 =	simm.s32 $_tile_overlayer_lowered  }
0x9b: {  	s22 =	simm.s32 $0x1BFF;
	s21 =	sshll.u32 s5, $0x1;
	s2 =	sadd.s32 s19, s18  }
0x9c: {  	s6 =	simm.s32 $0x0;
	s20 =	sshll.u32 s4, $0x1;
	s4 =	sadd.s32 s21, s2  }
0x9d: {  	[timem:s6], [sflag:s22] =	dma.local [hbm:s4], s20  }
0x9e: {  	_ =	swait.ge [sflag:s22], s20  }
0x9f: {  	s3 =	ssub.s32 $0x0, s20;
	[sflag:s22] =	ssyncset.done $0x0  }
0xa0: {  	[sflag:s22] =	ssyncadd.s32 s3;
	_ =	sdelay $0x1  }
0xa1: {  	s23 =	simm.s32 $0x1B8B  }
0xa2: {  	_ =	swait.ge [sflag:s23], $0x1  }
0xa3: {  	[sflag:s23] =	ssyncset.done $0x0  }
0xa4: {  	s25 =	simm.s32 $0x1B8E;
	s24 =	sld [smem:$0x3FFE];
	[sflag:s23] =	ssyncadd.s32 $0xFFFFFFFF  }
0xa5: {  	s26 =	simm.s32 $execute0_lowered;
	[smem:$0x3FD2] =	sst s25  }
0xa6: {  	s4 =	sshll.u32 s26, $0x1;
	_ =	strace $0x80000049;
	[dreg:$0x1] =	wrdreg $0xFFFFFFFF  }
0xa7: {  	s28 =	simm.s32 $_size_execute0_lowered;
	s2 =	sadd.s32 s2, s4;
	[dreg:$0x0] =	wrdreg $0x0  }
0xa8: {  	s4 =	sshll.u32 s28, $0x1;
	[dreg:$0x2] =	wrdreg s2  }
0xa9: {  	[dreg:$0x3] =	wrdreg s4  }
0xaa: {  	[dreg:$0x4] =	wrdreg $0xC0  }
0xab: {  	_ =	task [dreg:s6], $0x5FFFF  }
0xac: {  	[dreg:$0x1] =	wrdreg $0xFFFFFFFF  }
0xad: {  	[dreg:$0x0] =	wrdreg $0x60  }
0xae: {  	[dreg:$0x2] =	wrdreg s24  }
0xaf: {  	[dreg:$0x3] =	wrdreg $0x10F000  }
0xb0: {  	[dreg:$0x4] =	wrdreg $0x9  }
0xb1: {  	_ =	task.clear_ibuf [dreg:s6], $0x5FFFF;
	_ =	strace $0x90000049  }
0xb2: {  	s29 =	simm.s32 $0x9;
	_ =	strace $0x8000004B  }
0xb3: {  	_ =	swait.ge [sflag:s29], $0x1  }
0xb4: {  	[sflag:s29] =	ssyncadd.s32 $0xFFFFFFFF  }
0xb5: {  	_ =	strace $0x9000004B  }
0xb6: {  	_ =	sfence  }
0xb7: {  	s30 =	sld [smem:$0x0];
	_ =	sdelay $0x2  }
0xb8: {  	s31 =	sshll.u32 s1, $0xD;
	s1 =	sshrl.u32 s1, $0x2  }
0xb9: {  	s3 =	sand.u32 $0x4000, s31;
	s1 =	sadd.s32 s1, s30  }
0xba: {  	s0 =	sor.u32 s3, s0;
	s1 =	sshll.u32 s1, $0x11  }
0xbb: {  	s0 =	sor.u32 s1, s0  }
0xbc: {  	s0 =	sadd.s32 $0x8F2B, s0  }
0xbd: {  	[sflag:s0] =	ssyncadd.remote.s32 $0x1  }
0xbe: {  	_ =	sfence.sel $0xFFFF  }
0xbf: {  	[dreg:$0x0] =	wrdreg $0xFFFFFFFF;
	(pc) =	sbr.abs _section_cstart, $3  }
0xc0: {  	[dreg:$0x1] =	wrdreg $0xFFFFFFFF  }
0xc1: {  	_ =	task.clear_ibuf [dreg:s6], $0x2FFFF;
	_ =	strace $0x9FFFFFFF  }
0xc2: {  	(tm) =	ssettm $0x7FFFFFFF  }
0xc3: {  	_ =	shalt  }
tec
execute0_lowered:
.L_overlay_start_1:
0x0: {  	(tag) =	ssettag $0x1  }
0x1: {  	s0 =	rddreg [dreg:$0x0]  }
0x2: {  	s1 =	rddreg [dreg:$0x1]  }
0x3: {  	s2 =	srdreg.scid;
	s3 =	simm.s32 $0x0;
	s12 =	stileid.u32  }
0x4: {  	s19 =	simm.s32 $0x4;
	s20 =	simm.s32 $0x80;
	s21 =	simm.s32 $0xAF00  }
0x5: {  	s22 =	simm.s32 $0x5;
	s23 =	simm.s32 $0xCF00;
	s24 =	simm.s32 $0x6  }
0x6: {  	s28 =	simm.s32 $0xA;
	s29 =	simm.s32 $0x7;
	s2 =	sand.u32 $0x1, s2  }
0x7: {  	[smem:$0x7FF] =	sst s3;
	s6 =	smul.u32 $0x9C40, s12;
	s4 =	sadd.s32 $0x16600, s0  }
0x8: {  	s8 =	smul.u32 $0x28000, s12;
	s11 =	sadd.s32 $0x2C00, s0;
	s14 =	sshll.u32 s12, $0x4  }
0x9: {  	s5 =	smul.u32 $0x9C400, s2;
	_ =	strace $0x8000004A;
	s7 =	sshll.u32 s2, $0x4  }
0xa: {  	s2 =	ssub.s32 $0x2, s2;
	s16 =	sadd.s32 s14, s11;
	s7 =	sor.u32 s12, s7  }
0xb: {  	s9 =	sshrl.u32 s2, $0x1;
	s17 =	sadd.s32 $0x9C00, s16;
	s18 =	sadd.s32 s6, s1  }
0xc: {  	s12 =	simm.s32 $0x100;
	s5 =	sadd.s32 s6, s5;
	s10 =	smul.u32 $0x2700, s7  }
0xd: {  	s2 =	ssub.s32 s2, s9;
	s9 =	sshrl.u32 s8, $0x2;
	[dreg:$0x6] =	wrdreg s17  }
0xe: {  	p0 =	sgt.u32 s7, $0x3;
	s17 =	simm.s32 $0xD;
	s7 =	simm.s32 $0x6F00  }
0xf: {  	s5 =	sshrl.u32 s5, $0x3;
	s15 =	sadd.s32 s9, s1;
	s2 =	smax.u32 s2, $0x1  }
0x10: {  	s9 =	simm.s32 $0x3;
	s0 =	sadd.s32 s5, s0;
	[dreg:$0x9] =	wrdreg s2  }
0x11: {  	s13 =	sshrl.u32 s10, $0x3;
	s5 =	sadd.s32 $0x13840, s16;
	[dreg:$0x3] =	wrdreg s15  }
0x12: {  	s25 =	sadd.s32 $0x2000, s15;
	s26 =	sadd.s32 $0x4000, s15;
	[dreg:$0x7] =	wrdreg s5  }
0x13: {  	s30 =	sadd.s32 $0x6000, s15;
	s31 =	sadd.s32 $0x8000, s15;
	[dreg:$0xa] =	wrdreg s25  }
0x14: {  	s16 =	simm.s32 $0x4F00;
	s2 =	simm.s32 $0x2;
	[dreg:$0xb] =	wrdreg s26  }
0x15: {  	s10 =	simm.s32 $0x8F00;
	s8 =	sadd.s32 s11, s13;
	[dreg:$0xc] =	wrdreg s30  }
.Ltmp0:
0x16: {  	s0 =	sadd.s32 $0x2A000, s0;
	[dreg:$0xd] =	wrdreg s31;
	(pc) =	sbr.rel .LBB2_1-.Ltmp0, $4  }
0x17: {  	s26 =	simm.s32 $0xEF00;
	s11 =	simm.s32 $0x1;
	[dreg:$0x4] =	wrdreg s8  }
0x18: {  	s13 =	simm.s32 $0x0;
	s8 =	sadd.s32 $0x9C40, s8;
	[dreg:$0x8] =	wrdreg s0  }
0x19: {  	s0 =	sshrl.u32 s18, $0x3;
	s18 =	simm.s32 $0xC;
	[dreg:$0x5] =	wrdreg s8  }
0x1a: {  	v0 =	vimm.f32 $0.0e+00;
	[dreg:$0xe] =	wrdreg s0;
	s0 =	simm.s32 $0xB;
	s8 =	simm.s32 $0x280  }
.LBB2_25:
0x1b: {  	_ =	swait.ge [sflag:s29], $0x2000  }
0x1c: {  	[sflag:s29] =	ssyncset.done $0x0  }
0x1d: {  	s5 =	simm.s32 $0x8;
	[sflag:s29] =	ssyncadd.s32 $0xFFFFE000  }
0x1e: {  	_ =	swait.ge [sflag:s5], $0x2000  }
0x1f: {  	[sflag:s5] =	ssyncset.done $0x0  }
0x20: {  	s14 =	simm.s32 $0x9;
	[sflag:s5] =	ssyncadd.s32 $0xFFFFE000  }
0x21: {  	_ =	swait.ge [sflag:s14], $0x2000  }
0x22: {  	[sflag:s14] =	ssyncset.done $0x0  }
0x23: {  	[sflag:s14] =	ssyncadd.s32 $0xFFFFE000  }
0x24: {  	_ =	swait.ge [sflag:s28], $0x2000  }
0x25: {  	[sflag:s28] =	ssyncset.done $0x0  }
0x26: {  	[sflag:s28] =	ssyncadd.s32 $0xFFFFE000  }
0x27: {  	_ =	swait.ge [sflag:s0], $0x2000  }
0x28: {  	[sflag:s0] =	ssyncset.done $0x0  }
0x29: {  	[sflag:s0] =	ssyncadd.s32 $0xFFFFE000  }
0x2a: {  	_ =	swait.ge [sflag:s18], $0x2000  }
0x2b: {  	s6 =	simm.s32 @!p0 $0x2700;
	[sflag:s18] =	ssyncset.done $0x0  }
0x2c: {  	s5 =	simm.s32 @!p0 $0x80;
	s14 =	simm.s32 @!p0 $0x4F00;
	[sflag:s18] =	ssyncadd.s32 $0xFFFFE000  }
0x2d: {  	[tilespmem:s14], [sflag:$0x1] =	stream.indirect.gather @!p0 [hbm4b:s4+s5], $0x40, s6, s5, $0xb8;
	[tilespmem:$0x1AF00] =	vst v63  }
0x2e: {  	s6 =	simm.s32 @!p0 $0x1  }
0x2f: {  	_ =	swait.ge @!p0 [sflag:s6], $0x2000  }
0x30: {  	[sflag:s6] =	ssyncset.done @!p0 $0x0  }
0x31: {  	[sflag:s6] =	ssyncadd.s32 @!p0 $0xFFFFE000;
	s6 =	simm.s32 @!p0 $0x4E80  }
0x32: {  	[spmem:s1] =	stream.indirect.scatter.add.f32 @!p0 [tilespmem:s14], [sflag:$0xD], $0x40, s6, s5, $0xb8;
	[tilespmem:$0x1AF00] =	vst v63  }
0x33: {  	s5 =	simm.s32 @!p0 $0xD  }
0x34: {  	_ =	swait.ge @!p0 [sflag:s5], $0x2000  }
0x35: {  	[sflag:s5] =	ssyncset.done @!p0 $0x0  }
0x36: {  	[sflag:s5] =	ssyncadd.s32 @!p0 $0xFFFFE000  }
0x37: {  	s15 =	stileid.u32;
	[bflag:$0x0] =	sbarrier.arrive $0xFFFF  }
0x38: {  	s5 =	sshll.u32 s15, $0x6;
	s25 =	rddreg [dreg:$0x8]  }
0x39: {  	s5 =	sor.u32 $0x1C0D, s5;
	s30 =	rddreg [dreg:$0xe]  }
0x3a: {  	[hbm:s25], [sflag:s5] =	dma.local [spmem:s30], $0x1388  }
0x3b: {  	_ =	swait.ge [sflag:s17], $0x1388  }
0x3c: {  	s13 =	sadd.s32 $0x1, s13;
	s31 =	rddreg [dreg:$0x9]  }
0x3d: {  	p1 =	sne.s32 s13, s31  }
.Ltmp1:
0x3e: {  	_ = 	snop;
	(pc) =	sbr.rel @!p1 .LBB2_26-.Ltmp1, $3  }
0x3f: {  	_ =	sdelay $0x1  }
0x40: {  	[sflag:s17] =	ssyncset.done $0x0  }
0x41: {  	[sflag:s17] =	ssyncadd.s32 $0xFFFFEC78  }
.LBB2_1:
0x42: {  	s5 =	sand.u32 $0x7F00, s3  }
0x43: {  	s6 =	sand.u32 $0x30, s3;
	s14 =	sshrl.u32 s5, $0x2  }
0x44: {  	s5 =	simm.s32 $0x40;
	s14 =	sor.u32 s6, s14;
	s6 =	simm.s32 $0x0  }
.LBB2_2:
0x45: {  	p1 =	sne.s32 s5, $0x7FC0  }
0x46: {  	[tilespmem:s14+$0x4F00] =	vst v0;
	s6 =	sadd.s32 $0x10, s6;
	s14 =	smov.u32 s5;
	s5 =	sadd.s32 $0x40, s5  }
.Ltmp2:
0x47: {  	(pc) =	sbr.rel @p1 .LBB2_2-.Ltmp2, $4  }
0x48: {  	_ = 	snop  }
0x49: {  	s14 =	sand.u32 $0x7F00, s14  }
0x4a: {  	s15 =	sand.u32 $0x30, s6;
	s14 =	sshrl.u32 s14, $0x2  }
0x4b: {  	s14 =	sor.u32 s15, s14  }
0x4c: {  	[tilespmem:s14+$0x4F00] =	vst v0;
	s5 =	rddreg [dreg:$0x3]  }
0x4d: {  	[spmem:s5] =	stream.linear.scatter [tilespmem:s16], [sflag:$0xD], $0x2000, $0x38;
	[tilespmem:$0x1AF00] =	vst v63  }
0x4e: {  	_ =	swait.ge [sflag:s17], $0x2000  }
0x4f: {  	[sflag:s17] =	ssyncset.done $0x0  }
0x50: {  	s31 =	rddreg [dreg:$0xa];
	[sflag:s17] =	ssyncadd.s32 $0xFFFFE000  }
0x51: {  	[spmem:s31] =	stream.linear.scatter [tilespmem:s16], [sflag:$0xD], $0x2000, $0x38;
	[tilespmem:$0x1AF00] =	vst v63  }
0x52: {  	_ =	swait.ge [sflag:s17], $0x2000  }
0x53: {  	[sflag:s17] =	ssyncset.done $0x0  }
0x54: {  	s6 =	rddreg [dreg:$0xb];
	[sflag:s17] =	ssyncadd.s32 $0xFFFFE000  }
0x55: {  	[spmem:s6] =	stream.linear.scatter [tilespmem:s16], [sflag:$0xD], $0x2000, $0x38;
	[tilespmem:$0x1AF00] =	vst v63  }
0x56: {  	_ =	swait.ge [sflag:s17], $0x2000  }
0x57: {  	[sflag:s17] =	ssyncset.done $0x0  }
0x58: {  	s14 =	rddreg [dreg:$0xc];
	[sflag:s17] =	ssyncadd.s32 $0xFFFFE000  }
0x59: {  	[spmem:s14] =	stream.linear.scatter [tilespmem:s16], [sflag:$0xD], $0x2000, $0x38;
	[tilespmem:$0x1AF00] =	vst v63  }
0x5a: {  	_ =	swait.ge [sflag:s17], $0x2000  }
0x5b: {  	[sflag:s17] =	ssyncset.done $0x0  }
0x5c: {  	s15 =	rddreg [dreg:$0xd];
	[sflag:s17] =	ssyncadd.s32 $0xFFFFE000  }
0x5d: {  	[spmem:s15] =	stream.linear.scatter [tilespmem:s16], [sflag:$0xD], $0x2000, $0x38;
	[tilespmem:$0x1AF00] =	vst v63  }
0x5e: {  	_ =	swait.ge [sflag:s17], $0x2000  }
0x5f: {  	[sflag:s17] =	ssyncset.done $0x0  }
0x60: {  	[sflag:s17] =	ssyncadd.s32 $0xFFFFE000  }
0x61: {  	[bflag:$0x0] =	sbarrier.arrive $0xFFFF  }
0x62: {  	s25 =	rddreg [dreg:$0x4]  }
0x63: {  	[tilespmem:s3], [sflag:$0xD] =	stream.linear.gather [hbm4b:s25+s3], $0x2700, $0x38;
	[tilespmem:$0x1AF00] =	vst v63  }
0x64: {  	_ =	swait.ge [sflag:s17], $0x2700  }
0x65: {  	[sflag:s17] =	ssyncset.done $0x0  }
0x66: {  	s6 =	simm.s32 $0x2780;
	s31 =	rddreg [dreg:$0x5];
	[sflag:s17] =	ssyncadd.s32 $0xFFFFD900  }
0x67: {  	[tilespmem:s6], [sflag:$0xD] =	stream.linear.gather [hbm4b:s31+s3], $0x2700, $0x38;
	[tilespmem:$0x1AF00] =	vst v63  }
0x68: {  	_ =	swait.ge [sflag:s17], $0x2700  }
0x69: {  	s5 =	simm.s32 @!p0 $0x0;
	[sflag:s17] =	ssyncset.done $0x0  }
0x6a: {  	s6 =	simm.s32 @!p0 $0x2700;
	s14 =	rddreg [dreg:$0x6];
	[sflag:s17] =	ssyncadd.s32 $0xFFFFD900  }
0x6b: {  	[tilespmem:s6], [sflag:$0xD] =	stream.linear.gather @!p0 [hbm4b:s14+s5], $0x80, $0x38;
	[tilespmem:$0x1AF00] =	vst v63  }
0x6c: {  	s6 =	simm.s32 @!p0 $0xD  }
0x6d: {  	_ =	swait.ge @!p0 [sflag:s6], $0x80  }
0x6e: {  	s14 =	simm.s32 @!p0 $0x4E80;
	[sflag:s6] =	ssyncset.done @!p0 $0x0  }
.Ltmp3:
0x6f: {  	s15 =	rddreg [dreg:$0x7];
	[sflag:s6] =	ssyncadd.s32 @!p0 $0xFFFFFF80;
	(pc) =	sbr.rel .LBB2_4-.Ltmp3, $4  }
0x70: {  	[tilespmem:s14], [sflag:$0xD] =	stream.linear.gather @!p0 [hbm4b:s15+s5], $0x80, $0x38;
	[tilespmem:$0x1AF00] =	vst v63  }
0x71: {  	_ =	swait.ge @!p0 [sflag:s6], $0x80  }
0x72: {  	s30 =	simm.s32 $0x0;
	[sflag:s6] =	ssyncset.done @!p0 $0x0  }
0x73: {  	s25 =	simm.s32 $0x2;
	s15 =	simm.s32 $0x0;
	[sflag:s6] =	ssyncadd.s32 @!p0 $0xFFFFFF80  }
.LBB2_23:
0x74: {  	_ =	swait.ge [sflag:s9], $0x2000;
	s5 =	sshll.u32 s6, $0x7  }
0x75: {  	[sflag:s9] =	ssyncset.done $0x0;
	s5 =	sand.u32 $0x3FFFFF80, s5  }
0x76: {  	[sflag:s9] =	ssyncadd.s32 $0xFFFFE000;
	s5 =	sadd.s32 $0x2780, s5  }
0x77: {  	[spmem:s1] =	stream.indirect.scatter.add.f32 [tilespmem:s10], [sflag:$0x9], $0x40, s5, s20, $0xb8;
	[tilespmem:$0x1AF00] =	vst v63  }
.LBB2_24:
0x78: {  	s15 =	sadd.s32 $0x1, s15;
	s30 =	sadd.s32 $0xC00, s30;
	s25 =	sadd.s32 $0x6, s25  }
.LBB2_4:
0x79: {  	p1 =	seq.s32 s15, $0xD  }
.Ltmp4:
0x7a: {  	_ = 	snop;
	(pc) =	sbr.rel @p1 .LBB2_5-.Ltmp4, $1  }
0x7b: {  	_ =	sdelay $0x3  }
0x7c: {  	p2 =	sne.s32 s15, $0x0  }
.Ltmp5:
0x7d: {  	_ = 	snop;
	(pc) =	sbr.rel @p2 .LBB2_8-.Ltmp5, $1  }
0x7e: {  	_ =	sdelay $0x3  }
0x7f: {  	s14 =	simm.s32 $0x0  }
0x80: {  	[tilespmem:s16], [sflag:$0x1] =	stream.indirect.gather [hbm4b:s4+s20], $0x40, s14, s20, $0xb8;
	[tilespmem:$0x1AF00] =	vst v63  }
0x81: {  	_ = 	snop  }
0x82: {  	[tilespmem:s7], [sflag:$0x2] =	stream.indirect.gather [hbm4b:s4+s20], $0x40, s20, s20, $0xb8;
	[tilespmem:$0x1AF00] =	vst v63  }
.Ltmp6:
0x83: {  	s5 =	sshra.s32 s30, $0x2;
	(pc) =	sbr.rel .LBB2_16-.Ltmp6, $4  }
0x84: {  	[tilespmem:s10], [sflag:$0x3] =	stream.indirect.gather [hbm4b:s4+s20], $0x40, s12, s20, $0xb8;
	[tilespmem:$0x1AF00] =	vst v63  }
0x85: {  	s5 =	sadd.s32 $0x180, s5  }
0x86: {  	[tilespmem:s21], [sflag:$0x4] =	stream.indirect.gather [hbm4b:s4+s20], $0x40, s5, s20, $0xb8;
	[tilespmem:$0x1AF00] =	vst v63  }
0x87: {  	s6 =	simm.s32 $0x2;
	s5 =	simm.s32 $0x1  }
.LBB2_5:
.Ltmp7:
0x88: {  	(pc) =	sbr.rel .LBB2_9-.Ltmp7, $2  }
0x89: {  	_ =	sdelay $0x2  }
0x8a: {  	s5 =	simm.s32 $0x4B  }
.LBB2_8:
0x8b: {  	_ =	swait.ge [sflag:s29], $0x2000  }
0x8c: {  	[sflag:s29] =	ssyncset.done $0x0  }
0x8d: {  	s5 =	sshra.s32 s30, $0x2;
	[sflag:s29] =	ssyncadd.s32 $0xFFFFE000  }
0x8e: {  	[tilespmem:s16], [sflag:$0x1] =	stream.indirect.gather [hbm4b:s4+s20], $0x40, s5, s20, $0xb8;
	[tilespmem:$0x1AF00] =	vst v63  }
0x8f: {  	s5 =	sadd.s32 $0xFFFFFFFB, s25  }
0x90: {  	p2 =	sgt.u32 s5, $0x4D  }
.Ltmp8:
0x91: {  	_ = 	snop;
	(pc) =	sbr.rel @p2 .LBB2_10-.Ltmp8, $1  }
0x92: {  	_ =	sdelay $0x3  }
.LBB2_9:
0x93: {  	_ =	swait.ge [sflag:s19], $0x2000;
	s5 =	sshll.u32 s5, $0x7  }
0x94: {  	[sflag:s19] =	ssyncset.done $0x0;
	s5 =	sand.u32 $0x3FFFFF80, s5  }
0x95: {  	[sflag:s19] =	ssyncadd.s32 $0xFFFFE000;
	s5 =	sadd.s32 $0x2780, s5  }
0x96: {  	[spmem:s1] =	stream.indirect.scatter.add.f32 [tilespmem:s21], [sflag:$0xA], $0x40, s5, s20, $0xb8;
	[tilespmem:$0x1AF00] =	vst v63  }
.LBB2_10:
0x97: {  	p3 =	seq.s32 s30, $0x9C00  }
0x98: {  	s5 =	simm.s32 @!p3 $0x8  }
0x99: {  	_ =	swait.ge @!p3 [sflag:s5], $0x2000  }
0x9a: {  	[sflag:s5] =	ssyncset.done @!p3 $0x0  }
0x9b: {  	[sflag:s5] =	ssyncadd.s32 @!p3 $0xFFFFE000;
	s5 =	sshra.s32 @!p3 s30, $0x2  }
0x9c: {  	s6 =	simm.s32 @!p3 $0x80;
	s31 =	simm.s32 @!p3 $0x6F00;
	s14 =	sadd.s32 @!p3 $0x80, s5  }
0x9d: {  	[tilespmem:s31], [sflag:$0x2] =	stream.indirect.gather @!p3 [hbm4b:s4+s6], $0x40, s14, s6, $0xb8;
	[tilespmem:$0x1AF00] =	vst v63  }
0x9e: {  	s14 =	sadd.s32 @!p3 $0xFFFFFFFC, s25  }
0x9f: {  	p2 =	sgt.u32 @!p3 s14, $0x4D  }
0xa0: {  	p4 =	por p3, !p2  }
.Ltmp9:
0xa1: {  	_ = 	snop;
	(pc) =	sbr.rel @!p4 .LBB2_12-.Ltmp9, $2  }
0xa2: {  	_ =	sdelay $0x2  }
0xa3: {  	p2 =	por @!p3 $0x0, $0x0  }
0xa4: {  	s14 =	simm.s32 @p3 $0x4C  }
0xa5: {  	_ =	swait.ge [sflag:s22], $0x2000;
	s14 =	sshll.u32 s14, $0x7  }
0xa6: {  	[sflag:s22] =	ssyncset.done $0x0;
	s14 =	sand.u32 $0x3FFFFF80, s14  }
0xa7: {  	p2 =	por p3, p3;
	[sflag:s22] =	ssyncadd.s32 $0xFFFFE000;
	s14 =	sadd.s32 $0x2780, s14  }
0xa8: {  	[spmem:s1] =	stream.indirect.scatter.add.f32 [tilespmem:s23], [sflag:$0xB], $0x40, s14, s20, $0xb8;
	[tilespmem:$0x1AF00] =	vst v63  }
.LBB2_12:
0xa9: {  	s14 =	simm.s32 @!p3 $0x9  }
0xaa: {  	_ =	swait.ge @!p3 [sflag:s14], $0x2000  }
0xab: {  	[sflag:s14] =	ssyncset.done @!p3 $0x0  }
0xac: {  	s5 =	sadd.s32 @!p3 $0x100, s5;
	[sflag:s14] =	ssyncadd.s32 @!p3 $0xFFFFE000;
	s14 =	simm.s32 @!p3 $0x8F00  }
0xad: {  	[tilespmem:s14], [sflag:$0x3] =	stream.indirect.gather @!p3 [hbm4b:s4+s6], $0x40, s5, s6, $0xb8;
	[tilespmem:$0x1AF00] =	vst v63  }
0xae: {  	s5 =	sadd.s32 @!p3 $0xFFFFFFFD, s25  }
0xaf: {  	p4 =	sgt.u32 @!p3 s5, $0x4D  }
0xb0: {  	p4 =	por p3, !p4  }
.Ltmp10:
0xb1: {  	_ = 	snop;
	(pc) =	sbr.rel @!p4 .LBB2_14-.Ltmp10, $1  }
0xb2: {  	_ =	sdelay $0x3  }
0xb3: {  	s5 =	simm.s32 @p3 $0x4D  }
0xb4: {  	_ =	swait.ge [sflag:s24], $0x2000;
	s5 =	sshll.u32 s5, $0x7  }
0xb5: {  	[sflag:s24] =	ssyncset.done $0x0;
	s5 =	sand.u32 $0x3FFFFF80, s5  }
0xb6: {  	[sflag:s24] =	ssyncadd.s32 $0xFFFFE000;
	s5 =	sadd.s32 $0x2780, s5  }
0xb7: {  	[spmem:s1] =	stream.indirect.scatter.add.f32 [tilespmem:s26], [sflag:$0xC], $0x40, s5, s20, $0xb8;
	[tilespmem:$0x1AF00] =	vst v63  }
.LBB2_14:
0xb8: {  	p3 =	seq.s32 s30, $0x9C00  }
.Ltmp11:
0xb9: {  	_ = 	snop;
	(pc) =	sbr.rel @!p3 .LBB2_15-.Ltmp11, $2  }
0xba: {  	_ =	sdelay $0x2  }
0xbb: {  	s5 =	sadd.s32 $0xFFFFFFFF, s25  }
.Ltmp12:
0xbc: {  	(pc) =	sbr.rel @!p2 .LBB2_18-.Ltmp12, $4  }
.Ltmp13:
0xbd: {  	(pc) =	sbr.rel @p2 .LBB2_25-.Ltmp13, $4  }
0xbe: {  	_ = 	snop  }
0xbf: {  	_ = 	snop  }
0xc0: {  	s6 =	smov.u32 s25  }
0xc1: {  	_ = 	snop  }
.LBB2_15:
.Ltmp14:
0xc2: {  	_ =	swait.ge [sflag:s28], $0x2000;
	(pc) =	sbr.rel @p2 .LBB2_19-.Ltmp14, $4  }
0xc3: {  	s6 =	sshra.s32 s30, $0x2;
	[sflag:s28] =	ssyncset.done $0x0  }
0xc4: {  	s6 =	sadd.s32 $0x180, s6;
	[sflag:s28] =	ssyncadd.s32 $0xFFFFE000  }
0xc5: {  	[tilespmem:s21], [sflag:$0x4] =	stream.indirect.gather [hbm4b:s4+s20], $0x40, s6, s20, $0xb8;
	[tilespmem:$0x1AF00] =	vst v63  }
0xc6: {  	p3 =	por $0x1, $0x1;
	s14 =	smov.u32 s30;
	s6 =	smov.u32 s25  }
.LBB2_16:
0xc7: {  	_ =	swait.ge [sflag:s11], $0x2000  }
0xc8: {  	s14 =	sshra.s32 s14, $0x2;
	[sflag:s11] =	ssyncset.done $0x0  }
0xc9: {  	p2 =	seq.s32 s30, $0x0;
	s14 =	sadd.s32 $0x2780, s14;
	[sflag:s11] =	ssyncadd.s32 $0xFFFFE000  }
0xca: {  	[spmem:s1] =	stream.indirect.scatter.add.f32 [tilespmem:s16], [sflag:$0x7], $0x40, s14, s20, $0xb8;
	[tilespmem:$0x1AF00] =	vst v63  }
0xcb: {  	s14 =	simm.s32 @!p2 $0xB  }
0xcc: {  	_ =	swait.ge @!p2 [sflag:s14], $0x2000  }
0xcd: {  	s31 =	sshra.s32 s30, $0x2;
	[sflag:s14] =	ssyncset.done @!p2 $0x0  }
0xce: {  	s31 =	sadd.s32 $0x200, s31;
	[sflag:s14] =	ssyncadd.s32 @!p2 $0xFFFFE000  }
0xcf: {  	[tilespmem:s23], [sflag:$0x5] =	stream.indirect.gather [hbm4b:s4+s20], $0x40, s31, s20, $0xb8;
	[tilespmem:$0x1AF00] =	vst v63  }
.LBB2_18:
0xd0: {  	_ =	swait.ge [sflag:s2], $0x2000;
	s5 =	sshll.u32 s5, $0x7  }
0xd1: {  	[sflag:s2] =	ssyncset.done $0x0;
	s5 =	sand.u32 $0x3FFFFF80, s5  }
0xd2: {  	p3 =	por $0x0, $0x0;
	[sflag:s2] =	ssyncadd.s32 $0xFFFFE000;
	s5 =	sadd.s32 $0x2780, s5  }
0xd3: {  	[spmem:s1] =	stream.indirect.scatter.add.f32 [tilespmem:s7], [sflag:$0x8], $0x40, s5, s20, $0xb8;
	[tilespmem:$0x1AF00] =	vst v63  }
.LBB2_19:
0xd4: {  	p2 =	seq.s32 s15, $0x0  }
.Ltmp15:
0xd5: {  	_ = 	snop;
	(pc) =	sbr.rel @p2 .LBB2_22-.Ltmp15, $1  }
0xd6: {  	_ =	sdelay $0x3  }
.Ltmp16:
0xd7: {  	(pc) =	sbr.rel @p1 .LBB2_25-.Ltmp16, $1  }
0xd8: {  	_ =	sdelay $0x3  }
.Ltmp17:
0xd9: {  	(pc) =	sbr.rel @p3 .LBB2_24-.Ltmp17, $4  }
.Ltmp18:
0xda: {  	_ =	swait.ge [sflag:s18], $0x2000;
	(pc) =	sbr.rel @!p3 .LBB2_23-.Ltmp18, $4  }
0xdb: {  	s5 =	sshra.s32 s30, $0x2;
	[sflag:s18] =	ssyncset.done $0x0  }
0xdc: {  	s5 =	sadd.s32 $0x280, s5;
	[sflag:s18] =	ssyncadd.s32 $0xFFFFE000  }
0xdd: {  	[tilespmem:s26], [sflag:$0x6] =	stream.indirect.gather [hbm4b:s4+s20], $0x40, s5, s20, $0xb8;
	[tilespmem:$0x1AF00] =	vst v63  }
0xde: {  	_ = 	snop  }
.LBB2_22:
.Ltmp19:
0xdf: {  	(pc) =	sbr.rel @p3 .LBB2_24-.Ltmp19, $4  }
.Ltmp20:
0xe0: {  	(pc) =	sbr.rel @!p3 .LBB2_23-.Ltmp20, $4  }
0xe1: {  	_ = 	snop  }
0xe2: {  	_ = 	snop  }
0xe3: {  	[tilespmem:s26], [sflag:$0x6] =	stream.indirect.gather [hbm4b:s4+s20], $0x40, s8, s20, $0xb8;
	[tilespmem:$0x1AF00] =	vst v63  }
0xe4: {  	_ = 	snop  }
.LBB2_26:
0xe5: {  	_ =	sfence.sel $0x180000  }
0xe6: {  	[bflag:$0x0] =	sbarrier.arrive $0xFFFF  }
0xe7: {  	_ =	strace $0x9000004A  }
0xe8: {  	s0 =	stileid.u32;
	[bflag:$0x2] =	sbarrier.arrive $0xFFFF  }
0xe9: {  	p0 =	sne.s32 s0, $0x0;
	s0 =	rddreg [dreg:$0x2]  }
0xea: {  	s0 =	sadd.s32 @!p0 $0x100000, s0  }
0xeb: {  	[sflag:s0] =	ssyncadd.tile.s32 @!p0 $0x1;
	_ =	shalt  }
.Lfunc_end2:
_tile_overlayer_lowered:
.L_overlay_start_2:
0xec: {  	(tag) =	ssettag $0x2  }
0xed: {  	s0 =	rddreg [dreg:$0x0];
	s2 =	stileid.u32  }
0xee: {  	s1 =	rddreg [dreg:$0x1];
	p0 =	sne.s32 s2, $0x0  }
0xef: {  	s3 =	rddreg [dreg:$0x2];
	[bflag:$0x3] =	sbarrier.arrive $0xFFFF;
	s2 =	simm.s32 @!p0 $0x1C0D  }
0xf0: {  	[timem:s3], [sflag:s2] =	dma.local @!p0 [hbm:s0], s1  }
0xf1: {  	s0 =	simm.s32 @!p0 $0xD  }
0xf2: {  	_ =	swait.ge @!p0 [sflag:s0], s1  }
0xf3: {  	s1 =	ssub.s32 @!p0 $0x0, s1;
	[sflag:s0] =	ssyncset.done @!p0 $0x0  }
0xf4: {  	[sflag:s0] =	ssyncadd.s32 @!p0 s1  }
0xf5: {  	[bflag:$0x3] =	sbarrier.arrive $0xFFFF  }
0xf6: {  	_ =	shalt  }

// kernel: kernel.15.cloned.1.call-start
scs
__scs_entry_jumppad:
0x0: {  	(pc) =	sbr.rel $0x88, $3  }
0x1: {  	(tag) =	ssettag $0x0;
	lr =	simm.s32 $0x1  }
0x2: {  	[smem:$0x3F99] =	sst lr;
	_ =	strace $0xD0000000  }
0x3: {  	_ = 	snop  }
0x4: {  	_ = 	snop  }
0x5: {  	_ = 	snop  }
0x6: {  	_ = 	snop  }
0x7: {  	_ = 	snop  }
__scs_overlays_trampoline_lowered:
0x8: {  	[smem:$0x3FA8] =	sst s0  }
0x9: {  	[smem:$0x3FA9] =	sst s1  }
0xa: {  	[smem:$0x3FAA] =	sst s2  }
0xb: {  	[smem:$0x3FAB] =	sst s3  }
0xc: {  	[smem:$0x3FAC] =	sst s4  }
0xd: {  	[smem:$0x3FAD] =	sst s5  }
0xe: {  	[smem:$0x3FAE] =	sst s6  }
0xf: {  	[smem:$0x3FAF] =	sst s7  }
0x10: {  	[smem:$0x3FB0] =	sst s8  }
0x11: {  	[smem:$0x3FB1] =	sst s9;
	s0 =	simm.s32 @!p0 $0x0  }
0x12: {  	s1 =	sld [smem:$0x3F97];
	s0 =	simm.s32 @p0 $0x1  }
0x13: {  	[smem:$0x3FB2] =	sst s0;
	s0 =	simm.s32 @!p1 $0x0  }
0x14: {  	s2 =	sld [smem:$0x3F96];
	s0 =	simm.s32 @p1 $0x1  }
0x15: {  	[smem:$0x3FB3] =	sst s0;
	s0 =	simm.s32 @!p2 $0x0  }
0x16: {  	s3 =	sld [smem:$0x3FDB];
	s0 =	simm.s32 @p2 $0x1  }
0x17: {  	s4 =	simm.s32 $0x1BF5;
	[smem:$0x3FB5] =	sst s0  }
0x18: {  	s0 =	sld [smem:$0x3F98];
	_ =	swait.ge [sflag:s4], $0x0  }
0x19: {  	s7 =	sld [smem:$0x3F99]  }
0x1a: {  	s8 =	sadd.s32 $0xFFFFE003, lr  }
0x1b: {  	s9 =	sadd.s32 $0xFFFFFEF7, lr;
	s5 =	simm.s32 $0xFFFFFFFF;
	p2 =	slt.u32 s8, $0xFFFFF086  }
0x1c: {  	p1 =	slt.u32 s9, $0xF7A;
	s5 =	simm.s32 @!p2 $0x0  }
0x1d: {  	s5 =	simm.s32 @p1 $0x1;
	p0 =	seq.s32 s7, s2  }
0x1e: {  	s7 =	smul.u32 @!p0 $0xF7A, s2;
	p2 =	seq.s32 @!p0 s5, $0x0  }
0x1f: {  	s9 =	smul.u32 $0xF7A, s1;
	s8 =	simm.s32 @!p0 $0x1BF5;
	p2 =	por !p2, p0  }
0x20: {  	[sflag:s8] =	ssyncset.s32 @!p0 $0xFFFFF086;
	s6 =	sadd.s32 @!p0 s3, s7;
	s7 =	simm.s32 @!p0 $0x108  }
0x21: {  	s3 =	sadd.s32 s3, s9;
	s6 =	sadd.s32 @!p0 $0x88, s6;
	s7 =	simm.s32 @p2 $0x1082  }
0x22: {  	[simem:s7], [sflag:s8] =	dma.local @!p0 [hbm:s6], $0xF7A  }
0x23: {  	s9 =	sor.u32 $0xD0000000, s2;
	s6 =	simm.s32 $0x108;
	_ =	swait.ge @!p0 [sflag:s8], $0x0  }
0x24: {  	s3 =	sadd.s32 $0x88, s3;
	s6 =	simm.s32 @!p1 $0x1082;
	[sflag:s4] =	ssyncset.s32 $0xFFFFF086  }
0x25: {  	[simem:s6], [sflag:s4] =	dma.local [hbm:s3], $0xF7A  }
0x26: {  	[smem:$0x3F99] =	sst s1;
	(tag) =	ssettag s2;
	_ =	strace s9  }
0x27: {  	s1 =	sld [smem:$0x3FA9]  }
0x28: {  	s2 =	sld [smem:$0x3FAA]  }
0x29: {  	s4 =	sld [smem:$0x3FAC]  }
0x2a: {  	p0 =	seq.s32 s5, $0x0;
	s5 =	sld [smem:$0x3FAD]  }
0x2b: {  	s6 =	sld [smem:$0x3FAE]  }
0x2c: {  	s7 =	sld [smem:$0x3FAF]  }
0x2d: {  	s3 =	simm.s32 $0x108;
	s8 =	sld [smem:$0x3FB0]  }
0x2e: {  	s3 =	simm.s32 @!p0 $0x1082;
	s9 =	sld [smem:$0x3FB1]  }
0x2f: {  	lr =	sadd.s32 s0, s3;
	s0 =	sld [smem:$0x3FA8]  }
0x30: {  	s3 =	sld [smem:$0x3FAB]  }
0x31: {  	[smem:$0x3FB4] =	sst s10  }
0x32: {  	s10 =	sld [smem:$0x3FB2];
	_ =	sdelay $0x3  }
0x33: {  	p0 =	seq.s32 s10, $0x1;
	s10 =	sld [smem:$0x3FB4];
	_ =	sdelay $0x3  }
0x34: {  	[smem:$0x3FB4] =	sst s10  }
0x35: {  	s10 =	sld [smem:$0x3FB3];
	_ =	sdelay $0x3  }
0x36: {  	p1 =	seq.s32 s10, $0x1;
	s10 =	sld [smem:$0x3FB4];
	_ =	sdelay $0x3  }
0x37: {  	[smem:$0x3FB4] =	sst s10  }
0x38: {  	s10 =	sld [smem:$0x3FB5]  }
0x39: {  	_ = 	snop;
	(pc) =	sbr.ind lr, $3  }
0x3a: {  	_ = 	snop  }
0x3b: {  	_ = 	snop  }
0x3c: {  	p2 =	seq.s32 s10, $0x1;
	s10 =	sld [smem:$0x3FB4]  }
0x3d: {  	_ =	shalt  }
0x3e: {  	_ =	shalt  }
0x3f: {  	_ =	shalt  }
0x40: {  	_ =	shalt  }
0x41: {  	_ =	shalt  }
0x42: {  	_ =	shalt  }
0x43: {  	_ =	shalt  }
0x44: {  	_ =	shalt  }
0x45: {  	_ =	shalt  }
0x46: {  	_ =	shalt  }
0x47: {  	_ =	shalt  }
0x48: {  	_ =	shalt  }
0x49: {  	_ =	shalt  }
0x4a: {  	_ =	shalt  }
0x4b: {  	_ =	shalt  }
0x4c: {  	_ =	shalt  }
0x4d: {  	_ =	shalt  }
0x4e: {  	_ =	shalt  }
0x4f: {  	_ =	shalt  }
0x50: {  	_ =	shalt  }
0x51: {  	_ =	shalt  }
0x52: {  	_ =	shalt  }
0x53: {  	_ =	shalt  }
0x54: {  	_ =	shalt  }
0x55: {  	_ =	shalt  }
0x56: {  	_ =	shalt  }
0x57: {  	_ =	shalt  }
0x58: {  	_ =	shalt  }
0x59: {  	_ =	shalt  }
0x5a: {  	_ =	shalt  }
0x5b: {  	_ =	shalt  }
0x5c: {  	_ =	shalt  }
0x5d: {  	_ =	shalt  }
0x5e: {  	_ =	shalt  }
0x5f: {  	_ =	shalt  }
0x60: {  	_ =	shalt  }
0x61: {  	_ =	shalt  }
0x62: {  	_ =	shalt  }
0x63: {  	_ =	shalt  }
0x64: {  	_ =	shalt  }
0x65: {  	_ =	shalt  }
0x66: {  	_ =	shalt  }
0x67: {  	_ =	shalt  }
0x68: {  	_ =	shalt  }
0x69: {  	_ =	shalt  }
0x6a: {  	_ =	shalt  }
0x6b: {  	_ =	shalt  }
0x6c: {  	_ =	shalt  }
0x6d: {  	_ =	shalt  }
0x6e: {  	_ =	shalt  }
0x6f: {  	_ =	shalt  }
0x70: {  	_ =	shalt  }
0x71: {  	_ =	shalt  }
0x72: {  	_ =	shalt  }
0x73: {  	_ =	shalt  }
0x74: {  	_ =	shalt  }
0x75: {  	_ =	shalt  }
0x76: {  	_ =	shalt  }
0x77: {  	_ =	shalt  }
0x78: {  	_ =	shalt  }
0x79: {  	_ =	shalt  }
0x7a: {  	_ =	shalt  }
0x7b: {  	_ =	shalt  }
0x7c: {  	_ =	shalt  }
0x7d: {  	_ =	shalt  }
0x7e: {  	_ =	shalt  }
0x7f: {  	_ =	shalt  }
0x80: {  	_ =	shalt  }
0x81: {  	_ =	shalt  }
0x82: {  	_ =	shalt  }
0x83: {  	_ =	shalt  }
0x84: {  	_ =	shalt  }
0x85: {  	_ =	shalt  }
0x86: {  	_ =	shalt  }
0x87: {  	_ =	shalt  }
.Lfunc_end0:
.L_simem_size_0:
called_computation.2_lowered:
.L_overlay_start_0:
0x88: {  	s2 =	sld [smem:$0x3FD9]  }
0x89: {  	s3 =	sld [smem:$0x3FFE];
	_ =	sdelay $0x1  }
0x8a: {  	s1 =	srdreg.scid  }
0x8b: {  	s0 =	sand.u32 $0x1, s1  }
0x8c: {  	s16 =	sshll.u32 s0, $0xA;
	s2 =	sadd.s32 s3, s2  }
0x8d: {  	s2 =	sadd.s32 s2, s16  }
0x8e: {  	[smem:$0x3FC0] =	sst s2  }
0x8f: {  	_ = 	snop  }
0x90: {  	(tm) =	ssettm $0x1  }
0x91: {  	s17 =	sld [smem:$0x3FFB];
	_ =	sdelay $0x3  }
0x92: {  	_ =	strace s17  }
0x93: {  	s2 =	sld [smem:$0x3FFC];
	_ =	sdelay $0x3  }
0x94: {  	_ =	strace s2  }
0x95: {  	s2 =	sld [smem:$0x3FFD];
	_ =	sdelay $0x3  }
0x96: {  	_ =	strace s2  }
0x97: {  	_ =	strace $0x8FFFFFFF  }
0x98: {  	s18 =	sld [smem:$0x3FDB];
	_ =	sdelay $0x1  }
0x99: {  	s19 =	simm.s32 $_scs_section_size  }
0x9a: {  	s4 =	simm.s32 $_size__tile_overlayer_lowered;
	s5 =	simm.s32 $_tile_overlayer_lowered  }
0x9b: {  	s22 =	simm.s32 $0x1BFF;
	s21 =	sshll.u32 s5, $0x1;
	s2 =	sadd.s32 s19, s18  }
0x9c: {  	s6 =	simm.s32 $0x0;
	s20 =	sshll.u32 s4, $0x1;
	s4 =	sadd.s32 s21, s2  }
0x9d: {  	[timem:s6], [sflag:s22] =	dma.local [hbm:s4], s20  }
0x9e: {  	_ =	swait.ge [sflag:s22], s20  }
0x9f: {  	s3 =	ssub.s32 $0x0, s20;
	[sflag:s22] =	ssyncset.done $0x0  }
0xa0: {  	[sflag:s22] =	ssyncadd.s32 s3;
	_ =	sdelay $0x1  }
0xa1: {  	s23 =	simm.s32 $0x1B8B  }
0xa2: {  	_ =	swait.ge [sflag:s23], $0x1  }
0xa3: {  	[sflag:s23] =	ssyncset.done $0x0  }
0xa4: {  	s25 =	simm.s32 $0x1B8E;
	s24 =	sld [smem:$0x3FFE];
	[sflag:s23] =	ssyncadd.s32 $0xFFFFFFFF  }
0xa5: {  	s26 =	simm.s32 $execute0_lowered;
	[smem:$0x3FD2] =	sst s25  }
0xa6: {  	s4 =	sshll.u32 s26, $0x1;
	_ =	strace $0x8000004C;
	[dreg:$0x1] =	wrdreg $0xFFFFFFFF  }
0xa7: {  	s28 =	simm.s32 $_size_execute0_lowered;
	s2 =	sadd.s32 s2, s4;
	[dreg:$0x0] =	wrdreg $0x0  }
0xa8: {  	s4 =	sshll.u32 s28, $0x1;
	[dreg:$0x2] =	wrdreg s2  }
0xa9: {  	[dreg:$0x3] =	wrdreg s4  }
0xaa: {  	[dreg:$0x4] =	wrdreg $0xC0  }
0xab: {  	_ =	task [dreg:s6], $0x5FFFF  }
0xac: {  	[dreg:$0x1] =	wrdreg $0xFFFFFFFF  }
0xad: {  	[dreg:$0x0] =	wrdreg $0x60  }
0xae: {  	[dreg:$0x2] =	wrdreg s24  }
0xaf: {  	[dreg:$0x3] =	wrdreg $0x10F000  }
0xb0: {  	[dreg:$0x4] =	wrdreg $0x9  }
0xb1: {  	_ =	task.clear_ibuf [dreg:s6], $0x5FFFF;
	_ =	strace $0x9000004C  }
0xb2: {  	s29 =	simm.s32 $0x9;
	_ =	strace $0x8000004E  }
0xb3: {  	_ =	swait.ge [sflag:s29], $0x1  }
0xb4: {  	[sflag:s29] =	ssyncadd.s32 $0xFFFFFFFF  }
0xb5: {  	_ =	strace $0x9000004E  }
0xb6: {  	_ =	sfence  }
0xb7: {  	s30 =	sld [smem:$0x0];
	_ =	sdelay $0x2  }
0xb8: {  	s31 =	sshll.u32 s1, $0xD;
	s1 =	sshrl.u32 s1, $0x2  }
0xb9: {  	s3 =	sand.u32 $0x4000, s31;
	s1 =	sadd.s32 s1, s30  }
0xba: {  	s0 =	sor.u32 s3, s0;
	s1 =	sshll.u32 s1, $0x11  }
0xbb: {  	s0 =	sor.u32 s1, s0  }
0xbc: {  	s0 =	sadd.s32 $0x8F2B, s0  }
0xbd: {  	[sflag:s0] =	ssyncadd.remote.s32 $0x1  }
0xbe: {  	_ =	sfence.sel $0xFFFF  }
0xbf: {  	[dreg:$0x0] =	wrdreg $0xFFFFFFFF;
	(pc) =	sbr.abs _section_cstart, $3  }
0xc0: {  	[dreg:$0x1] =	wrdreg $0xFFFFFFFF  }
0xc1: {  	_ =	task.clear_ibuf [dreg:s6], $0x2FFFF;
	_ =	strace $0x9FFFFFFF  }
0xc2: {  	(tm) =	ssettm $0x7FFFFFFF  }
0xc3: {  	_ =	shalt  }
tec
execute0_lowered:
.L_overlay_start_1:
0x0: {  	(tag) =	ssettag $0x1  }
0x1: {  	s0 =	rddreg [dreg:$0x0]  }
0x2: {  	s1 =	rddreg [dreg:$0x1]  }
0x3: {  	s2 =	srdreg.scid;
	s3 =	simm.s32 $0x0;
	s12 =	stileid.u32  }
0x4: {  	s19 =	simm.s32 $0x4;
	s20 =	simm.s32 $0x80;
	s21 =	simm.s32 $0xAF00  }
0x5: {  	s22 =	simm.s32 $0x5;
	s23 =	simm.s32 $0xCF00;
	s24 =	simm.s32 $0x6  }
0x6: {  	s28 =	simm.s32 $0xA;
	s29 =	simm.s32 $0x7;
	s2 =	sand.u32 $0x1, s2  }
0x7: {  	[smem:$0x7FF] =	sst s3;
	s6 =	smul.u32 $0x9C40, s12;
	s4 =	sadd.s32 $0x16600, s0  }
0x8: {  	s8 =	smul.u32 $0x28000, s12;
	s11 =	sadd.s32 $0x2C00, s0;
	s14 =	sshll.u32 s12, $0x4  }
0x9: {  	s5 =	smul.u32 $0x9C400, s2;
	_ =	strace $0x8000004D;
	s7 =	sshll.u32 s2, $0x4  }
0xa: {  	s2 =	ssub.s32 $0x2, s2;
	s16 =	sadd.s32 s14, s11;
	s7 =	sor.u32 s12, s7  }
0xb: {  	s9 =	sshrl.u32 s2, $0x1;
	s17 =	sadd.s32 $0x9C00, s16;
	s18 =	sadd.s32 s6, s1  }
0xc: {  	s12 =	simm.s32 $0x100;
	s5 =	sadd.s32 s6, s5;
	s10 =	smul.u32 $0x2700, s7  }
0xd: {  	s2 =	ssub.s32 s2, s9;
	s9 =	sshrl.u32 s8, $0x2;
	[dreg:$0x6] =	wrdreg s17  }
0xe: {  	p0 =	sgt.u32 s7, $0x3;
	s17 =	simm.s32 $0xD;
	s7 =	simm.s32 $0x6F00  }
0xf: {  	s5 =	sshrl.u32 s5, $0x3;
	s15 =	sadd.s32 s9, s1;
	s2 =	smax.u32 s2, $0x1  }
0x10: {  	s9 =	simm.s32 $0x3;
	s0 =	sadd.s32 s5, s0;
	[dreg:$0x9] =	wrdreg s2  }
0x11: {  	s13 =	sshrl.u32 s10, $0x3;
	s5 =	sadd.s32 $0x13840, s16;
	[dreg:$0x3] =	wrdreg s15  }
0x12: {  	s25 =	sadd.s32 $0x2000, s15;
	s26 =	sadd.s32 $0x4000, s15;
	[dreg:$0x7] =	wrdreg s5  }
0x13: {  	s30 =	sadd.s32 $0x6000, s15;
	s31 =	sadd.s32 $0x8000, s15;
	[dreg:$0xa] =	wrdreg s25  }
0x14: {  	s16 =	simm.s32 $0x4F00;
	s2 =	simm.s32 $0x2;
	[dreg:$0xb] =	wrdreg s26  }
0x15: {  	s10 =	simm.s32 $0x8F00;
	s8 =	sadd.s32 s11, s13;
	[dreg:$0xc] =	wrdreg s30  }
.Ltmp0:
0x16: {  	s0 =	sadd.s32 $0x2A000, s0;
	[dreg:$0xd] =	wrdreg s31;
	(pc) =	sbr.rel .LBB2_1-.Ltmp0, $4  }
0x17: {  	s26 =	simm.s32 $0xEF00;
	s11 =	simm.s32 $0x1;
	[dreg:$0x4] =	wrdreg s8  }
0x18: {  	s13 =	simm.s32 $0x0;
	s8 =	sadd.s32 $0x9C40, s8;
	[dreg:$0x8] =	wrdreg s0  }
0x19: {  	s0 =	sshrl.u32 s18, $0x3;
	s18 =	simm.s32 $0xC;
	[dreg:$0x5] =	wrdreg s8  }
0x1a: {  	v0 =	vimm.f32 $0.0e+00;
	[dreg:$0xe] =	wrdreg s0;
	s0 =	simm.s32 $0xB;
	s8 =	simm.s32 $0x280  }
.LBB2_25:
0x1b: {  	_ =	swait.ge [sflag:s29], $0x2000  }
0x1c: {  	[sflag:s29] =	ssyncset.done $0x0  }
0x1d: {  	s5 =	simm.s32 $0x8;
	[sflag:s29] =	ssyncadd.s32 $0xFFFFE000  }
0x1e: {  	_ =	swait.ge [sflag:s5], $0x2000  }
0x1f: {  	[sflag:s5] =	ssyncset.done $0x0  }
0x20: {  	s14 =	simm.s32 $0x9;
	[sflag:s5] =	ssyncadd.s32 $0xFFFFE000  }
0x21: {  	_ =	swait.ge [sflag:s14], $0x2000  }
0x22: {  	[sflag:s14] =	ssyncset.done $0x0  }
0x23: {  	[sflag:s14] =	ssyncadd.s32 $0xFFFFE000  }
0x24: {  	_ =	swait.ge [sflag:s28], $0x2000  }
0x25: {  	[sflag:s28] =	ssyncset.done $0x0  }
0x26: {  	[sflag:s28] =	ssyncadd.s32 $0xFFFFE000  }
0x27: {  	_ =	swait.ge [sflag:s0], $0x2000  }
0x28: {  	[sflag:s0] =	ssyncset.done $0x0  }
0x29: {  	[sflag:s0] =	ssyncadd.s32 $0xFFFFE000  }
0x2a: {  	_ =	swait.ge [sflag:s18], $0x2000  }
0x2b: {  	s6 =	simm.s32 @!p0 $0x2700;
	[sflag:s18] =	ssyncset.done $0x0  }
0x2c: {  	s5 =	simm.s32 @!p0 $0x80;
	s14 =	simm.s32 @!p0 $0x4F00;
	[sflag:s18] =	ssyncadd.s32 $0xFFFFE000  }
0x2d: {  	[tilespmem:s14], [sflag:$0x1] =	stream.indirect.gather @!p0 [hbm4b:s4+s5], $0x40, s6, s5, $0xb8;
	[tilespmem:$0x1AF00] =	vst v63  }
0x2e: {  	s6 =	simm.s32 @!p0 $0x1  }
0x2f: {  	_ =	swait.ge @!p0 [sflag:s6], $0x2000  }
0x30: {  	[sflag:s6] =	ssyncset.done @!p0 $0x0  }
0x31: {  	[sflag:s6] =	ssyncadd.s32 @!p0 $0xFFFFE000;
	s6 =	simm.s32 @!p0 $0x4E80  }
0x32: {  	[spmem:s1] =	stream.indirect.scatter.add.f32 @!p0 [tilespmem:s14], [sflag:$0xD], $0x40, s6, s5, $0xb8;
	[tilespmem:$0x1AF00] =	vst v63  }
0x33: {  	s5 =	simm.s32 @!p0 $0xD  }
0x34: {  	_ =	swait.ge @!p0 [sflag:s5], $0x2000  }
0x35: {  	[sflag:s5] =	ssyncset.done @!p0 $0x0  }
0x36: {  	[sflag:s5] =	ssyncadd.s32 @!p0 $0xFFFFE000  }
0x37: {  	s15 =	stileid.u32;
	[bflag:$0x0] =	sbarrier.arrive $0xFFFF  }
0x38: {  	s5 =	sshll.u32 s15, $0x6;
	s25 =	rddreg [dreg:$0x8]  }
0x39: {  	s5 =	sor.u32 $0x1C0D, s5;
	s30 =	rddreg [dreg:$0xe]  }
0x3a: {  	[hbm:s25], [sflag:s5] =	dma.local [spmem:s30], $0x1388  }
0x3b: {  	_ =	swait.ge [sflag:s17], $0x1388  }
0x3c: {  	s13 =	sadd.s32 $0x1, s13;
	s31 =	rddreg [dreg:$0x9]  }
0x3d: {  	p1 =	sne.s32 s13, s31  }
.Ltmp1:
0x3e: {  	_ = 	snop;
	(pc) =	sbr.rel @!p1 .LBB2_26-.Ltmp1, $3  }
0x3f: {  	_ =	sdelay $0x1  }
0x40: {  	[sflag:s17] =	ssyncset.done $0x0  }
0x41: {  	[sflag:s17] =	ssyncadd.s32 $0xFFFFEC78  }
.LBB2_1:
0x42: {  	s5 =	sand.u32 $0x7F00, s3  }
0x43: {  	s6 =	sand.u32 $0x30, s3;
	s14 =	sshrl.u32 s5, $0x2  }
0x44: {  	s5 =	simm.s32 $0x40;
	s14 =	sor.u32 s6, s14;
	s6 =	simm.s32 $0x0  }
.LBB2_2:
0x45: {  	p1 =	sne.s32 s5, $0x7FC0  }
0x46: {  	[tilespmem:s14+$0x4F00] =	vst v0;
	s6 =	sadd.s32 $0x10, s6;
	s14 =	smov.u32 s5;
	s5 =	sadd.s32 $0x40, s5  }
.Ltmp2:
0x47: {  	(pc) =	sbr.rel @p1 .LBB2_2-.Ltmp2, $4  }
0x48: {  	_ = 	snop  }
0x49: {  	s14 =	sand.u32 $0x7F00, s14  }
0x4a: {  	s15 =	sand.u32 $0x30, s6;
	s14 =	sshrl.u32 s14, $0x2  }
0x4b: {  	s14 =	sor.u32 s15, s14  }
0x4c: {  	[tilespmem:s14+$0x4F00] =	vst v0;
	s5 =	rddreg [dreg:$0x3]  }
0x4d: {  	[spmem:s5] =	stream.linear.scatter [tilespmem:s16], [sflag:$0xD], $0x2000, $0x38;
	[tilespmem:$0x1AF00] =	vst v63  }
0x4e: {  	_ =	swait.ge [sflag:s17], $0x2000  }
0x4f: {  	[sflag:s17] =	ssyncset.done $0x0  }
0x50: {  	s31 =	rddreg [dreg:$0xa];
	[sflag:s17] =	ssyncadd.s32 $0xFFFFE000  }
0x51: {  	[spmem:s31] =	stream.linear.scatter [tilespmem:s16], [sflag:$0xD], $0x2000, $0x38;
	[tilespmem:$0x1AF00] =	vst v63  }
0x52: {  	_ =	swait.ge [sflag:s17], $0x2000  }
0x53: {  	[sflag:s17] =	ssyncset.done $0x0  }
0x54: {  	s6 =	rddreg [dreg:$0xb];
	[sflag:s17] =	ssyncadd.s32 $0xFFFFE000  }
0x55: {  	[spmem:s6] =	stream.linear.scatter [tilespmem:s16], [sflag:$0xD], $0x2000, $0x38;
	[tilespmem:$0x1AF00] =	vst v63  }
0x56: {  	_ =	swait.ge [sflag:s17], $0x2000  }
0x57: {  	[sflag:s17] =	ssyncset.done $0x0  }
0x58: {  	s14 =	rddreg [dreg:$0xc];
	[sflag:s17] =	ssyncadd.s32 $0xFFFFE000  }
0x59: {  	[spmem:s14] =	stream.linear.scatter [tilespmem:s16], [sflag:$0xD], $0x2000, $0x38;
	[tilespmem:$0x1AF00] =	vst v63  }
0x5a: {  	_ =	swait.ge [sflag:s17], $0x2000  }
0x5b: {  	[sflag:s17] =	ssyncset.done $0x0  }
0x5c: {  	s15 =	rddreg [dreg:$0xd];
	[sflag:s17] =	ssyncadd.s32 $0xFFFFE000  }
0x5d: {  	[spmem:s15] =	stream.linear.scatter [tilespmem:s16], [sflag:$0xD], $0x2000, $0x38;
	[tilespmem:$0x1AF00] =	vst v63  }
0x5e: {  	_ =	swait.ge [sflag:s17], $0x2000  }
0x5f: {  	[sflag:s17] =	ssyncset.done $0x0  }
0x60: {  	[sflag:s17] =	ssyncadd.s32 $0xFFFFE000  }
0x61: {  	[bflag:$0x0] =	sbarrier.arrive $0xFFFF  }
0x62: {  	s25 =	rddreg [dreg:$0x4]  }
0x63: {  	[tilespmem:s3], [sflag:$0xD] =	stream.linear.gather [hbm4b:s25+s3], $0x2700, $0x38;
	[tilespmem:$0x1AF00] =	vst v63  }
0x64: {  	_ =	swait.ge [sflag:s17], $0x2700  }
0x65: {  	[sflag:s17] =	ssyncset.done $0x0  }
0x66: {  	s6 =	simm.s32 $0x2780;
	s31 =	rddreg [dreg:$0x5];
	[sflag:s17] =	ssyncadd.s32 $0xFFFFD900  }
0x67: {  	[tilespmem:s6], [sflag:$0xD] =	stream.linear.gather [hbm4b:s31+s3], $0x2700, $0x38;
	[tilespmem:$0x1AF00] =	vst v63  }
0x68: {  	_ =	swait.ge [sflag:s17], $0x2700  }
0x69: {  	s5 =	simm.s32 @!p0 $0x0;
	[sflag:s17] =	ssyncset.done $0x0  }
0x6a: {  	s6 =	simm.s32 @!p0 $0x2700;
	s14 =	rddreg [dreg:$0x6];
	[sflag:s17] =	ssyncadd.s32 $0xFFFFD900  }
0x6b: {  	[tilespmem:s6], [sflag:$0xD] =	stream.linear.gather @!p0 [hbm4b:s14+s5], $0x80, $0x38;
	[tilespmem:$0x1AF00] =	vst v63  }
0x6c: {  	s6 =	simm.s32 @!p0 $0xD  }
0x6d: {  	_ =	swait.ge @!p0 [sflag:s6], $0x80  }
0x6e: {  	s14 =	simm.s32 @!p0 $0x4E80;
	[sflag:s6] =	ssyncset.done @!p0 $0x0  }
.Ltmp3:
0x6f: {  	s15 =	rddreg [dreg:$0x7];
	[sflag:s6] =	ssyncadd.s32 @!p0 $0xFFFFFF80;
	(pc) =	sbr.rel .LBB2_4-.Ltmp3, $4  }
0x70: {  	[tilespmem:s14], [sflag:$0xD] =	stream.linear.gather @!p0 [hbm4b:s15+s5], $0x80, $0x38;
	[tilespmem:$0x1AF00] =	vst v63  }
0x71: {  	_ =	swait.ge @!p0 [sflag:s6], $0x80  }
0x72: {  	s30 =	simm.s32 $0x0;
	[sflag:s6] =	ssyncset.done @!p0 $0x0  }
0x73: {  	s25 =	simm.s32 $0x2;
	s15 =	simm.s32 $0x0;
	[sflag:s6] =	ssyncadd.s32 @!p0 $0xFFFFFF80  }
.LBB2_23:
0x74: {  	_ =	swait.ge [sflag:s9], $0x2000;
	s5 =	sshll.u32 s6, $0x7  }
0x75: {  	[sflag:s9] =	ssyncset.done $0x0;
	s5 =	sand.u32 $0x3FFFFF80, s5  }
0x76: {  	[sflag:s9] =	ssyncadd.s32 $0xFFFFE000;
	s5 =	sadd.s32 $0x2780, s5  }
0x77: {  	[spmem:s1] =	stream.indirect.scatter.add.f32 [tilespmem:s10], [sflag:$0x9], $0x40, s5, s20, $0xb8;
	[tilespmem:$0x1AF00] =	vst v63  }
.LBB2_24:
0x78: {  	s15 =	sadd.s32 $0x1, s15;
	s30 =	sadd.s32 $0xC00, s30;
	s25 =	sadd.s32 $0x6, s25  }
.LBB2_4:
0x79: {  	p1 =	seq.s32 s15, $0xD  }
.Ltmp4:
0x7a: {  	_ = 	snop;
	(pc) =	sbr.rel @p1 .LBB2_5-.Ltmp4, $1  }
0x7b: {  	_ =	sdelay $0x3  }
0x7c: {  	p2 =	sne.s32 s15, $0x0  }
.Ltmp5:
0x7d: {  	_ = 	snop;
	(pc) =	sbr.rel @p2 .LBB2_8-.Ltmp5, $1  }
0x7e: {  	_ =	sdelay $0x3  }
0x7f: {  	s14 =	simm.s32 $0x0  }
0x80: {  	[tilespmem:s16], [sflag:$0x1] =	stream.indirect.gather [hbm4b:s4+s20], $0x40, s14, s20, $0xb8;
	[tilespmem:$0x1AF00] =	vst v63  }
0x81: {  	_ = 	snop  }
0x82: {  	[tilespmem:s7], [sflag:$0x2] =	stream.indirect.gather [hbm4b:s4+s20], $0x40, s20, s20, $0xb8;
	[tilespmem:$0x1AF00] =	vst v63  }
.Ltmp6:
0x83: {  	s5 =	sshra.s32 s30, $0x2;
	(pc) =	sbr.rel .LBB2_16-.Ltmp6, $4  }
0x84: {  	[tilespmem:s10], [sflag:$0x3] =	stream.indirect.gather [hbm4b:s4+s20], $0x40, s12, s20, $0xb8;
	[tilespmem:$0x1AF00] =	vst v63  }
0x85: {  	s5 =	sadd.s32 $0x180, s5  }
0x86: {  	[tilespmem:s21], [sflag:$0x4] =	stream.indirect.gather [hbm4b:s4+s20], $0x40, s5, s20, $0xb8;
	[tilespmem:$0x1AF00] =	vst v63  }
0x87: {  	s6 =	simm.s32 $0x2;
	s5 =	simm.s32 $0x1  }
.LBB2_5:
.Ltmp7:
0x88: {  	(pc) =	sbr.rel .LBB2_9-.Ltmp7, $2  }
0x89: {  	_ =	sdelay $0x2  }
0x8a: {  	s5 =	simm.s32 $0x4B  }
.LBB2_8:
0x8b: {  	_ =	swait.ge [sflag:s29], $0x2000  }
0x8c: {  	[sflag:s29] =	ssyncset.done $0x0  }
0x8d: {  	s5 =	sshra.s32 s30, $0x2;
	[sflag:s29] =	ssyncadd.s32 $0xFFFFE000  }
0x8e: {  	[tilespmem:s16], [sflag:$0x1] =	stream.indirect.gather [hbm4b:s4+s20], $0x40, s5, s20, $0xb8;
	[tilespmem:$0x1AF00] =	vst v63  }
0x8f: {  	s5 =	sadd.s32 $0xFFFFFFFB, s25  }
0x90: {  	p2 =	sgt.u32 s5, $0x4D  }
.Ltmp8:
0x91: {  	_ = 	snop;
	(pc) =	sbr.rel @p2 .LBB2_10-.Ltmp8, $1  }
0x92: {  	_ =	sdelay $0x3  }
.LBB2_9:
0x93: {  	_ =	swait.ge [sflag:s19], $0x2000;
	s5 =	sshll.u32 s5, $0x7  }
0x94: {  	[sflag:s19] =	ssyncset.done $0x0;
	s5 =	sand.u32 $0x3FFFFF80, s5  }
0x95: {  	[sflag:s19] =	ssyncadd.s32 $0xFFFFE000;
	s5 =	sadd.s32 $0x2780, s5  }
0x96: {  	[spmem:s1] =	stream.indirect.scatter.add.f32 [tilespmem:s21], [sflag:$0xA], $0x40, s5, s20, $0xb8;
	[tilespmem:$0x1AF00] =	vst v63  }
.LBB2_10:
0x97: {  	p3 =	seq.s32 s30, $0x9C00  }
0x98: {  	s5 =	simm.s32 @!p3 $0x8  }
0x99: {  	_ =	swait.ge @!p3 [sflag:s5], $0x2000  }
0x9a: {  	[sflag:s5] =	ssyncset.done @!p3 $0x0  }
0x9b: {  	[sflag:s5] =	ssyncadd.s32 @!p3 $0xFFFFE000;
	s5 =	sshra.s32 @!p3 s30, $0x2  }
0x9c: {  	s6 =	simm.s32 @!p3 $0x80;
	s31 =	simm.s32 @!p3 $0x6F00;
	s14 =	sadd.s32 @!p3 $0x80, s5  }
0x9d: {  	[tilespmem:s31], [sflag:$0x2] =	stream.indirect.gather @!p3 [hbm4b:s4+s6], $0x40, s14, s6, $0xb8;
	[tilespmem:$0x1AF00] =	vst v63  }
0x9e: {  	s14 =	sadd.s32 @!p3 $0xFFFFFFFC, s25  }
0x9f: {  	p2 =	sgt.u32 @!p3 s14, $0x4D  }
0xa0: {  	p4 =	por p3, !p2  }
.Ltmp9:
0xa1: {  	_ = 	snop;
	(pc) =	sbr.rel @!p4 .LBB2_12-.Ltmp9, $2  }
0xa2: {  	_ =	sdelay $0x2  }
0xa3: {  	p2 =	por @!p3 $0x0, $0x0  }
0xa4: {  	s14 =	simm.s32 @p3 $0x4C  }
0xa5: {  	_ =	swait.ge [sflag:s22], $0x2000;
	s14 =	sshll.u32 s14, $0x7  }
0xa6: {  	[sflag:s22] =	ssyncset.done $0x0;
	s14 =	sand.u32 $0x3FFFFF80, s14  }
0xa7: {  	p2 =	por p3, p3;
	[sflag:s22] =	ssyncadd.s32 $0xFFFFE000;
	s14 =	sadd.s32 $0x2780, s14  }
0xa8: {  	[spmem:s1] =	stream.indirect.scatter.add.f32 [tilespmem:s23], [sflag:$0xB], $0x40, s14, s20, $0xb8;
	[tilespmem:$0x1AF00] =	vst v63  }
.LBB2_12:
0xa9: {  	s14 =	simm.s32 @!p3 $0x9  }
0xaa: {  	_ =	swait.ge @!p3 [sflag:s14], $0x2000  }
0xab: {  	[sflag:s14] =	ssyncset.done @!p3 $0x0  }
0xac: {  	s5 =	sadd.s32 @!p3 $0x100, s5;
	[sflag:s14] =	ssyncadd.s32 @!p3 $0xFFFFE000;
	s14 =	simm.s32 @!p3 $0x8F00  }
0xad: {  	[tilespmem:s14], [sflag:$0x3] =	stream.indirect.gather @!p3 [hbm4b:s4+s6], $0x40, s5, s6, $0xb8;
	[tilespmem:$0x1AF00] =	vst v63  }
0xae: {  	s5 =	sadd.s32 @!p3 $0xFFFFFFFD, s25  }
0xaf: {  	p4 =	sgt.u32 @!p3 s5, $0x4D  }
0xb0: {  	p4 =	por p3, !p4  }
.Ltmp10:
0xb1: {  	_ = 	snop;
	(pc) =	sbr.rel @!p4 .LBB2_14-.Ltmp10, $1  }
0xb2: {  	_ =	sdelay $0x3  }
0xb3: {  	s5 =	simm.s32 @p3 $0x4D  }
0xb4: {  	_ =	swait.ge [sflag:s24], $0x2000;
	s5 =	sshll.u32 s5, $0x7  }
0xb5: {  	[sflag:s24] =	ssyncset.done $0x0;
	s5 =	sand.u32 $0x3FFFFF80, s5  }
0xb6: {  	[sflag:s24] =	ssyncadd.s32 $0xFFFFE000;
	s5 =	sadd.s32 $0x2780, s5  }
0xb7: {  	[spmem:s1] =	stream.indirect.scatter.add.f32 [tilespmem:s26], [sflag:$0xC], $0x40, s5, s20, $0xb8;
	[tilespmem:$0x1AF00] =	vst v63  }
.LBB2_14:
0xb8: {  	p3 =	seq.s32 s30, $0x9C00  }
.Ltmp11:
0xb9: {  	_ = 	snop;
	(pc) =	sbr.rel @!p3 .LBB2_15-.Ltmp11, $2  }
0xba: {  	_ =	sdelay $0x2  }
0xbb: {  	s5 =	sadd.s32 $0xFFFFFFFF, s25  }
.Ltmp12:
0xbc: {  	(pc) =	sbr.rel @!p2 .LBB2_18-.Ltmp12, $4  }
.Ltmp13:
0xbd: {  	(pc) =	sbr.rel @p2 .LBB2_25-.Ltmp13, $4  }
0xbe: {  	_ = 	snop  }
0xbf: {  	_ = 	snop  }
0xc0: {  	s6 =	smov.u32 s25  }
0xc1: {  	_ = 	snop  }
.LBB2_15:
.Ltmp14:
0xc2: {  	_ =	swait.ge [sflag:s28], $0x2000;
	(pc) =	sbr.rel @p2 .LBB2_19-.Ltmp14, $4  }
0xc3: {  	s6 =	sshra.s32 s30, $0x2;
	[sflag:s28] =	ssyncset.done $0x0  }
0xc4: {  	s6 =	sadd.s32 $0x180, s6;
	[sflag:s28] =	ssyncadd.s32 $0xFFFFE000  }
0xc5: {  	[tilespmem:s21], [sflag:$0x4] =	stream.indirect.gather [hbm4b:s4+s20], $0x40, s6, s20, $0xb8;
	[tilespmem:$0x1AF00] =	vst v63  }
0xc6: {  	p3 =	por $0x1, $0x1;
	s14 =	smov.u32 s30;
	s6 =	smov.u32 s25  }
.LBB2_16:
0xc7: {  	_ =	swait.ge [sflag:s11], $0x2000  }
0xc8: {  	s14 =	sshra.s32 s14, $0x2;
	[sflag:s11] =	ssyncset.done $0x0  }
0xc9: {  	p2 =	seq.s32 s30, $0x0;
	s14 =	sadd.s32 $0x2780, s14;
	[sflag:s11] =	ssyncadd.s32 $0xFFFFE000  }
0xca: {  	[spmem:s1] =	stream.indirect.scatter.add.f32 [tilespmem:s16], [sflag:$0x7], $0x40, s14, s20, $0xb8;
	[tilespmem:$0x1AF00] =	vst v63  }
0xcb: {  	s14 =	simm.s32 @!p2 $0xB  }
0xcc: {  	_ =	swait.ge @!p2 [sflag:s14], $0x2000  }
0xcd: {  	s31 =	sshra.s32 s30, $0x2;
	[sflag:s14] =	ssyncset.done @!p2 $0x0  }
0xce: {  	s31 =	sadd.s32 $0x200, s31;
	[sflag:s14] =	ssyncadd.s32 @!p2 $0xFFFFE000  }
0xcf: {  	[tilespmem:s23], [sflag:$0x5] =	stream.indirect.gather [hbm4b:s4+s20], $0x40, s31, s20, $0xb8;
	[tilespmem:$0x1AF00] =	vst v63  }
.LBB2_18:
0xd0: {  	_ =	swait.ge [sflag:s2], $0x2000;
	s5 =	sshll.u32 s5, $0x7  }
0xd1: {  	[sflag:s2] =	ssyncset.done $0x0;
	s5 =	sand.u32 $0x3FFFFF80, s5  }
0xd2: {  	p3 =	por $0x0, $0x0;
	[sflag:s2] =	ssyncadd.s32 $0xFFFFE000;
	s5 =	sadd.s32 $0x2780, s5  }
0xd3: {  	[spmem:s1] =	stream.indirect.scatter.add.f32 [tilespmem:s7], [sflag:$0x8], $0x40, s5, s20, $0xb8;
	[tilespmem:$0x1AF00] =	vst v63  }
.LBB2_19:
0xd4: {  	p2 =	seq.s32 s15, $0x0  }
.Ltmp15:
0xd5: {  	_ = 	snop;
	(pc) =	sbr.rel @p2 .LBB2_22-.Ltmp15, $1  }
0xd6: {  	_ =	sdelay $0x3  }
.Ltmp16:
0xd7: {  	(pc) =	sbr.rel @p1 .LBB2_25-.Ltmp16, $1  }
0xd8: {  	_ =	sdelay $0x3  }
.Ltmp17:
0xd9: {  	(pc) =	sbr.rel @p3 .LBB2_24-.Ltmp17, $4  }
.Ltmp18:
0xda: {  	_ =	swait.ge [sflag:s18], $0x2000;
	(pc) =	sbr.rel @!p3 .LBB2_23-.Ltmp18, $4  }
0xdb: {  	s5 =	sshra.s32 s30, $0x2;
	[sflag:s18] =	ssyncset.done $0x0  }
0xdc: {  	s5 =	sadd.s32 $0x280, s5;
	[sflag:s18] =	ssyncadd.s32 $0xFFFFE000  }
0xdd: {  	[tilespmem:s26], [sflag:$0x6] =	stream.indirect.gather [hbm4b:s4+s20], $0x40, s5, s20, $0xb8;
	[tilespmem:$0x1AF00] =	vst v63  }
0xde: {  	_ = 	snop  }
.LBB2_22:
.Ltmp19:
0xdf: {  	(pc) =	sbr.rel @p3 .LBB2_24-.Ltmp19, $4  }
.Ltmp20:
0xe0: {  	(pc) =	sbr.rel @!p3 .LBB2_23-.Ltmp20, $4  }
0xe1: {  	_ = 	snop  }
0xe2: {  	_ = 	snop  }
0xe3: {  	[tilespmem:s26], [sflag:$0x6] =	stream.indirect.gather [hbm4b:s4+s20], $0x40, s8, s20, $0xb8;
	[tilespmem:$0x1AF00] =	vst v63  }
0xe4: {  	_ = 	snop  }
.LBB2_26:
0xe5: {  	_ =	sfence.sel $0x180000  }
0xe6: {  	[bflag:$0x0] =	sbarrier.arrive $0xFFFF  }
0xe7: {  	_ =	strace $0x9000004D  }
0xe8: {  	s0 =	stileid.u32;
	[bflag:$0x2] =	sbarrier.arrive $0xFFFF  }
0xe9: {  	p0 =	sne.s32 s0, $0x0;
	s0 =	rddreg [dreg:$0x2]  }
0xea: {  	s0 =	sadd.s32 @!p0 $0x100000, s0  }
0xeb: {  	[sflag:s0] =	ssyncadd.tile.s32 @!p0 $0x1;
	_ =	shalt  }
.Lfunc_end2:
_tile_overlayer_lowered:
.L_overlay_start_2:
0xec: {  	(tag) =	ssettag $0x2  }
0xed: {  	s0 =	rddreg [dreg:$0x0];
	s2 =	stileid.u32  }
0xee: {  	s1 =	rddreg [dreg:$0x1];
	p0 =	sne.s32 s2, $0x0  }
0xef: {  	s3 =	rddreg [dreg:$0x2];
	[bflag:$0x3] =	sbarrier.arrive $0xFFFF;
	s2 =	simm.s32 @!p0 $0x1C0D  }
0xf0: {  	[timem:s3], [sflag:s2] =	dma.local @!p0 [hbm:s0], s1  }
0xf1: {  	s0 =	simm.s32 @!p0 $0xD  }
0xf2: {  	_ =	swait.ge @!p0 [sflag:s0], s1  }
0xf3: {  	s1 =	ssub.s32 @!p0 $0x0, s1;
	[sflag:s0] =	ssyncset.done @!p0 $0x0  }
0xf4: {  	[sflag:s0] =	ssyncadd.s32 @!p0 s1  }
0xf5: {  	[bflag:$0x3] =	sbarrier.arrive $0xFFFF  }
0xf6: {  	_ =	shalt  }

// kernel: kernel.9.cloned.1.call-start
scs
__scs_entry_jumppad:
0x0: {  	(pc) =	sbr.rel $0x88, $3  }
0x1: {  	(tag) =	ssettag $0x0;
	lr =	simm.s32 $0x1  }
0x2: {  	[smem:$0x3F99] =	sst lr;
	_ =	strace $0xD0000000  }
0x3: {  	_ = 	snop  }
0x4: {  	_ = 	snop  }
0x5: {  	_ = 	snop  }
0x6: {  	_ = 	snop  }
0x7: {  	_ = 	snop  }
__scs_overlays_trampoline_lowered:
0x8: {  	[smem:$0x3FA8] =	sst s0  }
0x9: {  	[smem:$0x3FA9] =	sst s1  }
0xa: {  	[smem:$0x3FAA] =	sst s2  }
0xb: {  	[smem:$0x3FAB] =	sst s3  }
0xc: {  	[smem:$0x3FAC] =	sst s4  }
0xd: {  	[smem:$0x3FAD] =	sst s5  }
0xe: {  	[smem:$0x3FAE] =	sst s6  }
0xf: {  	[smem:$0x3FAF] =	sst s7  }
0x10: {  	[smem:$0x3FB0] =	sst s8  }
0x11: {  	[smem:$0x3FB1] =	sst s9;
	s0 =	simm.s32 @!p0 $0x0  }
0x12: {  	s1 =	sld [smem:$0x3F97];
	s0 =	simm.s32 @p0 $0x1  }
0x13: {  	[smem:$0x3FB2] =	sst s0;
	s0 =	simm.s32 @!p1 $0x0  }
0x14: {  	s2 =	sld [smem:$0x3F96];
	s0 =	simm.s32 @p1 $0x1  }
0x15: {  	[smem:$0x3FB3] =	sst s0;
	s0 =	simm.s32 @!p2 $0x0  }
0x16: {  	s3 =	sld [smem:$0x3FDB];
	s0 =	simm.s32 @p2 $0x1  }
0x17: {  	s4 =	simm.s32 $0x1BF5;
	[smem:$0x3FB5] =	sst s0  }
0x18: {  	s0 =	sld [smem:$0x3F98];
	_ =	swait.ge [sflag:s4], $0x0  }
0x19: {  	s7 =	sld [smem:$0x3F99]  }
0x1a: {  	s8 =	sadd.s32 $0xFFFFE003, lr  }
0x1b: {  	s9 =	sadd.s32 $0xFFFFFEF7, lr;
	s5 =	simm.s32 $0xFFFFFFFF;
	p2 =	slt.u32 s8, $0xFFFFF086  }
0x1c: {  	p1 =	slt.u32 s9, $0xF7A;
	s5 =	simm.s32 @!p2 $0x0  }
0x1d: {  	s5 =	simm.s32 @p1 $0x1;
	p0 =	seq.s32 s7, s2  }
0x1e: {  	s7 =	smul.u32 @!p0 $0xF7A, s2;
	p2 =	seq.s32 @!p0 s5, $0x0  }
0x1f: {  	s9 =	smul.u32 $0xF7A, s1;
	s8 =	simm.s32 @!p0 $0x1BF5;
	p2 =	por !p2, p0  }
0x20: {  	[sflag:s8] =	ssyncset.s32 @!p0 $0xFFFFF086;
	s6 =	sadd.s32 @!p0 s3, s7;
	s7 =	simm.s32 @!p0 $0x108  }
0x21: {  	s3 =	sadd.s32 s3, s9;
	s6 =	sadd.s32 @!p0 $0x88, s6;
	s7 =	simm.s32 @p2 $0x1082  }
0x22: {  	[simem:s7], [sflag:s8] =	dma.local @!p0 [hbm:s6], $0xF7A  }
0x23: {  	s9 =	sor.u32 $0xD0000000, s2;
	s6 =	simm.s32 $0x108;
	_ =	swait.ge @!p0 [sflag:s8], $0x0  }
0x24: {  	s3 =	sadd.s32 $0x88, s3;
	s6 =	simm.s32 @!p1 $0x1082;
	[sflag:s4] =	ssyncset.s32 $0xFFFFF086  }
0x25: {  	[simem:s6], [sflag:s4] =	dma.local [hbm:s3], $0xF7A  }
0x26: {  	[smem:$0x3F99] =	sst s1;
	(tag) =	ssettag s2;
	_ =	strace s9  }
0x27: {  	s1 =	sld [smem:$0x3FA9]  }
0x28: {  	s2 =	sld [smem:$0x3FAA]  }
0x29: {  	s4 =	sld [smem:$0x3FAC]  }
0x2a: {  	p0 =	seq.s32 s5, $0x0;
	s5 =	sld [smem:$0x3FAD]  }
0x2b: {  	s6 =	sld [smem:$0x3FAE]  }
0x2c: {  	s7 =	sld [smem:$0x3FAF]  }
0x2d: {  	s3 =	simm.s32 $0x108;
	s8 =	sld [smem:$0x3FB0]  }
0x2e: {  	s3 =	simm.s32 @!p0 $0x1082;
	s9 =	sld [smem:$0x3FB1]  }
0x2f: {  	lr =	sadd.s32 s0, s3;
	s0 =	sld [smem:$0x3FA8]  }
0x30: {  	s3 =	sld [smem:$0x3FAB]  }
0x31: {  	[smem:$0x3FB4] =	sst s10  }
0x32: {  	s10 =	sld [smem:$0x3FB2];
	_ =	sdelay $0x3  }
0x33: {  	p0 =	seq.s32 s10, $0x1;
	s10 =	sld [smem:$0x3FB4];
	_ =	sdelay $0x3  }
0x34: {  	[smem:$0x3FB4] =	sst s10  }
0x35: {  	s10 =	sld [smem:$0x3FB3];
	_ =	sdelay $0x3  }
0x36: {  	p1 =	seq.s32 s10, $0x1;
	s10 =	sld [smem:$0x3FB4];
	_ =	sdelay $0x3  }
0x37: {  	[smem:$0x3FB4] =	sst s10  }
0x38: {  	s10 =	sld [smem:$0x3FB5]  }
0x39: {  	_ = 	snop;
	(pc) =	sbr.ind lr, $3  }
0x3a: {  	_ = 	snop  }
0x3b: {  	_ = 	snop  }
0x3c: {  	p2 =	seq.s32 s10, $0x1;
	s10 =	sld [smem:$0x3FB4]  }
0x3d: {  	_ =	shalt  }
0x3e: {  	_ =	shalt  }
0x3f: {  	_ =	shalt  }
0x40: {  	_ =	shalt  }
0x41: {  	_ =	shalt  }
0x42: {  	_ =	shalt  }
0x43: {  	_ =	shalt  }
0x44: {  	_ =	shalt  }
0x45: {  	_ =	shalt  }
0x46: {  	_ =	shalt  }
0x47: {  	_ =	shalt  }
0x48: {  	_ =	shalt  }
0x49: {  	_ =	shalt  }
0x4a: {  	_ =	shalt  }
0x4b: {  	_ =	shalt  }
0x4c: {  	_ =	shalt  }
0x4d: {  	_ =	shalt  }
0x4e: {  	_ =	shalt  }
0x4f: {  	_ =	shalt  }
0x50: {  	_ =	shalt  }
0x51: {  	_ =	shalt  }
0x52: {  	_ =	shalt  }
0x53: {  	_ =	shalt  }
0x54: {  	_ =	shalt  }
0x55: {  	_ =	shalt  }
0x56: {  	_ =	shalt  }
0x57: {  	_ =	shalt  }
0x58: {  	_ =	shalt  }
0x59: {  	_ =	shalt  }
0x5a: {  	_ =	shalt  }
0x5b: {  	_ =	shalt  }
0x5c: {  	_ =	shalt  }
0x5d: {  	_ =	shalt  }
0x5e: {  	_ =	shalt  }
0x5f: {  	_ =	shalt  }
0x60: {  	_ =	shalt  }
0x61: {  	_ =	shalt  }
0x62: {  	_ =	shalt  }
0x63: {  	_ =	shalt  }
0x64: {  	_ =	shalt  }
0x65: {  	_ =	shalt  }
0x66: {  	_ =	shalt  }
0x67: {  	_ =	shalt  }
0x68: {  	_ =	shalt  }
0x69: {  	_ =	shalt  }
0x6a: {  	_ =	shalt  }
0x6b: {  	_ =	shalt  }
0x6c: {  	_ =	shalt  }
0x6d: {  	_ =	shalt  }
0x6e: {  	_ =	shalt  }
0x6f: {  	_ =	shalt  }
0x70: {  	_ =	shalt  }
0x71: {  	_ =	shalt  }
0x72: {  	_ =	shalt  }
0x73: {  	_ =	shalt  }
0x74: {  	_ =	shalt  }
0x75: {  	_ =	shalt  }
0x76: {  	_ =	shalt  }
0x77: {  	_ =	shalt  }
0x78: {  	_ =	shalt  }
0x79: {  	_ =	shalt  }
0x7a: {  	_ =	shalt  }
0x7b: {  	_ =	shalt  }
0x7c: {  	_ =	shalt  }
0x7d: {  	_ =	shalt  }
0x7e: {  	_ =	shalt  }
0x7f: {  	_ =	shalt  }
0x80: {  	_ =	shalt  }
0x81: {  	_ =	shalt  }
0x82: {  	_ =	shalt  }
0x83: {  	_ =	shalt  }
0x84: {  	_ =	shalt  }
0x85: {  	_ =	shalt  }
0x86: {  	_ =	shalt  }
0x87: {  	_ =	shalt  }
.Lfunc_end0:
.L_simem_size_0:
called_computation_lowered:
.L_overlay_start_0:
0x88: {  	s2 =	sld [smem:$0x3FD9]  }
0x89: {  	s3 =	sld [smem:$0x3FFE];
	_ =	sdelay $0x1  }
0x8a: {  	s1 =	srdreg.scid  }
0x8b: {  	s0 =	sand.u32 $0x1, s1  }
0x8c: {  	s16 =	sshll.u32 s0, $0xA;
	s2 =	sadd.s32 s3, s2  }
0x8d: {  	s2 =	sadd.s32 s2, s16  }
0x8e: {  	[smem:$0x3FC0] =	sst s2  }
0x8f: {  	_ = 	snop  }
0x90: {  	(tm) =	ssettm $0x1  }
0x91: {  	s17 =	sld [smem:$0x3FFB];
	_ =	sdelay $0x3  }
0x92: {  	_ =	strace s17  }
0x93: {  	s2 =	sld [smem:$0x3FFC];
	_ =	sdelay $0x3  }
0x94: {  	_ =	strace s2  }
0x95: {  	s2 =	sld [smem:$0x3FFD];
	_ =	sdelay $0x3  }
0x96: {  	_ =	strace s2  }
0x97: {  	_ =	strace $0x8FFFFFFF  }
0x98: {  	s18 =	sld [smem:$0x3FDB];
	_ =	sdelay $0x1  }
0x99: {  	s19 =	simm.s32 $_scs_section_size  }
0x9a: {  	s4 =	simm.s32 $_size__tile_overlayer_lowered;
	s5 =	simm.s32 $_tile_overlayer_lowered  }
0x9b: {  	s22 =	simm.s32 $0x1BFF;
	s21 =	sshll.u32 s5, $0x1;
	s2 =	sadd.s32 s19, s18  }
0x9c: {  	s6 =	simm.s32 $0x0;
	s20 =	sshll.u32 s4, $0x1;
	s4 =	sadd.s32 s21, s2  }
0x9d: {  	[timem:s6], [sflag:s22] =	dma.local [hbm:s4], s20  }
0x9e: {  	_ =	swait.ge [sflag:s22], s20  }
0x9f: {  	s3 =	ssub.s32 $0x0, s20;
	[sflag:s22] =	ssyncset.done $0x0  }
0xa0: {  	[sflag:s22] =	ssyncadd.s32 s3;
	_ =	sdelay $0x1  }
0xa1: {  	s23 =	simm.s32 $0x1B8B  }
0xa2: {  	_ =	swait.ge [sflag:s23], $0x1  }
0xa3: {  	[sflag:s23] =	ssyncset.done $0x0  }
0xa4: {  	s25 =	simm.s32 $0x1B8E;
	s24 =	sld [smem:$0x3FFE];
	[sflag:s23] =	ssyncadd.s32 $0xFFFFFFFF  }
0xa5: {  	s26 =	simm.s32 $execute0_lowered;
	[smem:$0x3FD2] =	sst s25  }
0xa6: {  	s4 =	sshll.u32 s26, $0x1;
	_ =	strace $0x80000046;
	[dreg:$0x1] =	wrdreg $0xFFFFFFFF  }
0xa7: {  	s28 =	simm.s32 $_size_execute0_lowered;
	s2 =	sadd.s32 s2, s4;
	[dreg:$0x0] =	wrdreg $0x0  }
0xa8: {  	s4 =	sshll.u32 s28, $0x1;
	[dreg:$0x2] =	wrdreg s2  }
0xa9: {  	[dreg:$0x3] =	wrdreg s4  }
0xaa: {  	[dreg:$0x4] =	wrdreg $0xC0  }
0xab: {  	_ =	task [dreg:s6], $0x5FFFF  }
0xac: {  	[dreg:$0x1] =	wrdreg $0xFFFFFFFF  }
0xad: {  	[dreg:$0x0] =	wrdreg $0x60  }
0xae: {  	[dreg:$0x2] =	wrdreg s24  }
0xaf: {  	[dreg:$0x3] =	wrdreg $0x2A800  }
0xb0: {  	[dreg:$0x4] =	wrdreg $0x9  }
0xb1: {  	_ =	task.clear_ibuf [dreg:s6], $0x5FFFF;
	_ =	strace $0x90000046  }
0xb2: {  	s29 =	simm.s32 $0x9;
	_ =	strace $0x80000048  }
0xb3: {  	_ =	swait.ge [sflag:s29], $0x1  }
0xb4: {  	[sflag:s29] =	ssyncadd.s32 $0xFFFFFFFF  }
0xb5: {  	_ =	strace $0x90000048  }
0xb6: {  	_ =	sfence  }
0xb7: {  	s30 =	sld [smem:$0x0];
	_ =	sdelay $0x2  }
0xb8: {  	s31 =	sshll.u32 s1, $0xD;
	s1 =	sshrl.u32 s1, $0x2  }
0xb9: {  	s3 =	sand.u32 $0x4000, s31;
	s1 =	sadd.s32 s1, s30  }
0xba: {  	s0 =	sor.u32 s3, s0;
	s1 =	sshll.u32 s1, $0x11  }
0xbb: {  	s0 =	sor.u32 s1, s0  }
0xbc: {  	s0 =	sadd.s32 $0x8F2B, s0  }
0xbd: {  	[sflag:s0] =	ssyncadd.remote.s32 $0x1  }
0xbe: {  	_ =	sfence.sel $0xFFFF  }
0xbf: {  	[dreg:$0x0] =	wrdreg $0xFFFFFFFF;
	(pc) =	sbr.abs _section_cstart, $3  }
0xc0: {  	[dreg:$0x1] =	wrdreg $0xFFFFFFFF  }
0xc1: {  	_ =	task.clear_ibuf [dreg:s6], $0x2FFFF;
	_ =	strace $0x9FFFFFFF  }
0xc2: {  	(tm) =	ssettm $0x7FFFFFFF  }
0xc3: {  	_ =	shalt  }
tec
execute0_lowered:
.L_overlay_start_1:
0x0: {  	(tag) =	ssettag $0x1  }
0x1: {  	s1 =	srdreg.scid;
	s4 =	rddreg [dreg:$0x0]  }
0x2: {  	s0 =	stileid.u32;
	s2 =	rddreg [dreg:$0x1]  }
0x3: {  	s3 =	simm.s32 $0x0;
	s13 =	simm.s32 $0x1;
	s16 =	simm.s32 $0x0  }
0x4: {  	s5 =	sand.u32 $0x1, s1;
	s6 =	smul.u32 $0x280, s0;
	s1 =	rddreg [dreg:$0x2]  }
0x5: {  	[smem:$0x7FF] =	sst s3;
	s10 =	sadd.s32 $0x2C00, s4;
	s11 =	sshll.u32 s0, $0x4  }
0x6: {  	s14 =	sshll.u32 s0, $0x6;
	s7 =	smul.u32 $0x2800, s5;
	s8 =	sshll.u32 s5, $0x4  }
0x7: {  	_ =	strace $0x80000047;
	s29 =	ssub.s32 $0x2, s5;
	s31 =	sadd.s32 s11, s10  }
0x8: {  	s11 =	simm.s32 $0x80;
	s14 =	sor.u32 $0x1C02, s14;
	s9 =	sor.u32 s0, s8  }
0x9: {  	s5 =	sshrl.u32 s29, $0x1;
	s7 =	sadd.s32 s6, s7;
	s8 =	smul.u32 $0x2700, s9  }
0xa: {  	s12 =	ssub.s32 s29, s5;
	p0 =	sgt.u32 s9, $0x3;
	s7 =	sshrl.u32 s7, $0x3  }
0xb: {  	s9 =	simm.s32 $0x2780;
	s7 =	sadd.s32 s7, s4;
	s8 =	sshrl.u32 s8, $0x3  }
0xc: {  	s4 =	sadd.s32 s6, s2;
	s6 =	sadd.s32 $0x13840, s31;
	s30 =	sadd.s32 s10, s8  }
0xd: {  	s7 =	sadd.s32 $0x16600, s7;
	s8 =	smax.u32 s12, $0x1;
	s10 =	simm.s32 $0x2  }
0xe: {  	v0 =	vimm.f32 $0.0e+00;
	v1 =	vimm.f32 $1.000000000e+00;
	s12 =	simm.s32 $0x2A00;
	s15 =	sshrl.u32 s4, $0x3;
	s5 =	sadd.s32 $0x9C40, s30  }
.LBB2_1:
0xf: {  	[tilespmem:$0x2780] =	vst v0  }
0x10: {  	[tilespmem:$0x2790] =	vst v0  }
0x11: {  	[tilespmem:$0x27A0] =	vst v0  }
0x12: {  	[tilespmem:$0x27B0] =	vst v0  }
0x13: {  	[tilespmem:$0x27C0] =	vst v0  }
0x14: {  	[tilespmem:$0x27D0] =	vst v0  }
0x15: {  	[tilespmem:$0x27E0] =	vst v0  }
0x16: {  	[tilespmem:$0x27F0] =	vst v0  }
0x17: {  	[tilespmem:$0x2800] =	vst v0  }
0x18: {  	[tilespmem:$0x2810] =	vst v0  }
0x19: {  	[tilespmem:$0x2820] =	vst v0  }
0x1a: {  	[tilespmem:$0x2830] =	vst v0  }
0x1b: {  	[tilespmem:$0x2840] =	vst v0  }
0x1c: {  	[tilespmem:$0x2850] =	vst v0  }
0x1d: {  	[tilespmem:$0x2860] =	vst v0  }
0x1e: {  	[tilespmem:$0x2870] =	vst v0  }
0x1f: {  	[tilespmem:$0x2880] =	vst v0  }
0x20: {  	[tilespmem:$0x2890] =	vst v0  }
0x21: {  	[tilespmem:$0x28A0] =	vst v0  }
0x22: {  	[tilespmem:$0x28B0] =	vst v0  }
0x23: {  	[tilespmem:$0x28C0] =	vst v0  }
0x24: {  	[tilespmem:$0x28D0] =	vst v0  }
0x25: {  	[tilespmem:$0x28E0] =	vst v0  }
0x26: {  	[tilespmem:$0x28F0] =	vst v0  }
0x27: {  	[tilespmem:$0x2900] =	vst v0  }
0x28: {  	[tilespmem:$0x2910] =	vst v0  }
0x29: {  	[tilespmem:$0x2920] =	vst v0  }
0x2a: {  	[tilespmem:$0x2930] =	vst v0  }
0x2b: {  	[tilespmem:$0x2940] =	vst v0  }
0x2c: {  	[tilespmem:$0x2950] =	vst v0  }
0x2d: {  	[tilespmem:$0x2960] =	vst v0  }
0x2e: {  	[tilespmem:$0x2970] =	vst v0  }
0x2f: {  	[tilespmem:$0x2980] =	vst v0  }
0x30: {  	[tilespmem:$0x2990] =	vst v0  }
0x31: {  	[tilespmem:$0x29A0] =	vst v0  }
0x32: {  	[tilespmem:$0x29B0] =	vst v0  }
0x33: {  	[tilespmem:$0x29C0] =	vst v0  }
0x34: {  	[tilespmem:$0x29D0] =	vst v0  }
0x35: {  	[tilespmem:$0x29E0] =	vst v0  }
0x36: {  	[tilespmem:$0x29F0] =	vst v0  }
0x37: {  	[tilespmem:$0x2A00] =	vst v1  }
0x38: {  	[tilespmem:$0x2A10] =	vst v1  }
0x39: {  	[tilespmem:$0x2A20] =	vst v1  }
0x3a: {  	[tilespmem:$0x2A30] =	vst v1  }
0x3b: {  	[tilespmem:$0x2A40] =	vst v1  }
0x3c: {  	[tilespmem:$0x2A50] =	vst v1  }
0x3d: {  	[tilespmem:$0x2A60] =	vst v1  }
0x3e: {  	[tilespmem:$0x2A70] =	vst v1  }
0x3f: {  	[spmem:s4] =	stream.linear.scatter [tilespmem:s9], [sflag:$0x2], $0x280, $0x38;
	[tilespmem:$0x2D00] =	vst v63  }
0x40: {  	_ =	swait.ge [sflag:s10], $0x280  }
0x41: {  	[sflag:s10] =	ssyncset.done $0x0  }
0x42: {  	[sflag:s10] =	ssyncadd.s32 $0xFFFFFD80  }
0x43: {  	[bflag:$0x0] =	sbarrier.arrive $0xFFFF  }
0x44: {  	[tilespmem:s3], [sflag:$0x2] =	stream.linear.gather [hbm4b:s5+s3], $0x2700, $0x38;
	[tilespmem:$0x2D00] =	vst v63  }
0x45: {  	_ =	swait.ge [sflag:s10], $0x2700  }
0x46: {  	[sflag:s10] =	ssyncset.done $0x0  }
0x47: {  	s17 =	simm.s32 @!p0 $0x0;
	s18 =	simm.s32 @!p0 $0x2700;
	[sflag:s10] =	ssyncadd.s32 $0xFFFFD900  }
0x48: {  	[tilespmem:s18], [sflag:$0x2] =	stream.linear.gather @!p0 [hbm4b:s6+s17], $0x80, $0x38;
	[tilespmem:$0x2D00] =	vst v63  }
0x49: {  	s17 =	simm.s32 @!p0 $0x2  }
0x4a: {  	_ =	swait.ge @!p0 [sflag:s17], $0x80  }
0x4b: {  	[sflag:s17] =	ssyncset.done @!p0 $0x0  }
0x4c: {  	s18 =	simm.s32 $0x0;
	[sflag:s17] =	ssyncadd.s32 @!p0 $0xFFFFFF80;
	s17 =	simm.s32 $0x200  }
.LBB2_2:
0x4d: {  	[spmem:s2] =	stream.indirect.scatter.add.f32 [tilespmem:s12], [sflag:$0x1], $0x1, s18, s11, $0xb8;
	[tilespmem:$0x2D00] =	vst v63  }
0x4e: {  	s18 =	smov.u32 s17;
	p1 =	sne.s32 s17, $0x9A00  }
.Ltmp0:
0x4f: {  	s17 =	sadd.s32 $0x200, s17;
	(pc) =	sbr.rel @p1 .LBB2_2-.Ltmp0, $2  }
0x50: {  	_ =	sdelay $0x2  }
0x51: {  	s18 =	sshra.s32 s18, $0x2  }
0x52: {  	[spmem:s2] =	stream.indirect.scatter.add.f32 [tilespmem:s12], [sflag:$0x1], $0x1, s18, s11, $0xb8;
	[tilespmem:$0x2D00] =	vst v63  }
0x53: {  	s17 =	simm.s32 @!p0 $0x80;
	s18 =	simm.s32 @!p0 $0x2700;
	s19 =	simm.s32 @!p0 $0x2A00  }
0x54: {  	[spmem:s2] =	stream.indirect.scatter.add.f32 @!p0 [tilespmem:s19], [sflag:$0x1], $0x1, s18, s17, $0xb8;
	[tilespmem:$0x2D00] =	vst v63  }
0x55: {  	_ =	swait.ge [sflag:s13], $0x80  }
0x56: {  	s17 =	simm.s32 $0x4D;
	[sflag:s13] =	ssyncset.done $0x0  }
.LBB2_4:
0x57: {  	p1 =	sne.s32 s17, $0x1;
	s17 =	sadd.s32 $0xFFFFFFFF, s17;
	[sflag:s13] =	ssyncadd.s32 $0xFFFFFF80  }
.Ltmp1:
0x58: {  	(pc) =	sbr.rel @p1 .LBB2_4-.Ltmp1, $3  }
0x59: {  	_ =	sdelay $0x1  }
0x5a: {  	_ =	swait.ge [sflag:s13], $0x80  }
0x5b: {  	[sflag:s13] =	ssyncset.done $0x0  }
0x5c: {  	[sflag:s13] =	ssyncadd.s32 $0xFFFFFF80;
	s17 =	simm.s32 @!p0 $0x1  }
0x5d: {  	_ =	swait.ge @!p0 [sflag:s17], $0x80  }
0x5e: {  	s16 =	sadd.s32 $0x1, s16;
	[sflag:s17] =	ssyncset.done @!p0 $0x0  }
0x5f: {  	p1 =	sne.s32 s16, s8;
	[sflag:s17] =	ssyncadd.s32 @!p0 $0xFFFFFF80  }
.Ltmp2:
0x60: {  	[bflag:$0x0] =	sbarrier.arrive $0xFFFF;
	(pc) =	sbr.rel @p1 .LBB2_1-.Ltmp2, $4  }
0x61: {  	[hbm:s7], [sflag:s14] =	dma.local [spmem:s15], $0x50  }
0x62: {  	_ =	swait.ge [sflag:s10], $0x50  }
0x63: {  	[sflag:s10] =	ssyncset.done $0x0  }
0x64: {  	[sflag:s10] =	ssyncadd.s32 $0xFFFFFFB0  }
0x65: {  	_ =	sfence.sel $0x180000  }
0x66: {  	[bflag:$0x0] =	sbarrier.arrive $0xFFFF  }
0x67: {  	p0 =	sne.s32 s0, $0x0;
	_ =	strace $0x90000047  }
0x68: {  	s0 =	sadd.s32 @!p0 $0x100000, s1;
	[bflag:$0x2] =	sbarrier.arrive $0xFFFF  }
0x69: {  	[sflag:s0] =	ssyncadd.tile.s32 @!p0 $0x1;
	_ =	shalt  }
.Lfunc_end2:
_tile_overlayer_lowered:
.L_overlay_start_2:
0x6a: {  	(tag) =	ssettag $0x2  }
0x6b: {  	s0 =	rddreg [dreg:$0x0];
	s2 =	stileid.u32  }
0x6c: {  	s1 =	rddreg [dreg:$0x1];
	p0 =	sne.s32 s2, $0x0  }
0x6d: {  	s3 =	rddreg [dreg:$0x2];
	[bflag:$0x3] =	sbarrier.arrive $0xFFFF;
	s2 =	simm.s32 @!p0 $0x1C02  }
0x6e: {  	[timem:s3], [sflag:s2] =	dma.local @!p0 [hbm:s0], s1  }
0x6f: {  	s0 =	simm.s32 @!p0 $0x2  }
0x70: {  	_ =	swait.ge @!p0 [sflag:s0], s1  }
0x71: {  	s1 =	ssub.s32 @!p0 $0x0, s1;
	[sflag:s0] =	ssyncset.done @!p0 $0x0  }
0x72: {  	[sflag:s0] =	ssyncadd.s32 @!p0 s1  }
0x73: {  	[bflag:$0x3] =	sbarrier.arrive $0xFFFF  }
0x74: {  	_ =	shalt  }

</sc_bundles>
